<compile_context>
chip_gen: v7x
topology: tpu7x:2x2x1
jax: 0.10.2.dev20260603
libtpu: 0.0.44.dev20260713+nightly
codegen_flags: <defaults>
</compile_context>

<pallas_src>
import functools

import jax
import jax.numpy as jnp
from jax import lax
from jax.experimental import pallas as pl
from jax.experimental.pallas import tpu as pltpu
from jax.experimental.pallas import tpu_sc as plsc

N = 10000
NPAD = N
E = 320000
D = 128
DH = D // 2
NC = 2
NS = 16
CH = 80
EPT = E // NS
CPW = EPT // CH
NB = 6
D0 = CPW // 2
ZR = NPAD // NS
RMAIN = 624
RTAIL = N - NS * RMAIN


def _sc_agg_body(with_deg, *refs):
    i = 5 if with_deg else 4
    if with_deg:
        feats, src3, dst3, parts, degp = refs[:5]
    else:
        feats, src3, dst3, parts = refs[:4]
    src_v, dst_v = refs[i:i + 2]
    i += 2
    rows = refs[i:i + NB]
    i += NB
    if with_deg:
        ones_v, z16_v = refs[i:i + 2]
        i += 2
    acc_sh = refs[i]
    i += 1
    deg_sh_ = None
    if with_deg:
        deg_sh_ = refs[i]
        i += 1
    gsem = refs[i:i + NB]
    i += NB
    ssem = refs[i:i + NB]
    i += NB
    dsem = refs[i] if with_deg else None

    c = lax.axis_index("c")
    s = lax.axis_index("s")

    fview = feats.at[pl.ds(c, 2 * N - 1)]

    pltpu.async_copy(src3.at[s], src_v, gsem[0])
    pltpu.async_copy(dst3.at[s], dst_v, gsem[1])

    zvec = jnp.zeros((16,), jnp.float32)

    @pl.loop(0, CH)
    def _(i):
        for k in range(DH // 16):
            rows[0][i, pl.ds(k * 16, 16)] = zvec

    if with_deg:
        ovec = jnp.ones((16,), jnp.float32)

        @pl.loop(0, CH)
        def _(i):
            ones_v[i, pl.ds(0, 16)] = ovec
            z16_v[i, pl.ds(0, 16)] = zvec

    for q in range(ZR // CH):
        pltpu.async_copy(rows[0], acc_sh.at[pl.ds(s * ZR + q * CH, CH)],
                         ssem[0])
        if with_deg:
            pltpu.async_copy(z16_v, deg_sh_.at[pl.ds(s * ZR + q * CH, CH)],
                             ssem[1])
    _REM = ZR % CH
    if _REM:
        _qb = s * ZR + (ZR // CH) * CH
        pltpu.async_copy(rows[0].at[pl.ds(0, _REM)],
                         acc_sh.at[pl.ds(_qb, _REM)], ssem[0])
        if with_deg:
            pltpu.async_copy(z16_v.at[pl.ds(0, _REM)],
                             deg_sh_.at[pl.ds(_qb, _REM)], ssem[1])

    pltpu.make_async_copy(src3.at[s], src_v, gsem[0]).wait()
    pltpu.make_async_copy(dst3.at[s], dst_v, gsem[1]).wait()
    for q in range(ZR // CH):
        pltpu.make_async_copy(rows[0], acc_sh.at[pl.ds(s * ZR, CH)],
                              ssem[0]).wait()
        if with_deg:
            pltpu.make_async_copy(z16_v, deg_sh_.at[pl.ds(s * ZR, CH)],
                                  ssem[1]).wait()
    if _REM:
        pltpu.make_async_copy(rows[0].at[pl.ds(0, _REM)],
                              acc_sh.at[pl.ds(s * ZR, _REM)], ssem[0]).wait()
        if with_deg:
            pltpu.make_async_copy(z16_v.at[pl.ds(0, _REM)],
                                  deg_sh_.at[pl.ds(s * ZR, _REM)],
                                  ssem[1]).wait()

    plsc.subcore_barrier()

    def scat_issue(j, k):
        pltpu.async_copy(rows[k], acc_sh.at[dst_v.at[j]], ssem[k], add=True)
        if with_deg:
            do = (c == 0) == (j < D0)

            @pl.when(do)
            def _():
                pltpu.async_copy(ones_v, deg_sh_.at[dst_v.at[j]], dsem,
                                 add=True)

    def scat_wait(j, k):
        pltpu.make_async_copy(rows[k], acc_sh.at[dst_v.at[j]],
                              ssem[k]).wait()

    def gather(j, k):
        pltpu.async_copy(fview.at[src_v.at[j]], rows[k], gsem[k])

    def gwait(j, k):
        pltpu.make_async_copy(fview.at[src_v.at[j]], rows[k],
                              gsem[k]).wait()

    for k in range(NB):
        gather(k, k)

    @pl.loop(0, CPW, step=NB)
    def _(i):
        for k in range(NB):
            @pl.when(i + k < CPW)
            def _(k=k):
                gwait(i + k, k)
                scat_issue(i + k, k)
        for k in range(NB):
            @pl.when(i + k + NB < CPW)
            def _(k=k):
                scat_wait(i + k, k)
                gather(i + k + NB, k)

    for k in range(NB):
        scat_wait(0, k)

    if with_deg:
        @pl.loop(0, D0)
        def _(i):
            pltpu.make_async_copy(ones_v, deg_sh_.at[dst_v.at[0]],
                                  dsem).wait()

    plsc.subcore_barrier()

    base = s * RMAIN
    pltpu.sync_copy(acc_sh.at[pl.ds(base, RMAIN)],
                    parts.at[pl.ds(base, RMAIN), pl.ds(c * DH, DH)])
    if with_deg:
        pltpu.sync_copy(deg_sh_.at[pl.ds(base, RMAIN)],
                        degp.at[c, pl.ds(base, RMAIN)])

    @pl.when(s == NS - 1)
    def _():
        pltpu.sync_copy(acc_sh.at[pl.ds(NS * RMAIN, RTAIL)],
                        parts.at[pl.ds(NS * RMAIN, RTAIL),
                                 pl.ds(c * DH, DH)])
        if with_deg:
            pltpu.sync_copy(deg_sh_.at[pl.ds(NS * RMAIN, RTAIL)],
                            degp.at[c, pl.ds(NS * RMAIN, RTAIL)])


def _make_sc_agg(with_deg):
    mesh = plsc.VectorSubcoreMesh(core_axis_name="c", subcore_axis_name="s")
    out_type = [jax.ShapeDtypeStruct((N, D), jnp.float32)]
    if with_deg:
        out_type.append(jax.ShapeDtypeStruct((NC, N, 16), jnp.float32))
    scratch = [
        pltpu.VMEM((CPW, CH), jnp.int32),
        pltpu.VMEM((CPW, CH), jnp.int32),
    ]
    scratch += [pltpu.VMEM((CH, DH), jnp.float32) for _ in range(NB)]
    if with_deg:
        scratch += [pltpu.VMEM((CH, 16), jnp.float32),
                    pltpu.VMEM((CH, 16), jnp.float32)]
    scratch.append(pltpu.VMEM_SHARED((NPAD, DH), jnp.float32))
    if with_deg:
        scratch.append(pltpu.VMEM_SHARED((NPAD, 16), jnp.float32))
    scratch += [pltpu.SemaphoreType.DMA] * (2 * NB)
    if with_deg:
        scratch.append(pltpu.SemaphoreType.DMA)

    return pl.kernel(
        functools.partial(_sc_agg_body, with_deg),
        out_type=tuple(out_type) if len(out_type) > 1 else out_type[0],
        mesh=mesh,
        scratch_types=tuple(scratch),
        compiler_params=pltpu.CompilerParams(use_tc_tiling_on_sc=False),
    )


def _tc_mm_r_body(feat_ref, wr_ref, b_ref, out_ref):
    out_ref[...] = (lax.dot_general(feat_ref[...], wr_ref[...],
                                    (((1,), (1,)), ((), ())),
                                    preferred_element_type=jnp.float32)
                    + b_ref[...])


_tc_mm_r = pl.pallas_call(
    _tc_mm_r_body,
    out_shape=jax.ShapeDtypeStruct((N, D), jnp.float32),
)


def _tc_combine_body(act, p_ref, degp_ref, xr_ref, wl_ref, out_ref):
    deg = degp_ref[0, :, 0:1] + degp_ref[1, :, 0:1]
    agg = p_ref[...] / jnp.maximum(deg, 1.0)
    z = (lax.dot_general(agg, wl_ref[...], (((1,), (1,)), ((), ())),
                         preferred_element_type=jnp.float32)
         + xr_ref[...])
    if act == "relu":
        z = jnp.maximum(z, 0.0)
    else:
        m = jnp.max(z, axis=1, keepdims=True)
        z = z - (jnp.log(jnp.sum(jnp.exp(z - m), axis=1, keepdims=True)) + m)
    out_ref[...] = z


def _make_tc_combine(act):
    return pl.pallas_call(
        functools.partial(_tc_combine_body, act),
        out_shape=jax.ShapeDtypeStruct((N, D), jnp.float32),
    )


_sc_agg_deg = _make_sc_agg(True)
_sc_agg = _make_sc_agg(False)
_tc_relu = _make_tc_combine("relu")
_tc_lsm = _make_tc_combine("lsm")


def kernel(x, edge_index, W1_l, b1_l, W1_r, W2_l, b2_l, W2_r):
    ei = edge_index.astype(jnp.int32)
    src3 = (ei[0] * 2).reshape(NS, CPW, CH)
    dst3 = ei[1].reshape(NS, CPW, CH)
    b1 = b1_l.reshape(1, D)
    b2 = b2_l.reshape(1, D)

    xr1 = _tc_mm_r(x, W1_r, b1)
    p1, degp = _sc_agg_deg(x.reshape(NC * N, DH), src3, dst3)
    h = _tc_relu(p1, degp, xr1, W1_l)
    xr2 = _tc_mm_r(h, W2_r, b2)
    p2 = _sc_agg(h.reshape(NC * N, DH), src3, dst3)
    out = _tc_lsm(p2, degp, xr2, W2_l)
    return out

# --- scband reference (transcript-rebuilt; emitter-appended) ---
"""Pipeline reference for scband-graph-sage-6330781794594 (READ-ONLY COPY).

The authoritative reference and input builder live on the scoring server;
editing this copy changes nothing except your own understanding.
"""

import jax, jax.numpy as jnp
import numpy as np

N_NODES = 10000
N_EDGES = 320000
D_IN = 128
D_HID = 128
D_OUT = 128


def setup_inputs(seed: int = 0) -> dict:
    key = jax.random.key(seed)
    ks = jax.random.split(key, 8)
    x = jax.random.normal(ks[0], (N_NODES, D_IN), dtype=jnp.float32)
    edge_index = jax.random.randint(ks[1], (2, N_EDGES), 0, N_NODES, dtype=jnp.int64)
    s1 = 1.0 / np.sqrt(D_IN)
    s2 = 1.0 / np.sqrt(D_HID)
    W1_l = jax.random.uniform(ks[2], (D_HID, D_IN), jnp.float32, -s1, s1)
    b1_l = jnp.zeros((D_HID,), jnp.float32)
    W1_r = jax.random.uniform(ks[3], (D_HID, D_IN), jnp.float32, -s1, s1)
    W2_l = jax.random.uniform(ks[4], (D_OUT, D_HID), jnp.float32, -s2, s2)
    b2_l = jnp.zeros((D_OUT,), jnp.float32)
    W2_r = jax.random.uniform(ks[5], (D_OUT, D_HID), jnp.float32, -s2, s2)
    return {"x": x, "edge_index": edge_index, "W1_l": W1_l, "b1_l": b1_l, "W1_r": W1_r, "W2_l": W2_l, "b2_l": b2_l, "W2_r": W2_r}


def sage_conv(x, edge_index, W_l, b_l, W_r):
    # PyG SAGEConv (mean aggregation): out = lin_l(mean_j x_j) + lin_r(x_i)
    src = edge_index[0]
    dst = edge_index[1]
    n = x.shape[0]
    msgs = jnp.take(x, src, axis=0)
    agg = jax.ops.segment_sum(msgs, dst, num_segments=n)
    deg = jax.ops.segment_sum(jnp.ones((src.shape[0],), x.dtype), dst, num_segments=n)
    agg = agg / jnp.maximum(deg, 1.0)[:, None]
    return agg @ W_l.T + b_l + x @ W_r.T


def reference(x, edge_index, W1_l, b1_l, W1_r, W2_l, b2_l, W2_r):
    h = jax.nn.relu(sage_conv(x, edge_index, W1_l, b1_l, W1_r))
    out = sage_conv(h, edge_index, W2_l, b2_l, W2_r)
    return jax.nn.log_softmax(out, axis=1)

if __name__ == "__main__":
    import jax
    _d = setup_inputs()
    print(jax.jit(kernel)(*tuple(_d.values())))

</pallas_src>

<mosaic_0001>
#map = affine_map<(d0, d1) -> (0, 0)>
#map1 = affine_map<(d0, d1) -> (0, 0, 0)>
module attributes {stable_mosaic.version = 14 : i64} {
  func.func @_sc_agg_body(%arg0: i32, %arg1: i32, %arg2: memref<20000x64xf32, #tpu.memory_space<hbm>>, %arg3: memref<16x250x80xi32, #tpu.memory_space<hbm>>, %arg4: memref<16x250x80xi32, #tpu.memory_space<hbm>>, %arg5: memref<10000x128xf32, #tpu.memory_space<hbm>>, %arg6: memref<2x10000x16xf32, #tpu.memory_space<hbm>>, %arg7: memref<250x80xi32, #tpu.memory_space<vmem>>, %arg8: memref<250x80xi32, #tpu.memory_space<vmem>>, %arg9: memref<80x64xf32, #tpu.memory_space<vmem>>, %arg10: memref<80x64xf32, #tpu.memory_space<vmem>>, %arg11: memref<80x64xf32, #tpu.memory_space<vmem>>, %arg12: memref<80x64xf32, #tpu.memory_space<vmem>>, %arg13: memref<80x64xf32, #tpu.memory_space<vmem>>, %arg14: memref<80x64xf32, #tpu.memory_space<vmem>>, %arg15: memref<80x16xf32, #tpu.memory_space<vmem>>, %arg16: memref<80x16xf32, #tpu.memory_space<vmem>>, %arg17: memref<10000x64xf32, #tpu.memory_space<vmem_shared>>, %arg18: memref<10000x16xf32, #tpu.memory_space<vmem_shared>>, %arg19: memref<!tpu.dma_semaphore, #tpu.memory_space<semaphore_mem>>, %arg20: memref<!tpu.dma_semaphore, #tpu.memory_space<semaphore_mem>>, %arg21: memref<!tpu.dma_semaphore, #tpu.memory_space<semaphore_mem>>, %arg22: memref<!tpu.dma_semaphore, #tpu.memory_space<semaphore_mem>>, %arg23: memref<!tpu.dma_semaphore, #tpu.memory_space<semaphore_mem>>, %arg24: memref<!tpu.dma_semaphore, #tpu.memory_space<semaphore_mem>>, %arg25: memref<!tpu.dma_semaphore, #tpu.memory_space<semaphore_mem>>, %arg26: memref<!tpu.dma_semaphore, #tpu.memory_space<semaphore_mem>>, %arg27: memref<!tpu.dma_semaphore, #tpu.memory_space<semaphore_mem>>, %arg28: memref<!tpu.dma_semaphore, #tpu.memory_space<semaphore_mem>>, %arg29: memref<!tpu.dma_semaphore, #tpu.memory_space<semaphore_mem>>, %arg30: memref<!tpu.dma_semaphore, #tpu.memory_space<semaphore_mem>>, %arg31: memref<!tpu.dma_semaphore, #tpu.memory_space<semaphore_mem>>) attributes {dimension_semantics = [#tpu.dimension_semantics<core_parallel>, #tpu.dimension_semantics<subcore_parallel>], iteration_bounds = array<i64: 2, 16>, scalar_prefetch = 0 : i64, scratch_operands = 25 : i64, tpu.core_type = #tpu.core_type<sc_vector_subcore>, window_params = [{transform_indices = #map}, {transform_indices = #map1}, {transform_indices = #map1}, {transform_indices = #map}, {transform_indices = #map1}]} {
    %dma_start3A = arith.constant 0 : i32
    %dma_start3A_0 = arith.constant 0 : i32
    %dma_start3A_1 = tpu.memref_slice %arg3[%arg1, %dma_start3A, %dma_start3A_0] : memref<16x250x80xi32, #tpu.memory_space<hbm>> -> memref<1x250x80xi32, #tpu.memory_space<hbm>>
    %dma_start3A_2 = tpu.memref_squeeze %dma_start3A_1 : memref<1x250x80xi32, #tpu.memory_space<hbm>> -> memref<250x80xi32, #tpu.memory_space<hbm>>
    %dma_start3A_3 = arith.constant 0 : i32
    %dma_start3A_4 = arith.constant 0 : i32
    %dma_start3A_5 = tpu.memref_slice %arg3[%arg1, %dma_start3A_3, %dma_start3A_4] : memref<16x250x80xi32, #tpu.memory_space<hbm>> -> memref<1x250x80xi32, #tpu.memory_space<hbm>>
    %dma_start3A_6 = tpu.memref_squeeze %dma_start3A_5 : memref<1x250x80xi32, #tpu.memory_space<hbm>> -> memref<250x80xi32, #tpu.memory_space<hbm>>
    tpu.enqueue_dma source(%dma_start3A_6 : memref<250x80xi32, #tpu.memory_space<hbm>>) target(%arg7 : memref<250x80xi32, #tpu.memory_space<vmem>>) target_semaphore(%arg19 : memref<!tpu.dma_semaphore, #tpu.memory_space<semaphore_mem>>)
    %dma_start3A_7 = arith.constant 0 : i32
    %dma_start3A_8 = arith.constant 0 : i32
    %dma_start3A_9 = tpu.memref_slice %arg4[%arg1, %dma_start3A_7, %dma_start3A_8] : memref<16x250x80xi32, #tpu.memory_space<hbm>> -> memref<1x250x80xi32, #tpu.memory_space<hbm>>
    %dma_start3A_10 = tpu.memref_squeeze %dma_start3A_9 : memref<1x250x80xi32, #tpu.memory_space<hbm>> -> memref<250x80xi32, #tpu.memory_space<hbm>>
    %dma_start3A_11 = arith.constant 0 : i32
    %dma_start3A_12 = arith.constant 0 : i32
    %dma_start3A_13 = tpu.memref_slice %arg4[%arg1, %dma_start3A_11, %dma_start3A_12] : memref<16x250x80xi32, #tpu.memory_space<hbm>> -> memref<1x250x80xi32, #tpu.memory_space<hbm>>
    %dma_start3A_14 = tpu.memref_squeeze %dma_start3A_13 : memref<1x250x80xi32, #tpu.memory_space<hbm>> -> memref<250x80xi32, #tpu.memory_space<hbm>>
    tpu.enqueue_dma source(%dma_start3A_14 : memref<250x80xi32, #tpu.memory_space<hbm>>) target(%arg8 : memref<250x80xi32, #tpu.memory_space<vmem>>) target_semaphore(%arg20 : memref<!tpu.dma_semaphore, #tpu.memory_space<semaphore_mem>>)
    %broadcast_in_dim3A = arith.constant 0.000000e+00 : f32
    %broadcast_in_dim3A_15 = vector.broadcast %broadcast_in_dim3A : f32 to vector<16xf32>
    %scan3A = arith.constant 0 : i32
    %scan3A_16 = arith.constant 80 : i32
    %scan3A_17 = arith.addi %scan3A, %scan3A_16 : i32
    %scan3A_18 = arith.constant 1 : i32
    scf.for %scan3A_397 = %scan3A to %scan3A_17 step %scan3A_18  : i32 {
      %mul3A_398 = arith.constant 1 : i32
      %mul3A_399 = arith.muli %scan3A_397, %mul3A_398 : i32
      %add3A_400 = arith.constant 0 : i32
      %add3A_401 = arith.addi %add3A_400, %mul3A_399 : i32
      %swap3A = arith.index_cast %add3A_401 : i32 to index
      %swap3A_402 = arith.constant 0 : index
      %swap3A_403 = tpu.vector_load %arg9[%swap3A, %swap3A_402] {strides = array<i32>} : memref<80x64xf32, #tpu.memory_space<vmem>>, vector<1x16xf32>,
      %swap3A_404 = vector.shape_cast %swap3A_403 : vector<1x16xf32> to vector<16xf32>
      %swap3A_405 = vector.shape_cast %broadcast_in_dim3A_15 : vector<16xf32> to vector<1x16xf32>
      tpu.vector_store %arg9[%swap3A, %swap3A_402], %swap3A_405 {strides = array<i32>} : memref<80x64xf32, #tpu.memory_space<vmem>>, vector<1x16xf32>,
      %swap3A_406 = arith.index_cast %add3A_401 : i32 to index
      %swap3A_407 = arith.constant 16 : index
      %swap3A_408 = tpu.vector_load %arg9[%swap3A_406, %swap3A_407] {strides = array<i32>} : memref<80x64xf32, #tpu.memory_space<vmem>>, vector<1x16xf32>,
      %swap3A_409 = vector.shape_cast %swap3A_408 : vector<1x16xf32> to vector<16xf32>
      %swap3A_410 = vector.shape_cast %broadcast_in_dim3A_15 : vector<16xf32> to vector<1x16xf32>
      tpu.vector_store %arg9[%swap3A_406, %swap3A_407], %swap3A_410 {strides = array<i32>} : memref<80x64xf32, #tpu.memory_space<vmem>>, vector<1x16xf32>,
      %swap3A_411 = arith.index_cast %add3A_401 : i32 to index
      %swap3A_412 = arith.constant 32 : index
      %swap3A_413 = tpu.vector_load %arg9[%swap3A_411, %swap3A_412] {strides = array<i32>} : memref<80x64xf32, #tpu.memory_space<vmem>>, vector<1x16xf32>,
      %swap3A_414 = vector.shape_cast %swap3A_413 : vector<1x16xf32> to vector<16xf32>
      %swap3A_415 = vector.shape_cast %broadcast_in_dim3A_15 : vector<16xf32> to vector<1x16xf32>
      tpu.vector_store %arg9[%swap3A_411, %swap3A_412], %swap3A_415 {strides = array<i32>} : memref<80x64xf32, #tpu.memory_space<vmem>>, vector<1x16xf32>,
      %swap3A_416 = arith.index_cast %add3A_401 : i32 to index
      %swap3A_417 = arith.constant 48 : index
      %swap3A_418 = tpu.vector_load %arg9[%swap3A_416, %swap3A_417] {strides = array<i32>} : memref<80x64xf32, #tpu.memory_space<vmem>>, vector<1x16xf32>,
      %swap3A_419 = vector.shape_cast %swap3A_418 : vector<1x16xf32> to vector<16xf32>
      %swap3A_420 = vector.shape_cast %broadcast_in_dim3A_15 : vector<16xf32> to vector<1x16xf32>
      tpu.vector_store %arg9[%swap3A_416, %swap3A_417], %swap3A_420 {strides = array<i32>} : memref<80x64xf32, #tpu.memory_space<vmem>>, vector<1x16xf32>,
    }
    %scan3A_19 = arith.constant 80 : i32
    %broadcast_in_dim3A_20 = arith.constant 1.000000e+00 : f32
    %broadcast_in_dim3A_21 = vector.broadcast %broadcast_in_dim3A_20 : f32 to vector<16xf32>
    %scan3A_22 = arith.constant 0 : i32
    %scan3A_23 = arith.constant 80 : i32
    %scan3A_24 = arith.addi %scan3A_22, %scan3A_23 : i32
    %scan3A_25 = arith.constant 1 : i32
    scf.for %scan3A_397 = %scan3A_22 to %scan3A_24 step %scan3A_25  : i32 {
      %mul3A_398 = arith.constant 1 : i32
      %mul3A_399 = arith.muli %scan3A_397, %mul3A_398 : i32
      %add3A_400 = arith.constant 0 : i32
      %add3A_401 = arith.addi %add3A_400, %mul3A_399 : i32
      %swap3A = arith.index_cast %add3A_401 : i32 to index
      %swap3A_402 = arith.constant 0 : index
      %swap3A_403 = tpu.vector_load %arg15[%swap3A, %swap3A_402] {strides = array<i32>} : memref<80x16xf32, #tpu.memory_space<vmem>>, vector<1x16xf32>,
      %swap3A_404 = vector.shape_cast %swap3A_403 : vector<1x16xf32> to vector<16xf32>
      %swap3A_405 = vector.shape_cast %broadcast_in_dim3A_21 : vector<16xf32> to vector<1x16xf32>
      tpu.vector_store %arg15[%swap3A, %swap3A_402], %swap3A_405 {strides = array<i32>} : memref<80x16xf32, #tpu.memory_space<vmem>>, vector<1x16xf32>,
      %swap3A_406 = arith.index_cast %add3A_401 : i32 to index
      %swap3A_407 = arith.constant 0 : index
      %swap3A_408 = tpu.vector_load %arg16[%swap3A_406, %swap3A_407] {strides = array<i32>} : memref<80x16xf32, #tpu.memory_space<vmem>>, vector<1x16xf32>,
      %swap3A_409 = vector.shape_cast %swap3A_408 : vector<1x16xf32> to vector<16xf32>
      %swap3A_410 = vector.shape_cast %broadcast_in_dim3A_15 : vector<16xf32> to vector<1x16xf32>
      tpu.vector_store %arg16[%swap3A_406, %swap3A_407], %swap3A_410 {strides = array<i32>} : memref<80x16xf32, #tpu.memory_space<vmem>>, vector<1x16xf32>,
    }
    %scan3A_26 = arith.constant 80 : i32
    %mul3A = arith.constant 625 : i32
    %mul3A_27 = arith.muli %arg1, %mul3A : i32
    %add3A = arith.constant 0 : i32
    %add3A_28 = arith.addi %mul3A_27, %add3A : i32
    %dma_start3A_29 = arith.constant 0 : i32
    %dma_start3A_30 = tpu.memref_slice %arg17[%add3A_28, %dma_start3A_29] : memref<10000x64xf32, #tpu.memory_space<vmem_shared>> -> memref<80x64xf32, #tpu.memory_space<vmem_shared>>
    %dma_start3A_31 = arith.constant 0 : i32
    %dma_start3A_32 = tpu.memref_slice %arg17[%add3A_28, %dma_start3A_31] : memref<10000x64xf32, #tpu.memory_space<vmem_shared>> -> memref<80x64xf32, #tpu.memory_space<vmem_shared>>
    tpu.enqueue_dma source(%arg9 : memref<80x64xf32, #tpu.memory_space<vmem>>) target(%dma_start3A_32 : memref<80x64xf32, #tpu.memory_space<vmem_shared>>) target_semaphore(%arg25 : memref<!tpu.dma_semaphore, #tpu.memory_space<semaphore_mem>>)
    %mul3A_33 = arith.constant 625 : i32
    %mul3A_34 = arith.muli %arg1, %mul3A_33 : i32
    %add3A_35 = arith.constant 0 : i32
    %add3A_36 = arith.addi %mul3A_34, %add3A_35 : i32
    %dma_start3A_37 = arith.constant 0 : i32
    %dma_start3A_38 = tpu.memref_slice %arg18[%add3A_36, %dma_start3A_37] : memref<10000x16xf32, #tpu.memory_space<vmem_shared>> -> memref<80x16xf32, #tpu.memory_space<vmem_shared>>
    %dma_start3A_39 = arith.constant 0 : i32
    %dma_start3A_40 = tpu.memref_slice %arg18[%add3A_36, %dma_start3A_39] : memref<10000x16xf32, #tpu.memory_space<vmem_shared>> -> memref<80x16xf32, #tpu.memory_space<vmem_shared>>
    tpu.enqueue_dma source(%arg16 : memref<80x16xf32, #tpu.memory_space<vmem>>) target(%dma_start3A_40 : memref<80x16xf32, #tpu.memory_space<vmem_shared>>) target_semaphore(%arg26 : memref<!tpu.dma_semaphore, #tpu.memory_space<semaphore_mem>>)
    %mul3A_41 = arith.constant 625 : i32
    %mul3A_42 = arith.muli %arg1, %mul3A_41 : i32
    %add3A_43 = arith.constant 80 : i32
    %add3A_44 = arith.addi %mul3A_42, %add3A_43 : i32
    %dma_start3A_45 = arith.constant 0 : i32
    %dma_start3A_46 = tpu.memref_slice %arg17[%add3A_44, %dma_start3A_45] : memref<10000x64xf32, #tpu.memory_space<vmem_shared>> -> memref<80x64xf32, #tpu.memory_space<vmem_shared>>
    %dma_start3A_47 = arith.constant 0 : i32
    %dma_start3A_48 = tpu.memref_slice %arg17[%add3A_44, %dma_start3A_47] : memref<10000x64xf32, #tpu.memory_space<vmem_shared>> -> memref<80x64xf32, #tpu.memory_space<vmem_shared>>
    tpu.enqueue_dma source(%arg9 : memref<80x64xf32, #tpu.memory_space<vmem>>) target(%dma_start3A_48 : memref<80x64xf32, #tpu.memory_space<vmem_shared>>) target_semaphore(%arg25 : memref<!tpu.dma_semaphore, #tpu.memory_space<semaphore_mem>>)
    %mul3A_49 = arith.constant 625 : i32
    %mul3A_50 = arith.muli %arg1, %mul3A_49 : i32
    %add3A_51 = arith.constant 80 : i32
    %add3A_52 = arith.addi %mul3A_50, %add3A_51 : i32
    %dma_start3A_53 = arith.constant 0 : i32
    %dma_start3A_54 = tpu.memref_slice %arg18[%add3A_52, %dma_start3A_53] : memref<10000x16xf32, #tpu.memory_space<vmem_shared>> -> memref<80x16xf32, #tpu.memory_space<vmem_shared>>
    %dma_start3A_55 = arith.constant 0 : i32
    %dma_start3A_56 = tpu.memref_slice %arg18[%add3A_52, %dma_start3A_55] : memref<10000x16xf32, #tpu.memory_space<vmem_shared>> -> memref<80x16xf32, #tpu.memory_space<vmem_shared>>
    tpu.enqueue_dma source(%arg16 : memref<80x16xf32, #tpu.memory_space<vmem>>) target(%dma_start3A_56 : memref<80x16xf32, #tpu.memory_space<vmem_shared>>) target_semaphore(%arg26 : memref<!tpu.dma_semaphore, #tpu.memory_space<semaphore_mem>>)
    %mul3A_57 = arith.constant 625 : i32
    %mul3A_58 = arith.muli %arg1, %mul3A_57 : i32
    %add3A_59 = arith.constant 160 : i32
    %add3A_60 = arith.addi %mul3A_58, %add3A_59 : i32
    %dma_start3A_61 = arith.constant 0 : i32
    %dma_start3A_62 = tpu.memref_slice %arg17[%add3A_60, %dma_start3A_61] : memref<10000x64xf32, #tpu.memory_space<vmem_shared>> -> memref<80x64xf32, #tpu.memory_space<vmem_shared>>
    %dma_start3A_63 = arith.constant 0 : i32
    %dma_start3A_64 = tpu.memref_slice %arg17[%add3A_60, %dma_start3A_63] : memref<10000x64xf32, #tpu.memory_space<vmem_shared>> -> memref<80x64xf32, #tpu.memory_space<vmem_shared>>
    tpu.enqueue_dma source(%arg9 : memref<80x64xf32, #tpu.memory_space<vmem>>) target(%dma_start3A_64 : memref<80x64xf32, #tpu.memory_space<vmem_shared>>) target_semaphore(%arg25 : memref<!tpu.dma_semaphore, #tpu.memory_space<semaphore_mem>>)
    %mul3A_65 = arith.constant 625 : i32
    %mul3A_66 = arith.muli %arg1, %mul3A_65 : i32
    %add3A_67 = arith.constant 160 : i32
    %add3A_68 = arith.addi %mul3A_66, %add3A_67 : i32
    %dma_start3A_69 = arith.constant 0 : i32
    %dma_start3A_70 = tpu.memref_slice %arg18[%add3A_68, %dma_start3A_69] : memref<10000x16xf32, #tpu.memory_space<vmem_shared>> -> memref<80x16xf32, #tpu.memory_space<vmem_shared>>
    %dma_start3A_71 = arith.constant 0 : i32
    %dma_start3A_72 = tpu.memref_slice %arg18[%add3A_68, %dma_start3A_71] : memref<10000x16xf32, #tpu.memory_space<vmem_shared>> -> memref<80x16xf32, #tpu.memory_space<vmem_shared>>
    tpu.enqueue_dma source(%arg16 : memref<80x16xf32, #tpu.memory_space<vmem>>) target(%dma_start3A_72 : memref<80x16xf32, #tpu.memory_space<vmem_shared>>) target_semaphore(%arg26 : memref<!tpu.dma_semaphore, #tpu.memory_space<semaphore_mem>>)
    %mul3A_73 = arith.constant 625 : i32
    %mul3A_74 = arith.muli %arg1, %mul3A_73 : i32
    %add3A_75 = arith.constant 240 : i32
    %add3A_76 = arith.addi %mul3A_74, %add3A_75 : i32
    %dma_start3A_77 = arith.constant 0 : i32
    %dma_start3A_78 = tpu.memref_slice %arg17[%add3A_76, %dma_start3A_77] : memref<10000x64xf32, #tpu.memory_space<vmem_shared>> -> memref<80x64xf32, #tpu.memory_space<vmem_shared>>
    %dma_start3A_79 = arith.constant 0 : i32
    %dma_start3A_80 = tpu.memref_slice %arg17[%add3A_76, %dma_start3A_79] : memref<10000x64xf32, #tpu.memory_space<vmem_shared>> -> memref<80x64xf32, #tpu.memory_space<vmem_shared>>
    tpu.enqueue_dma source(%arg9 : memref<80x64xf32, #tpu.memory_space<vmem>>) target(%dma_start3A_80 : memref<80x64xf32, #tpu.memory_space<vmem_shared>>) target_semaphore(%arg25 : memref<!tpu.dma_semaphore, #tpu.memory_space<semaphore_mem>>)
    %mul3A_81 = arith.constant 625 : i32
    %mul3A_82 = arith.muli %arg1, %mul3A_81 : i32
    %add3A_83 = arith.constant 240 : i32
    %add3A_84 = arith.addi %mul3A_82, %add3A_83 : i32
    %dma_start3A_85 = arith.constant 0 : i32
    %dma_start3A_86 = tpu.memref_slice %arg18[%add3A_84, %dma_start3A_85] : memref<10000x16xf32, #tpu.memory_space<vmem_shared>> -> memref<80x16xf32, #tpu.memory_space<vmem_shared>>
    %dma_start3A_87 = arith.constant 0 : i32
    %dma_start3A_88 = tpu.memref_slice %arg18[%add3A_84, %dma_start3A_87] : memref<10000x16xf32, #tpu.memory_space<vmem_shared>> -> memref<80x16xf32, #tpu.memory_space<vmem_shared>>
    tpu.enqueue_dma source(%arg16 : memref<80x16xf32, #tpu.memory_space<vmem>>) target(%dma_start3A_88 : memref<80x16xf32, #tpu.memory_space<vmem_shared>>) target_semaphore(%arg26 : memref<!tpu.dma_semaphore, #tpu.memory_space<semaphore_mem>>)
    %mul3A_89 = arith.constant 625 : i32
    %mul3A_90 = arith.muli %arg1, %mul3A_89 : i32
    %add3A_91 = arith.constant 320 : i32
    %add3A_92 = arith.addi %mul3A_90, %add3A_91 : i32
    %dma_start3A_93 = arith.constant 0 : i32
    %dma_start3A_94 = tpu.memref_slice %arg17[%add3A_92, %dma_start3A_93] : memref<10000x64xf32, #tpu.memory_space<vmem_shared>> -> memref<80x64xf32, #tpu.memory_space<vmem_shared>>
    %dma_start3A_95 = arith.constant 0 : i32
    %dma_start3A_96 = tpu.memref_slice %arg17[%add3A_92, %dma_start3A_95] : memref<10000x64xf32, #tpu.memory_space<vmem_shared>> -> memref<80x64xf32, #tpu.memory_space<vmem_shared>>
    tpu.enqueue_dma source(%arg9 : memref<80x64xf32, #tpu.memory_space<vmem>>) target(%dma_start3A_96 : memref<80x64xf32, #tpu.memory_space<vmem_shared>>) target_semaphore(%arg25 : memref<!tpu.dma_semaphore, #tpu.memory_space<semaphore_mem>>)
    %mul3A_97 = arith.constant 625 : i32
    %mul3A_98 = arith.muli %arg1, %mul3A_97 : i32
    %add3A_99 = arith.constant 320 : i32
    %add3A_100 = arith.addi %mul3A_98, %add3A_99 : i32
    %dma_start3A_101 = arith.constant 0 : i32
    %dma_start3A_102 = tpu.memref_slice %arg18[%add3A_100, %dma_start3A_101] : memref<10000x16xf32, #tpu.memory_space<vmem_shared>> -> memref<80x16xf32, #tpu.memory_space<vmem_shared>>
    %dma_start3A_103 = arith.constant 0 : i32
    %dma_start3A_104 = tpu.memref_slice %arg18[%add3A_100, %dma_start3A_103] : memref<10000x16xf32, #tpu.memory_space<vmem_shared>> -> memref<80x16xf32, #tpu.memory_space<vmem_shared>>
    tpu.enqueue_dma source(%arg16 : memref<80x16xf32, #tpu.memory_space<vmem>>) target(%dma_start3A_104 : memref<80x16xf32, #tpu.memory_space<vmem_shared>>) target_semaphore(%arg26 : memref<!tpu.dma_semaphore, #tpu.memory_space<semaphore_mem>>)
    %mul3A_105 = arith.constant 625 : i32
    %mul3A_106 = arith.muli %arg1, %mul3A_105 : i32
    %add3A_107 = arith.constant 400 : i32
    %add3A_108 = arith.addi %mul3A_106, %add3A_107 : i32
    %dma_start3A_109 = arith.constant 0 : i32
    %dma_start3A_110 = tpu.memref_slice %arg17[%add3A_108, %dma_start3A_109] : memref<10000x64xf32, #tpu.memory_space<vmem_shared>> -> memref<80x64xf32, #tpu.memory_space<vmem_shared>>
    %dma_start3A_111 = arith.constant 0 : i32
    %dma_start3A_112 = tpu.memref_slice %arg17[%add3A_108, %dma_start3A_111] : memref<10000x64xf32, #tpu.memory_space<vmem_shared>> -> memref<80x64xf32, #tpu.memory_space<vmem_shared>>
    tpu.enqueue_dma source(%arg9 : memref<80x64xf32, #tpu.memory_space<vmem>>) target(%dma_start3A_112 : memref<80x64xf32, #tpu.memory_space<vmem_shared>>) target_semaphore(%arg25 : memref<!tpu.dma_semaphore, #tpu.memory_space<semaphore_mem>>)
    %mul3A_113 = arith.constant 625 : i32
    %mul3A_114 = arith.muli %arg1, %mul3A_113 : i32
    %add3A_115 = arith.constant 400 : i32
    %add3A_116 = arith.addi %mul3A_114, %add3A_115 : i32
    %dma_start3A_117 = arith.constant 0 : i32
    %dma_start3A_118 = tpu.memref_slice %arg18[%add3A_116, %dma_start3A_117] : memref<10000x16xf32, #tpu.memory_space<vmem_shared>> -> memref<80x16xf32, #tpu.memory_space<vmem_shared>>
    %dma_start3A_119 = arith.constant 0 : i32
    %dma_start3A_120 = tpu.memref_slice %arg18[%add3A_116, %dma_start3A_119] : memref<10000x16xf32, #tpu.memory_space<vmem_shared>> -> memref<80x16xf32, #tpu.memory_space<vmem_shared>>
    tpu.enqueue_dma source(%arg16 : memref<80x16xf32, #tpu.memory_space<vmem>>) target(%dma_start3A_120 : memref<80x16xf32, #tpu.memory_space<vmem_shared>>) target_semaphore(%arg26 : memref<!tpu.dma_semaphore, #tpu.memory_space<semaphore_mem>>)
    %mul3A_121 = arith.constant 625 : i32
    %mul3A_122 = arith.muli %arg1, %mul3A_121 : i32
    %add3A_123 = arith.constant 480 : i32
    %add3A_124 = arith.addi %mul3A_122, %add3A_123 : i32
    %dma_start3A_125 = arith.constant 0 : i32
    %dma_start3A_126 = tpu.memref_slice %arg17[%add3A_124, %dma_start3A_125] : memref<10000x64xf32, #tpu.memory_space<vmem_shared>> -> memref<80x64xf32, #tpu.memory_space<vmem_shared>>
    %dma_start3A_127 = arith.constant 0 : i32
    %dma_start3A_128 = tpu.memref_slice %arg17[%add3A_124, %dma_start3A_127] : memref<10000x64xf32, #tpu.memory_space<vmem_shared>> -> memref<80x64xf32, #tpu.memory_space<vmem_shared>>
    tpu.enqueue_dma source(%arg9 : memref<80x64xf32, #tpu.memory_space<vmem>>) target(%dma_start3A_128 : memref<80x64xf32, #tpu.memory_space<vmem_shared>>) target_semaphore(%arg25 : memref<!tpu.dma_semaphore, #tpu.memory_space<semaphore_mem>>)
    %mul3A_129 = arith.constant 625 : i32
    %mul3A_130 = arith.muli %arg1, %mul3A_129 : i32
    %add3A_131 = arith.constant 480 : i32
    %add3A_132 = arith.addi %mul3A_130, %add3A_131 : i32
    %dma_start3A_133 = arith.constant 0 : i32
    %dma_start3A_134 = tpu.memref_slice %arg18[%add3A_132, %dma_start3A_133] : memref<10000x16xf32, #tpu.memory_space<vmem_shared>> -> memref<80x16xf32, #tpu.memory_space<vmem_shared>>
    %dma_start3A_135 = arith.constant 0 : i32
    %dma_start3A_136 = tpu.memref_slice %arg18[%add3A_132, %dma_start3A_135] : memref<10000x16xf32, #tpu.memory_space<vmem_shared>> -> memref<80x16xf32, #tpu.memory_space<vmem_shared>>
    tpu.enqueue_dma source(%arg16 : memref<80x16xf32, #tpu.memory_space<vmem>>) target(%dma_start3A_136 : memref<80x16xf32, #tpu.memory_space<vmem_shared>>) target_semaphore(%arg26 : memref<!tpu.dma_semaphore, #tpu.memory_space<semaphore_mem>>)
    %mul3A_137 = arith.constant 625 : i32
    %mul3A_138 = arith.muli %arg1, %mul3A_137 : i32
    %add3A_139 = arith.constant 560 : i32
    %add3A_140 = arith.addi %mul3A_138, %add3A_139 : i32
    %dma_start3A_141 = arith.constant 0 : i32
    %dma_start3A_142 = arith.constant 0 : i32
    %dma_start3A_143 = tpu.memref_slice %arg9[%dma_start3A_141, %dma_start3A_142] : memref<80x64xf32, #tpu.memory_space<vmem>> -> memref<65x64xf32, #tpu.memory_space<vmem>>
    %dma_start3A_144 = arith.constant 0 : i32
    %dma_start3A_145 = tpu.memref_slice %arg17[%add3A_140, %dma_start3A_144] : memref<10000x64xf32, #tpu.memory_space<vmem_shared>> -> memref<65x64xf32, #tpu.memory_space<vmem_shared>>
    %dma_start3A_146 = arith.constant 0 : i32
    %dma_start3A_147 = tpu.memref_slice %arg17[%add3A_140, %dma_start3A_146] : memref<10000x64xf32, #tpu.memory_space<vmem_shared>> -> memref<65x64xf32, #tpu.memory_space<vmem_shared>>
    %dma_start3A_148 = arith.constant 0 : i32
    %dma_start3A_149 = arith.constant 0 : i32
    %dma_start3A_150 = tpu.memref_slice %arg9[%dma_start3A_148, %dma_start3A_149] : memref<80x64xf32, #tpu.memory_space<vmem>> -> memref<65x64xf32, #tpu.memory_space<vmem>>
    tpu.enqueue_dma source(%dma_start3A_150 : memref<65x64xf32, #tpu.memory_space<vmem>>) target(%dma_start3A_147 : memref<65x64xf32, #tpu.memory_space<vmem_shared>>) target_semaphore(%arg25 : memref<!tpu.dma_semaphore, #tpu.memory_space<semaphore_mem>>)
    %dma_start3A_151 = arith.constant 0 : i32
    %dma_start3A_152 = arith.constant 0 : i32
    %dma_start3A_153 = tpu.memref_slice %arg16[%dma_start3A_151, %dma_start3A_152] : memref<80x16xf32, #tpu.memory_space<vmem>> -> memref<65x16xf32, #tpu.memory_space<vmem>>
    %dma_start3A_154 = arith.constant 0 : i32
    %dma_start3A_155 = tpu.memref_slice %arg18[%add3A_140, %dma_start3A_154] : memref<10000x16xf32, #tpu.memory_space<vmem_shared>> -> memref<65x16xf32, #tpu.memory_space<vmem_shared>>
    %dma_start3A_156 = arith.constant 0 : i32
    %dma_start3A_157 = tpu.memref_slice %arg18[%add3A_140, %dma_start3A_156] : memref<10000x16xf32, #tpu.memory_space<vmem_shared>> -> memref<65x16xf32, #tpu.memory_space<vmem_shared>>
    %dma_start3A_158 = arith.constant 0 : i32
    %dma_start3A_159 = arith.constant 0 : i32
    %dma_start3A_160 = tpu.memref_slice %arg16[%dma_start3A_158, %dma_start3A_159] : memref<80x16xf32, #tpu.memory_space<vmem>> -> memref<65x16xf32, #tpu.memory_space<vmem>>
    tpu.enqueue_dma source(%dma_start3A_160 : memref<65x16xf32, #tpu.memory_space<vmem>>) target(%dma_start3A_157 : memref<65x16xf32, #tpu.memory_space<vmem_shared>>) target_semaphore(%arg26 : memref<!tpu.dma_semaphore, #tpu.memory_space<semaphore_mem>>)
    %dma_wait3A = arith.constant 0 : i32
    %dma_wait3A_161 = arith.constant 0 : i32
    %dma_wait3A_162 = tpu.memref_slice %arg3[%arg1, %dma_wait3A, %dma_wait3A_161] : memref<16x250x80xi32, #tpu.memory_space<hbm>> -> memref<1x250x80xi32, #tpu.memory_space<hbm>>
    %dma_wait3A_163 = tpu.memref_squeeze %dma_wait3A_162 : memref<1x250x80xi32, #tpu.memory_space<hbm>> -> memref<250x80xi32, #tpu.memory_space<hbm>>
    %dma_wait3A_164 = arith.constant 0 : i32
    %dma_wait3A_165 = arith.constant 0 : i32
    %dma_wait3A_166 = tpu.memref_slice %arg3[%arg1, %dma_wait3A_164, %dma_wait3A_165] : memref<16x250x80xi32, #tpu.memory_space<hbm>> -> memref<1x250x80xi32, #tpu.memory_space<hbm>>
    %dma_wait3A_167 = tpu.memref_squeeze %dma_wait3A_166 : memref<1x250x80xi32, #tpu.memory_space<hbm>> -> memref<250x80xi32, #tpu.memory_space<hbm>>
    tpu.wait_dma2 semaphore(%arg19 : memref<!tpu.dma_semaphore, #tpu.memory_space<semaphore_mem>>) src(%dma_wait3A_167 : memref<250x80xi32, #tpu.memory_space<hbm>>) dst(%arg7 : memref<250x80xi32, #tpu.memory_space<vmem>>)
    %dma_wait3A_168 = arith.constant 0 : i32
    %dma_wait3A_169 = arith.constant 0 : i32
    %dma_wait3A_170 = tpu.memref_slice %arg4[%arg1, %dma_wait3A_168, %dma_wait3A_169] : memref<16x250x80xi32, #tpu.memory_space<hbm>> -> memref<1x250x80xi32, #tpu.memory_space<hbm>>
    %dma_wait3A_171 = tpu.memref_squeeze %dma_wait3A_170 : memref<1x250x80xi32, #tpu.memory_space<hbm>> -> memref<250x80xi32, #tpu.memory_space<hbm>>
    %dma_wait3A_172 = arith.constant 0 : i32
    %dma_wait3A_173 = arith.constant 0 : i32
    %dma_wait3A_174 = tpu.memref_slice %arg4[%arg1, %dma_wait3A_172, %dma_wait3A_173] : memref<16x250x80xi32, #tpu.memory_space<hbm>> -> memref<1x250x80xi32, #tpu.memory_space<hbm>>
    %dma_wait3A_175 = tpu.memref_squeeze %dma_wait3A_174 : memref<1x250x80xi32, #tpu.memory_space<hbm>> -> memref<250x80xi32, #tpu.memory_space<hbm>>
    tpu.wait_dma2 semaphore(%arg20 : memref<!tpu.dma_semaphore, #tpu.memory_space<semaphore_mem>>) src(%dma_wait3A_175 : memref<250x80xi32, #tpu.memory_space<hbm>>) dst(%arg8 : memref<250x80xi32, #tpu.memory_space<vmem>>)
    %mul3A_176 = arith.constant 625 : i32
    %mul3A_177 = arith.muli %arg1, %mul3A_176 : i32
    %dma_wait3A_178 = arith.constant 0 : i32
    %dma_wait3A_179 = tpu.memref_slice %arg17[%mul3A_177, %dma_wait3A_178] : memref<10000x64xf32, #tpu.memory_space<vmem_shared>> -> memref<80x64xf32, #tpu.memory_space<vmem_shared>>
    %dma_wait3A_180 = arith.constant 0 : i32
    %dma_wait3A_181 = tpu.memref_slice %arg17[%mul3A_177, %dma_wait3A_180] : memref<10000x64xf32, #tpu.memory_space<vmem_shared>> -> memref<80x64xf32, #tpu.memory_space<vmem_shared>>
    tpu.wait_dma2 semaphore(%arg25 : memref<!tpu.dma_semaphore, #tpu.memory_space<semaphore_mem>>) src(%arg9 : memref<80x64xf32, #tpu.memory_space<vmem>>) dst(%dma_wait3A_181 : memref<80x64xf32, #tpu.memory_space<vmem_shared>>)
    %mul3A_182 = arith.constant 625 : i32
    %mul3A_183 = arith.muli %arg1, %mul3A_182 : i32
    %dma_wait3A_184 = arith.constant 0 : i32
    %dma_wait3A_185 = tpu.memref_slice %arg18[%mul3A_183, %dma_wait3A_184] : memref<10000x16xf32, #tpu.memory_space<vmem_shared>> -> memref<80x16xf32, #tpu.memory_space<vmem_shared>>
    %dma_wait3A_186 = arith.constant 0 : i32
    %dma_wait3A_187 = tpu.memref_slice %arg18[%mul3A_183, %dma_wait3A_186] : memref<10000x16xf32, #tpu.memory_space<vmem_shared>> -> memref<80x16xf32, #tpu.memory_space<vmem_shared>>
    tpu.wait_dma2 semaphore(%arg26 : memref<!tpu.dma_semaphore, #tpu.memory_space<semaphore_mem>>) src(%arg16 : memref<80x16xf32, #tpu.memory_space<vmem>>) dst(%dma_wait3A_187 : memref<80x16xf32, #tpu.memory_space<vmem_shared>>)
    %mul3A_188 = arith.constant 625 : i32
    %mul3A_189 = arith.muli %arg1, %mul3A_188 : i32
    %dma_wait3A_190 = arith.constant 0 : i32
    %dma_wait3A_191 = tpu.memref_slice %arg17[%mul3A_189, %dma_wait3A_190] : memref<10000x64xf32, #tpu.memory_space<vmem_shared>> -> memref<80x64xf32, #tpu.memory_space<vmem_shared>>
    %dma_wait3A_192 = arith.constant 0 : i32
    %dma_wait3A_193 = tpu.memref_slice %arg17[%mul3A_189, %dma_wait3A_192] : memref<10000x64xf32, #tpu.memory_space<vmem_shared>> -> memref<80x64xf32, #tpu.memory_space<vmem_shared>>
    tpu.wait_dma2 semaphore(%arg25 : memref<!tpu.dma_semaphore, #tpu.memory_space<semaphore_mem>>) src(%arg9 : memref<80x64xf32, #tpu.memory_space<vmem>>) dst(%dma_wait3A_193 : memref<80x64xf32, #tpu.memory_space<vmem_shared>>)
    %mul3A_194 = arith.constant 625 : i32
    %mul3A_195 = arith.muli %arg1, %mul3A_194 : i32
    %dma_wait3A_196 = arith.constant 0 : i32
    %dma_wait3A_197 = tpu.memref_slice %arg18[%mul3A_195, %dma_wait3A_196] : memref<10000x16xf32, #tpu.memory_space<vmem_shared>> -> memref<80x16xf32, #tpu.memory_space<vmem_shared>>
    %dma_wait3A_198 = arith.constant 0 : i32
    %dma_wait3A_199 = tpu.memref_slice %arg18[%mul3A_195, %dma_wait3A_198] : memref<10000x16xf32, #tpu.memory_space<vmem_shared>> -> memref<80x16xf32, #tpu.memory_space<vmem_shared>>
    tpu.wait_dma2 semaphore(%arg26 : memref<!tpu.dma_semaphore, #tpu.memory_space<semaphore_mem>>) src(%arg16 : memref<80x16xf32, #tpu.memory_space<vmem>>) dst(%dma_wait3A_199 : memref<80x16xf32, #tpu.memory_space<vmem_shared>>)
    %mul3A_200 = arith.constant 625 : i32
    %mul3A_201 = arith.muli %arg1, %mul3A_200 : i32
    %dma_wait3A_202 = arith.constant 0 : i32
    %dma_wait3A_203 = tpu.memref_slice %arg17[%mul3A_201, %dma_wait3A_202] : memref<10000x64xf32, #tpu.memory_space<vmem_shared>> -> memref<80x64xf32, #tpu.memory_space<vmem_shared>>
    %dma_wait3A_204 = arith.constant 0 : i32
    %dma_wait3A_205 = tpu.memref_slice %arg17[%mul3A_201, %dma_wait3A_204] : memref<10000x64xf32, #tpu.memory_space<vmem_shared>> -> memref<80x64xf32, #tpu.memory_space<vmem_shared>>
    tpu.wait_dma2 semaphore(%arg25 : memref<!tpu.dma_semaphore, #tpu.memory_space<semaphore_mem>>) src(%arg9 : memref<80x64xf32, #tpu.memory_space<vmem>>) dst(%dma_wait3A_205 : memref<80x64xf32, #tpu.memory_space<vmem_shared>>)
    %mul3A_206 = arith.constant 625 : i32
    %mul3A_207 = arith.muli %arg1, %mul3A_206 : i32
    %dma_wait3A_208 = arith.constant 0 : i32
    %dma_wait3A_209 = tpu.memref_slice %arg18[%mul3A_207, %dma_wait3A_208] : memref<10000x16xf32, #tpu.memory_space<vmem_shared>> -> memref<80x16xf32, #tpu.memory_space<vmem_shared>>
    %dma_wait3A_210 = arith.constant 0 : i32
    %dma_wait3A_211 = tpu.memref_slice %arg18[%mul3A_207, %dma_wait3A_210] : memref<10000x16xf32, #tpu.memory_space<vmem_shared>> -> memref<80x16xf32, #tpu.memory_space<vmem_shared>>
    tpu.wait_dma2 semaphore(%arg26 : memref<!tpu.dma_semaphore, #tpu.memory_space<semaphore_mem>>) src(%arg16 : memref<80x16xf32, #tpu.memory_space<vmem>>) dst(%dma_wait3A_211 : memref<80x16xf32, #tpu.memory_space<vmem_shared>>)
    %mul3A_212 = arith.constant 625 : i32
    %mul3A_213 = arith.muli %arg1, %mul3A_212 : i32
    %dma_wait3A_214 = arith.constant 0 : i32
    %dma_wait3A_215 = tpu.memref_slice %arg17[%mul3A_213, %dma_wait3A_214] : memref<10000x64xf32, #tpu.memory_space<vmem_shared>> -> memref<80x64xf32, #tpu.memory_space<vmem_shared>>
    %dma_wait3A_216 = arith.constant 0 : i32
    %dma_wait3A_217 = tpu.memref_slice %arg17[%mul3A_213, %dma_wait3A_216] : memref<10000x64xf32, #tpu.memory_space<vmem_shared>> -> memref<80x64xf32, #tpu.memory_space<vmem_shared>>
    tpu.wait_dma2 semaphore(%arg25 : memref<!tpu.dma_semaphore, #tpu.memory_space<semaphore_mem>>) src(%arg9 : memref<80x64xf32, #tpu.memory_space<vmem>>) dst(%dma_wait3A_217 : memref<80x64xf32, #tpu.memory_space<vmem_shared>>)
    %mul3A_218 = arith.constant 625 : i32
    %mul3A_219 = arith.muli %arg1, %mul3A_218 : i32
    %dma_wait3A_220 = arith.constant 0 : i32
    %dma_wait3A_221 = tpu.memref_slice %arg18[%mul3A_219, %dma_wait3A_220] : memref<10000x16xf32, #tpu.memory_space<vmem_shared>> -> memref<80x16xf32, #tpu.memory_space<vmem_shared>>
    %dma_wait3A_222 = arith.constant 0 : i32
    %dma_wait3A_223 = tpu.memref_slice %arg18[%mul3A_219, %dma_wait3A_222] : memref<10000x16xf32, #tpu.memory_space<vmem_shared>> -> memref<80x16xf32, #tpu.memory_space<vmem_shared>>
    tpu.wait_dma2 semaphore(%arg26 : memref<!tpu.dma_semaphore, #tpu.memory_space<semaphore_mem>>) src(%arg16 : memref<80x16xf32, #tpu.memory_space<vmem>>) dst(%dma_wait3A_223 : memref<80x16xf32, #tpu.memory_space<vmem_shared>>)
    %mul3A_224 = arith.constant 625 : i32
    %mul3A_225 = arith.muli %arg1, %mul3A_224 : i32
    %dma_wait3A_226 = arith.constant 0 : i32
    %dma_wait3A_227 = tpu.memref_slice %arg17[%mul3A_225, %dma_wait3A_226] : memref<10000x64xf32, #tpu.memory_space<vmem_shared>> -> memref<80x64xf32, #tpu.memory_space<vmem_shared>>
    %dma_wait3A_228 = arith.constant 0 : i32
    %dma_wait3A_229 = tpu.memref_slice %arg17[%mul3A_225, %dma_wait3A_228] : memref<10000x64xf32, #tpu.memory_space<vmem_shared>> -> memref<80x64xf32, #tpu.memory_space<vmem_shared>>
    tpu.wait_dma2 semaphore(%arg25 : memref<!tpu.dma_semaphore, #tpu.memory_space<semaphore_mem>>) src(%arg9 : memref<80x64xf32, #tpu.memory_space<vmem>>) dst(%dma_wait3A_229 : memref<80x64xf32, #tpu.memory_space<vmem_shared>>)
    %mul3A_230 = arith.constant 625 : i32
    %mul3A_231 = arith.muli %arg1, %mul3A_230 : i32
    %dma_wait3A_232 = arith.constant 0 : i32
    %dma_wait3A_233 = tpu.memref_slice %arg18[%mul3A_231, %dma_wait3A_232] : memref<10000x16xf32, #tpu.memory_space<vmem_shared>> -> memref<80x16xf32, #tpu.memory_space<vmem_shared>>
    %dma_wait3A_234 = arith.constant 0 : i32
    %dma_wait3A_235 = tpu.memref_slice %arg18[%mul3A_231, %dma_wait3A_234] : memref<10000x16xf32, #tpu.memory_space<vmem_shared>> -> memref<80x16xf32, #tpu.memory_space<vmem_shared>>
    tpu.wait_dma2 semaphore(%arg26 : memref<!tpu.dma_semaphore, #tpu.memory_space<semaphore_mem>>) src(%arg16 : memref<80x16xf32, #tpu.memory_space<vmem>>) dst(%dma_wait3A_235 : memref<80x16xf32, #tpu.memory_space<vmem_shared>>)
    %mul3A_236 = arith.constant 625 : i32
    %mul3A_237 = arith.muli %arg1, %mul3A_236 : i32
    %dma_wait3A_238 = arith.constant 0 : i32
    %dma_wait3A_239 = tpu.memref_slice %arg17[%mul3A_237, %dma_wait3A_238] : memref<10000x64xf32, #tpu.memory_space<vmem_shared>> -> memref<80x64xf32, #tpu.memory_space<vmem_shared>>
    %dma_wait3A_240 = arith.constant 0 : i32
    %dma_wait3A_241 = tpu.memref_slice %arg17[%mul3A_237, %dma_wait3A_240] : memref<10000x64xf32, #tpu.memory_space<vmem_shared>> -> memref<80x64xf32, #tpu.memory_space<vmem_shared>>
    tpu.wait_dma2 semaphore(%arg25 : memref<!tpu.dma_semaphore, #tpu.memory_space<semaphore_mem>>) src(%arg9 : memref<80x64xf32, #tpu.memory_space<vmem>>) dst(%dma_wait3A_241 : memref<80x64xf32, #tpu.memory_space<vmem_shared>>)
    %mul3A_242 = arith.constant 625 : i32
    %mul3A_243 = arith.muli %arg1, %mul3A_242 : i32
    %dma_wait3A_244 = arith.constant 0 : i32
    %dma_wait3A_245 = tpu.memref_slice %arg18[%mul3A_243, %dma_wait3A_244] : memref<10000x16xf32, #tpu.memory_space<vmem_shared>> -> memref<80x16xf32, #tpu.memory_space<vmem_shared>>
    %dma_wait3A_246 = arith.constant 0 : i32
    %dma_wait3A_247 = tpu.memref_slice %arg18[%mul3A_243, %dma_wait3A_246] : memref<10000x16xf32, #tpu.memory_space<vmem_shared>> -> memref<80x16xf32, #tpu.memory_space<vmem_shared>>
    tpu.wait_dma2 semaphore(%arg26 : memref<!tpu.dma_semaphore, #tpu.memory_space<semaphore_mem>>) src(%arg16 : memref<80x16xf32, #tpu.memory_space<vmem>>) dst(%dma_wait3A_247 : memref<80x16xf32, #tpu.memory_space<vmem_shared>>)
    %mul3A_248 = arith.constant 625 : i32
    %mul3A_249 = arith.muli %arg1, %mul3A_248 : i32
    %dma_wait3A_250 = arith.constant 0 : i32
    %dma_wait3A_251 = tpu.memref_slice %arg17[%mul3A_249, %dma_wait3A_250] : memref<10000x64xf32, #tpu.memory_space<vmem_shared>> -> memref<80x64xf32, #tpu.memory_space<vmem_shared>>
    %dma_wait3A_252 = arith.constant 0 : i32
    %dma_wait3A_253 = tpu.memref_slice %arg17[%mul3A_249, %dma_wait3A_252] : memref<10000x64xf32, #tpu.memory_space<vmem_shared>> -> memref<80x64xf32, #tpu.memory_space<vmem_shared>>
    tpu.wait_dma2 semaphore(%arg25 : memref<!tpu.dma_semaphore, #tpu.memory_space<semaphore_mem>>) src(%arg9 : memref<80x64xf32, #tpu.memory_space<vmem>>) dst(%dma_wait3A_253 : memref<80x64xf32, #tpu.memory_space<vmem_shared>>)
    %mul3A_254 = arith.constant 625 : i32
    %mul3A_255 = arith.muli %arg1, %mul3A_254 : i32
    %dma_wait3A_256 = arith.constant 0 : i32
    %dma_wait3A_257 = tpu.memref_slice %arg18[%mul3A_255, %dma_wait3A_256] : memref<10000x16xf32, #tpu.memory_space<vmem_shared>> -> memref<80x16xf32, #tpu.memory_space<vmem_shared>>
    %dma_wait3A_258 = arith.constant 0 : i32
    %dma_wait3A_259 = tpu.memref_slice %arg18[%mul3A_255, %dma_wait3A_258] : memref<10000x16xf32, #tpu.memory_space<vmem_shared>> -> memref<80x16xf32, #tpu.memory_space<vmem_shared>>
    tpu.wait_dma2 semaphore(%arg26 : memref<!tpu.dma_semaphore, #tpu.memory_space<semaphore_mem>>) src(%arg16 : memref<80x16xf32, #tpu.memory_space<vmem>>) dst(%dma_wait3A_259 : memref<80x16xf32, #tpu.memory_space<vmem_shared>>)
    %mul3A_260 = arith.constant 625 : i32
    %mul3A_261 = arith.muli %arg1, %mul3A_260 : i32
    %dma_wait3A_262 = arith.constant 0 : i32
    %dma_wait3A_263 = arith.constant 0 : i32
    %dma_wait3A_264 = tpu.memref_slice %arg9[%dma_wait3A_262, %dma_wait3A_263] : memref<80x64xf32, #tpu.memory_space<vmem>> -> memref<65x64xf32, #tpu.memory_space<vmem>>
    %dma_wait3A_265 = arith.constant 0 : i32
    %dma_wait3A_266 = tpu.memref_slice %arg17[%mul3A_261, %dma_wait3A_265] : memref<10000x64xf32, #tpu.memory_space<vmem_shared>> -> memref<65x64xf32, #tpu.memory_space<vmem_shared>>
    %dma_wait3A_267 = arith.constant 0 : i32
    %dma_wait3A_268 = tpu.memref_slice %arg17[%mul3A_261, %dma_wait3A_267] : memref<10000x64xf32, #tpu.memory_space<vmem_shared>> -> memref<65x64xf32, #tpu.memory_space<vmem_shared>>
    %dma_wait3A_269 = arith.constant 0 : i32
    %dma_wait3A_270 = arith.constant 0 : i32
    %dma_wait3A_271 = tpu.memref_slice %arg9[%dma_wait3A_269, %dma_wait3A_270] : memref<80x64xf32, #tpu.memory_space<vmem>> -> memref<65x64xf32, #tpu.memory_space<vmem>>
    tpu.wait_dma2 semaphore(%arg25 : memref<!tpu.dma_semaphore, #tpu.memory_space<semaphore_mem>>) src(%dma_wait3A_271 : memref<65x64xf32, #tpu.memory_space<vmem>>) dst(%dma_wait3A_268 : memref<65x64xf32, #tpu.memory_space<vmem_shared>>)
    %mul3A_272 = arith.constant 625 : i32
    %mul3A_273 = arith.muli %arg1, %mul3A_272 : i32
    %dma_wait3A_274 = arith.constant 0 : i32
    %dma_wait3A_275 = arith.constant 0 : i32
    %dma_wait3A_276 = tpu.memref_slice %arg16[%dma_wait3A_274, %dma_wait3A_275] : memref<80x16xf32, #tpu.memory_space<vmem>> -> memref<65x16xf32, #tpu.memory_space<vmem>>
    %dma_wait3A_277 = arith.constant 0 : i32
    %dma_wait3A_278 = tpu.memref_slice %arg18[%mul3A_273, %dma_wait3A_277] : memref<10000x16xf32, #tpu.memory_space<vmem_shared>> -> memref<65x16xf32, #tpu.memory_space<vmem_shared>>
    %dma_wait3A_279 = arith.constant 0 : i32
    %dma_wait3A_280 = tpu.memref_slice %arg18[%mul3A_273, %dma_wait3A_279] : memref<10000x16xf32, #tpu.memory_space<vmem_shared>> -> memref<65x16xf32, #tpu.memory_space<vmem_shared>>
    %dma_wait3A_281 = arith.constant 0 : i32
    %dma_wait3A_282 = arith.constant 0 : i32
    %dma_wait3A_283 = tpu.memref_slice %arg16[%dma_wait3A_281, %dma_wait3A_282] : memref<80x16xf32, #tpu.memory_space<vmem>> -> memref<65x16xf32, #tpu.memory_space<vmem>>
    tpu.wait_dma2 semaphore(%arg26 : memref<!tpu.dma_semaphore, #tpu.memory_space<semaphore_mem>>) src(%dma_wait3A_283 : memref<65x16xf32, #tpu.memory_space<vmem>>) dst(%dma_wait3A_280 : memref<65x16xf32, #tpu.memory_space<vmem_shared>>)
    %barrier3A = arith.constant 0 : index
    tpu.barrier barrier_id(%barrier3A)
    %dma_start3A_284 = arith.constant 0 : i32
    %dma_start3A_285 = arith.constant 0 : i32
    %dma_start3A_286 = tpu.memref_slice %arg7[%dma_start3A_284, %dma_start3A_285] : memref<250x80xi32, #tpu.memory_space<vmem>> -> memref<1x80xi32, #tpu.memory_space<vmem>>
    %dma_start3A_287 = tpu.memref_squeeze %dma_start3A_286 : memref<1x80xi32, #tpu.memory_space<vmem>> -> memref<80xi32, #tpu.memory_space<vmem>>
    %dma_start3A_288 = arith.constant 0 : i32
    %dma_start3A_289 = tpu.memref_slice %arg2[%arg0, %dma_start3A_288] : memref<20000x64xf32, #tpu.memory_space<hbm>> -> memref<19999x64xf32, #tpu.memory_space<hbm>>
    %dma_start3A_290 = arith.constant 0 : i32
    %dma_start3A_291 = arith.constant 0 : i32
    %dma_start3A_292 = tpu.memref_slice %dma_start3A_289[%dma_start3A_290, %dma_start3A_291] : memref<19999x64xf32, #tpu.memory_space<hbm>> -> memref<19999x64xf32, #tpu.memory_space<hbm>>
    tpu.enqueue_indirect_dma source(%dma_start3A_292 : memref<19999x64xf32, #tpu.memory_space<hbm>>) target(%arg9 : memref<80x64xf32, #tpu.memory_space<vmem>>) offsets(%dma_start3A_287 : memref<80xi32, #tpu.memory_space<vmem>>) semaphore(%arg19 : memref<!tpu.dma_semaphore, #tpu.memory_space<semaphore_mem>>)
    %dma_start3A_293 = arith.constant 1 : i32
    %dma_start3A_294 = arith.constant 0 : i32
    %dma_start3A_295 = tpu.memref_slice %arg7[%dma_start3A_293, %dma_start3A_294] : memref<250x80xi32, #tpu.memory_space<vmem>> -> memref<1x80xi32, #tpu.memory_space<vmem>>
    %dma_start3A_296 = tpu.memref_squeeze %dma_start3A_295 : memref<1x80xi32, #tpu.memory_space<vmem>> -> memref<80xi32, #tpu.memory_space<vmem>>
    %dma_start3A_297 = arith.constant 0 : i32
    %dma_start3A_298 = tpu.memref_slice %arg2[%arg0, %dma_start3A_297] : memref<20000x64xf32, #tpu.memory_space<hbm>> -> memref<19999x64xf32, #tpu.memory_space<hbm>>
    %dma_start3A_299 = arith.constant 0 : i32
    %dma_start3A_300 = arith.constant 0 : i32
    %dma_start3A_301 = tpu.memref_slice %dma_start3A_298[%dma_start3A_299, %dma_start3A_300] : memref<19999x64xf32, #tpu.memory_space<hbm>> -> memref<19999x64xf32, #tpu.memory_space<hbm>>
    tpu.enqueue_indirect_dma source(%dma_start3A_301 : memref<19999x64xf32, #tpu.memory_space<hbm>>) target(%arg10 : memref<80x64xf32, #tpu.memory_space<vmem>>) offsets(%dma_start3A_296 : memref<80xi32, #tpu.memory_space<vmem>>) semaphore(%arg20 : memref<!tpu.dma_semaphore, #tpu.memory_space<semaphore_mem>>)
    %dma_start3A_302 = arith.constant 2 : i32
    %dma_start3A_303 = arith.constant 0 : i32
    %dma_start3A_304 = tpu.memref_slice %arg7[%dma_start3A_302, %dma_start3A_303] : memref<250x80xi32, #tpu.memory_space<vmem>> -> memref<1x80xi32, #tpu.memory_space<vmem>>
    %dma_start3A_305 = tpu.memref_squeeze %dma_start3A_304 : memref<1x80xi32, #tpu.memory_space<vmem>> -> memref<80xi32, #tpu.memory_space<vmem>>
    %dma_start3A_306 = arith.constant 0 : i32
    %dma_start3A_307 = tpu.memref_slice %arg2[%arg0, %dma_start3A_306] : memref<20000x64xf32, #tpu.memory_space<hbm>> -> memref<19999x64xf32, #tpu.memory_space<hbm>>
    %dma_start3A_308 = arith.constant 0 : i32
    %dma_start3A_309 = arith.constant 0 : i32
    %dma_start3A_310 = tpu.memref_slice %dma_start3A_307[%dma_start3A_308, %dma_start3A_309] : memref<19999x64xf32, #tpu.memory_space<hbm>> -> memref<19999x64xf32, #tpu.memory_space<hbm>>
    tpu.enqueue_indirect_dma source(%dma_start3A_310 : memref<19999x64xf32, #tpu.memory_space<hbm>>) target(%arg11 : memref<80x64xf32, #tpu.memory_space<vmem>>) offsets(%dma_start3A_305 : memref<80xi32, #tpu.memory_space<vmem>>) semaphore(%arg21 : memref<!tpu.dma_semaphore, #tpu.memory_space<semaphore_mem>>)
    %dma_start3A_311 = arith.constant 3 : i32
    %dma_start3A_312 = arith.constant 0 : i32
    %dma_start3A_313 = tpu.memref_slice %arg7[%dma_start3A_311, %dma_start3A_312] : memref<250x80xi32, #tpu.memory_space<vmem>> -> memref<1x80xi32, #tpu.memory_space<vmem>>
    %dma_start3A_314 = tpu.memref_squeeze %dma_start3A_313 : memref<1x80xi32, #tpu.memory_space<vmem>> -> memref<80xi32, #tpu.memory_space<vmem>>
    %dma_start3A_315 = arith.constant 0 : i32
    %dma_start3A_316 = tpu.memref_slice %arg2[%arg0, %dma_start3A_315] : memref<20000x64xf32, #tpu.memory_space<hbm>> -> memref<19999x64xf32, #tpu.memory_space<hbm>>
    %dma_start3A_317 = arith.constant 0 : i32
    %dma_start3A_318 = arith.constant 0 : i32
    %dma_start3A_319 = tpu.memref_slice %dma_start3A_316[%dma_start3A_317, %dma_start3A_318] : memref<19999x64xf32, #tpu.memory_space<hbm>> -> memref<19999x64xf32, #tpu.memory_space<hbm>>
    tpu.enqueue_indirect_dma source(%dma_start3A_319 : memref<19999x64xf32, #tpu.memory_space<hbm>>) target(%arg12 : memref<80x64xf32, #tpu.memory_space<vmem>>) offsets(%dma_start3A_314 : memref<80xi32, #tpu.memory_space<vmem>>) semaphore(%arg22 : memref<!tpu.dma_semaphore, #tpu.memory_space<semaphore_mem>>)
    %dma_start3A_320 = arith.constant 4 : i32
    %dma_start3A_321 = arith.constant 0 : i32
    %dma_start3A_322 = tpu.memref_slice %arg7[%dma_start3A_320, %dma_start3A_321] : memref<250x80xi32, #tpu.memory_space<vmem>> -> memref<1x80xi32, #tpu.memory_space<vmem>>
    %dma_start3A_323 = tpu.memref_squeeze %dma_start3A_322 : memref<1x80xi32, #tpu.memory_space<vmem>> -> memref<80xi32, #tpu.memory_space<vmem>>
    %dma_start3A_324 = arith.constant 0 : i32
    %dma_start3A_325 = tpu.memref_slice %arg2[%arg0, %dma_start3A_324] : memref<20000x64xf32, #tpu.memory_space<hbm>> -> memref<19999x64xf32, #tpu.memory_space<hbm>>
    %dma_start3A_326 = arith.constant 0 : i32
    %dma_start3A_327 = arith.constant 0 : i32
    %dma_start3A_328 = tpu.memref_slice %dma_start3A_325[%dma_start3A_326, %dma_start3A_327] : memref<19999x64xf32, #tpu.memory_space<hbm>> -> memref<19999x64xf32, #tpu.memory_space<hbm>>
    tpu.enqueue_indirect_dma source(%dma_start3A_328 : memref<19999x64xf32, #tpu.memory_space<hbm>>) target(%arg13 : memref<80x64xf32, #tpu.memory_space<vmem>>) offsets(%dma_start3A_323 : memref<80xi32, #tpu.memory_space<vmem>>) semaphore(%arg23 : memref<!tpu.dma_semaphore, #tpu.memory_space<semaphore_mem>>)
    %dma_start3A_329 = arith.constant 5 : i32
    %dma_start3A_330 = arith.constant 0 : i32
    %dma_start3A_331 = tpu.memref_slice %arg7[%dma_start3A_329, %dma_start3A_330] : memref<250x80xi32, #tpu.memory_space<vmem>> -> memref<1x80xi32, #tpu.memory_space<vmem>>
    %dma_start3A_332 = tpu.memref_squeeze %dma_start3A_331 : memref<1x80xi32, #tpu.memory_space<vmem>> -> memref<80xi32, #tpu.memory_space<vmem>>
    %dma_start3A_333 = arith.constant 0 : i32
    %dma_start3A_334 = tpu.memref_slice %arg2[%arg0, %dma_start3A_333] : memref<20000x64xf32, #tpu.memory_space<hbm>> -> memref<19999x64xf32, #tpu.memory_space<hbm>>
    %dma_start3A_335 = arith.constant 0 : i32
    %dma_start3A_336 = arith.constant 0 : i32
    %dma_start3A_337 = tpu.memref_slice %dma_start3A_334[%dma_start3A_335, %dma_start3A_336] : memref<19999x64xf32, #tpu.memory_space<hbm>> -> memref<19999x64xf32, #tpu.memory_space<hbm>>
    tpu.enqueue_indirect_dma source(%dma_start3A_337 : memref<19999x64xf32, #tpu.memory_space<hbm>>) target(%arg14 : memref<80x64xf32, #tpu.memory_space<vmem>>) offsets(%dma_start3A_332 : memref<80xi32, #tpu.memory_space<vmem>>) semaphore(%arg24 : memref<!tpu.dma_semaphore, #tpu.memory_space<semaphore_mem>>)
    %scan3A_338 = arith.constant 0 : i32
    %scan3A_339 = arith.constant 42 : i32
    %scan3A_340 = arith.addi %scan3A_338, %scan3A_339 : i32
    %scan3A_341 = arith.constant 1 : i32
    scf.for %scan3A_397 = %scan3A_338 to %scan3A_340 step %scan3A_341  : i32 {
      %mul3A_398 = arith.constant 6 : i32
      %mul3A_399 = arith.muli %scan3A_397, %mul3A_398 : i32
      %add3A_400 = arith.constant 0 : i32
      %add3A_401 = arith.addi %add3A_400, %mul3A_399 : i32
      %add3A_402 = arith.constant 0 : i32
      %add3A_403 = arith.addi %add3A_401, %add3A_402 : i32
      %lt3A = arith.constant 250 : i32
      %lt3A_404 = arith.cmpi slt, %add3A_403, %lt3A : i32
      %convert_element_type3A_405 = arith.extui %lt3A_404 : i1 to i32
      %cond3A_406 = arith.constant 0 : i32
      %cond3A_407 = arith.cmpi ne, %convert_element_type3A_405, %cond3A_406 : i32
      scf.if %cond3A_407 {
        %add3A_497 = arith.constant 0 : i32
        %add3A_498 = arith.addi %add3A_401, %add3A_497 : i32
        %dma_wait3A_499 = arith.constant 0 : i32
        %dma_wait3A_500 = tpu.memref_slice %arg7[%add3A_498, %dma_wait3A_499] : memref<250x80xi32, #tpu.memory_space<vmem>> -> memref<1x80xi32, #tpu.memory_space<vmem>>
        %dma_wait3A_501 = tpu.memref_squeeze %dma_wait3A_500 : memref<1x80xi32, #tpu.memory_space<vmem>> -> memref<80xi32, #tpu.memory_space<vmem>>
        %dma_wait3A_502 = arith.constant 0 : i32
        %dma_wait3A_503 = tpu.memref_slice %arg2[%arg0, %dma_wait3A_502] : memref<20000x64xf32, #tpu.memory_space<hbm>> -> memref<19999x64xf32, #tpu.memory_space<hbm>>
        %dma_wait3A_504 = arith.constant 0 : i32
        %dma_wait3A_505 = arith.constant 0 : i32
        %dma_wait3A_506 = tpu.memref_slice %dma_wait3A_503[%dma_wait3A_504, %dma_wait3A_505] : memref<19999x64xf32, #tpu.memory_space<hbm>> -> memref<19999x64xf32, #tpu.memory_space<hbm>>
        tpu.wait_indirect_dma semaphore(%arg19 : memref<!tpu.dma_semaphore, #tpu.memory_space<semaphore_mem>>) src(%dma_wait3A_506 : memref<19999x64xf32, #tpu.memory_space<hbm>>) dst(%arg9 : memref<80x64xf32, #tpu.memory_space<vmem>>)
        %add3A_507 = arith.constant 0 : i32
        %add3A_508 = arith.addi %add3A_401, %add3A_507 : i32
        %dma_start3A_509 = arith.constant 0 : i32
        %dma_start3A_510 = tpu.memref_slice %arg8[%add3A_508, %dma_start3A_509] : memref<250x80xi32, #tpu.memory_space<vmem>> -> memref<1x80xi32, #tpu.memory_space<vmem>>
        %dma_start3A_511 = tpu.memref_squeeze %dma_start3A_510 : memref<1x80xi32, #tpu.memory_space<vmem>> -> memref<80xi32, #tpu.memory_space<vmem>>
        %dma_start3A_512 = arith.constant 0 : i32
        %dma_start3A_513 = arith.constant 0 : i32
        %dma_start3A_514 = tpu.memref_slice %arg17[%dma_start3A_512, %dma_start3A_513] : memref<10000x64xf32, #tpu.memory_space<vmem_shared>> -> memref<10000x64xf32, #tpu.memory_space<vmem_shared>>
        tpu.enqueue_indirect_dma source(%arg9 : memref<80x64xf32, #tpu.memory_space<vmem>>) target(%dma_start3A_514 : memref<10000x64xf32, #tpu.memory_space<vmem_shared>>) offsets(%dma_start3A_511 : memref<80xi32, #tpu.memory_space<vmem>>) semaphore(%arg25 : memref<!tpu.dma_semaphore, #tpu.memory_space<semaphore_mem>>) {add = true}
        %eq3A_515 = arith.constant 0 : i32
        %eq3A_516 = arith.cmpi eq, %arg0, %eq3A_515 : i32
        %lt3A_517 = arith.constant 125 : i32
        %lt3A_518 = arith.cmpi slt, %add3A_508, %lt3A_517 : i32
        %eq3A_519 = arith.xori %eq3A_516, %lt3A_518 : i1
        %eq3A_520 = arith.constant true
        %eq3A_521 = arith.xori %eq3A_519, %eq3A_520 : i1
        %convert_element_type3A_522 = arith.extui %eq3A_521 : i1 to i32
        %cond3A_523 = arith.constant 0 : i32
        %cond3A_524 = arith.cmpi ne, %convert_element_type3A_522, %cond3A_523 : i32
        scf.if %cond3A_524 {
          %dma_start3A_525 = arith.constant 0 : i32
          %dma_start3A_526 = tpu.memref_slice %arg8[%add3A_508, %dma_start3A_525] : memref<250x80xi32, #tpu.memory_space<vmem>> -> memref<1x80xi32, #tpu.memory_space<vmem>>
          %dma_start3A_527 = tpu.memref_squeeze %dma_start3A_526 : memref<1x80xi32, #tpu.memory_space<vmem>> -> memref<80xi32, #tpu.memory_space<vmem>>
          %dma_start3A_528 = arith.constant 0 : i32
          %dma_start3A_529 = arith.constant 0 : i32
          %dma_start3A_530 = tpu.memref_slice %arg18[%dma_start3A_528, %dma_start3A_529] : memref<10000x16xf32, #tpu.memory_space<vmem_shared>> -> memref<10000x16xf32, #tpu.memory_space<vmem_shared>>
          tpu.enqueue_indirect_dma source(%arg15 : memref<80x16xf32, #tpu.memory_space<vmem>>) target(%dma_start3A_530 : memref<10000x16xf32, #tpu.memory_space<vmem_shared>>) offsets(%dma_start3A_527 : memref<80xi32, #tpu.memory_space<vmem>>) semaphore(%arg31 : memref<!tpu.dma_semaphore, #tpu.memory_space<semaphore_mem>>) {add = true}
        } else {
        }
      } else {
      }
      %add3A_408 = arith.constant 1 : i32
      %add3A_409 = arith.addi %add3A_401, %add3A_408 : i32
      %lt3A_410 = arith.constant 250 : i32
      %lt3A_411 = arith.cmpi slt, %add3A_409, %lt3A_410 : i32
      %convert_element_type3A_412 = arith.extui %lt3A_411 : i1 to i32
      %cond3A_413 = arith.constant 0 : i32
      %cond3A_414 = arith.cmpi ne, %convert_element_type3A_412, %cond3A_413 : i32
      scf.if %cond3A_414 {
        %add3A_497 = arith.constant 1 : i32
        %add3A_498 = arith.addi %add3A_401, %add3A_497 : i32
        %dma_wait3A_499 = arith.constant 0 : i32
        %dma_wait3A_500 = tpu.memref_slice %arg7[%add3A_498, %dma_wait3A_499] : memref<250x80xi32, #tpu.memory_space<vmem>> -> memref<1x80xi32, #tpu.memory_space<vmem>>
        %dma_wait3A_501 = tpu.memref_squeeze %dma_wait3A_500 : memref<1x80xi32, #tpu.memory_space<vmem>> -> memref<80xi32, #tpu.memory_space<vmem>>
        %dma_wait3A_502 = arith.constant 0 : i32
        %dma_wait3A_503 = tpu.memref_slice %arg2[%arg0, %dma_wait3A_502] : memref<20000x64xf32, #tpu.memory_space<hbm>> -> memref<19999x64xf32, #tpu.memory_space<hbm>>
        %dma_wait3A_504 = arith.constant 0 : i32
        %dma_wait3A_505 = arith.constant 0 : i32
        %dma_wait3A_506 = tpu.memref_slice %dma_wait3A_503[%dma_wait3A_504, %dma_wait3A_505] : memref<19999x64xf32, #tpu.memory_space<hbm>> -> memref<19999x64xf32, #tpu.memory_space<hbm>>
        tpu.wait_indirect_dma semaphore(%arg20 : memref<!tpu.dma_semaphore, #tpu.memory_space<semaphore_mem>>) src(%dma_wait3A_506 : memref<19999x64xf32, #tpu.memory_space<hbm>>) dst(%arg10 : memref<80x64xf32, #tpu.memory_space<vmem>>)
        %add3A_507 = arith.constant 1 : i32
        %add3A_508 = arith.addi %add3A_401, %add3A_507 : i32
        %dma_start3A_509 = arith.constant 0 : i32
        %dma_start3A_510 = tpu.memref_slice %arg8[%add3A_508, %dma_start3A_509] : memref<250x80xi32, #tpu.memory_space<vmem>> -> memref<1x80xi32, #tpu.memory_space<vmem>>
        %dma_start3A_511 = tpu.memref_squeeze %dma_start3A_510 : memref<1x80xi32, #tpu.memory_space<vmem>> -> memref<80xi32, #tpu.memory_space<vmem>>
        %dma_start3A_512 = arith.constant 0 : i32
        %dma_start3A_513 = arith.constant 0 : i32
        %dma_start3A_514 = tpu.memref_slice %arg17[%dma_start3A_512, %dma_start3A_513] : memref<10000x64xf32, #tpu.memory_space<vmem_shared>> -> memref<10000x64xf32, #tpu.memory_space<vmem_shared>>
        tpu.enqueue_indirect_dma source(%arg10 : memref<80x64xf32, #tpu.memory_space<vmem>>) target(%dma_start3A_514 : memref<10000x64xf32, #tpu.memory_space<vmem_shared>>) offsets(%dma_start3A_511 : memref<80xi32, #tpu.memory_space<vmem>>) semaphore(%arg26 : memref<!tpu.dma_semaphore, #tpu.memory_space<semaphore_mem>>) {add = true}
        %eq3A_515 = arith.constant 0 : i32
        %eq3A_516 = arith.cmpi eq, %arg0, %eq3A_515 : i32
        %lt3A_517 = arith.constant 125 : i32
        %lt3A_518 = arith.cmpi slt, %add3A_508, %lt3A_517 : i32
        %eq3A_519 = arith.xori %eq3A_516, %lt3A_518 : i1
        %eq3A_520 = arith.constant true
        %eq3A_521 = arith.xori %eq3A_519, %eq3A_520 : i1
        %convert_element_type3A_522 = arith.extui %eq3A_521 : i1 to i32
        %cond3A_523 = arith.constant 0 : i32
        %cond3A_524 = arith.cmpi ne, %convert_element_type3A_522, %cond3A_523 : i32
        scf.if %cond3A_524 {
          %dma_start3A_525 = arith.constant 0 : i32
          %dma_start3A_526 = tpu.memref_slice %arg8[%add3A_508, %dma_start3A_525] : memref<250x80xi32, #tpu.memory_space<vmem>> -> memref<1x80xi32, #tpu.memory_space<vmem>>
          %dma_start3A_527 = tpu.memref_squeeze %dma_start3A_526 : memref<1x80xi32, #tpu.memory_space<vmem>> -> memref<80xi32, #tpu.memory_space<vmem>>
          %dma_start3A_528 = arith.constant 0 : i32
          %dma_start3A_529 = arith.constant 0 : i32
          %dma_start3A_530 = tpu.memref_slice %arg18[%dma_start3A_528, %dma_start3A_529] : memref<10000x16xf32, #tpu.memory_space<vmem_shared>> -> memref<10000x16xf32, #tpu.memory_space<vmem_shared>>
          tpu.enqueue_indirect_dma source(%arg15 : memref<80x16xf32, #tpu.memory_space<vmem>>) target(%dma_start3A_530 : memref<10000x16xf32, #tpu.memory_space<vmem_shared>>) offsets(%dma_start3A_527 : memref<80xi32, #tpu.memory_space<vmem>>) semaphore(%arg31 : memref<!tpu.dma_semaphore, #tpu.memory_space<semaphore_mem>>) {add = true}
        } else {
        }
      } else {
      }
      %add3A_415 = arith.constant 2 : i32
      %add3A_416 = arith.addi %add3A_401, %add3A_415 : i32
      %lt3A_417 = arith.constant 250 : i32
      %lt3A_418 = arith.cmpi slt, %add3A_416, %lt3A_417 : i32
      %convert_element_type3A_419 = arith.extui %lt3A_418 : i1 to i32
      %cond3A_420 = arith.constant 0 : i32
      %cond3A_421 = arith.cmpi ne, %convert_element_type3A_419, %cond3A_420 : i32
      scf.if %cond3A_421 {
        %add3A_497 = arith.constant 2 : i32
        %add3A_498 = arith.addi %add3A_401, %add3A_497 : i32
        %dma_wait3A_499 = arith.constant 0 : i32
        %dma_wait3A_500 = tpu.memref_slice %arg7[%add3A_498, %dma_wait3A_499] : memref<250x80xi32, #tpu.memory_space<vmem>> -> memref<1x80xi32, #tpu.memory_space<vmem>>
        %dma_wait3A_501 = tpu.memref_squeeze %dma_wait3A_500 : memref<1x80xi32, #tpu.memory_space<vmem>> -> memref<80xi32, #tpu.memory_space<vmem>>
        %dma_wait3A_502 = arith.constant 0 : i32
        %dma_wait3A_503 = tpu.memref_slice %arg2[%arg0, %dma_wait3A_502] : memref<20000x64xf32, #tpu.memory_space<hbm>> -> memref<19999x64xf32, #tpu.memory_space<hbm>>
        %dma_wait3A_504 = arith.constant 0 : i32
        %dma_wait3A_505 = arith.constant 0 : i32
        %dma_wait3A_506 = tpu.memref_slice %dma_wait3A_503[%dma_wait3A_504, %dma_wait3A_505] : memref<19999x64xf32, #tpu.memory_space<hbm>> -> memref<19999x64xf32, #tpu.memory_space<hbm>>
        tpu.wait_indirect_dma semaphore(%arg21 : memref<!tpu.dma_semaphore, #tpu.memory_space<semaphore_mem>>) src(%dma_wait3A_506 : memref<19999x64xf32, #tpu.memory_space<hbm>>) dst(%arg11 : memref<80x64xf32, #tpu.memory_space<vmem>>)
        %add3A_507 = arith.constant 2 : i32
        %add3A_508 = arith.addi %add3A_401, %add3A_507 : i32
        %dma_start3A_509 = arith.constant 0 : i32
        %dma_start3A_510 = tpu.memref_slice %arg8[%add3A_508, %dma_start3A_509] : memref<250x80xi32, #tpu.memory_space<vmem>> -> memref<1x80xi32, #tpu.memory_space<vmem>>
        %dma_start3A_511 = tpu.memref_squeeze %dma_start3A_510 : memref<1x80xi32, #tpu.memory_space<vmem>> -> memref<80xi32, #tpu.memory_space<vmem>>
        %dma_start3A_512 = arith.constant 0 : i32
        %dma_start3A_513 = arith.constant 0 : i32
        %dma_start3A_514 = tpu.memref_slice %arg17[%dma_start3A_512, %dma_start3A_513] : memref<10000x64xf32, #tpu.memory_space<vmem_shared>> -> memref<10000x64xf32, #tpu.memory_space<vmem_shared>>
        tpu.enqueue_indirect_dma source(%arg11 : memref<80x64xf32, #tpu.memory_space<vmem>>) target(%dma_start3A_514 : memref<10000x64xf32, #tpu.memory_space<vmem_shared>>) offsets(%dma_start3A_511 : memref<80xi32, #tpu.memory_space<vmem>>) semaphore(%arg27 : memref<!tpu.dma_semaphore, #tpu.memory_space<semaphore_mem>>) {add = true}
        %eq3A_515 = arith.constant 0 : i32
        %eq3A_516 = arith.cmpi eq, %arg0, %eq3A_515 : i32
        %lt3A_517 = arith.constant 125 : i32
        %lt3A_518 = arith.cmpi slt, %add3A_508, %lt3A_517 : i32
        %eq3A_519 = arith.xori %eq3A_516, %lt3A_518 : i1
        %eq3A_520 = arith.constant true
        %eq3A_521 = arith.xori %eq3A_519, %eq3A_520 : i1
        %convert_element_type3A_522 = arith.extui %eq3A_521 : i1 to i32
        %cond3A_523 = arith.constant 0 : i32
        %cond3A_524 = arith.cmpi ne, %convert_element_type3A_522, %cond3A_523 : i32
        scf.if %cond3A_524 {
          %dma_start3A_525 = arith.constant 0 : i32
          %dma_start3A_526 = tpu.memref_slice %arg8[%add3A_508, %dma_start3A_525] : memref<250x80xi32, #tpu.memory_space<vmem>> -> memref<1x80xi32, #tpu.memory_space<vmem>>
          %dma_start3A_527 = tpu.memref_squeeze %dma_start3A_526 : memref<1x80xi32, #tpu.memory_space<vmem>> -> memref<80xi32, #tpu.memory_space<vmem>>
          %dma_start3A_528 = arith.constant 0 : i32
          %dma_start3A_529 = arith.constant 0 : i32
          %dma_start3A_530 = tpu.memref_slice %arg18[%dma_start3A_528, %dma_start3A_529] : memref<10000x16xf32, #tpu.memory_space<vmem_shared>> -> memref<10000x16xf32, #tpu.memory_space<vmem_shared>>
          tpu.enqueue_indirect_dma source(%arg15 : memref<80x16xf32, #tpu.memory_space<vmem>>) target(%dma_start3A_530 : memref<10000x16xf32, #tpu.memory_space<vmem_shared>>) offsets(%dma_start3A_527 : memref<80xi32, #tpu.memory_space<vmem>>) semaphore(%arg31 : memref<!tpu.dma_semaphore, #tpu.memory_space<semaphore_mem>>) {add = true}
        } else {
        }
      } else {
      }
      %add3A_422 = arith.constant 3 : i32
      %add3A_423 = arith.addi %add3A_401, %add3A_422 : i32
      %lt3A_424 = arith.constant 250 : i32
      %lt3A_425 = arith.cmpi slt, %add3A_423, %lt3A_424 : i32
      %convert_element_type3A_426 = arith.extui %lt3A_425 : i1 to i32
      %cond3A_427 = arith.constant 0 : i32
      %cond3A_428 = arith.cmpi ne, %convert_element_type3A_426, %cond3A_427 : i32
      scf.if %cond3A_428 {
        %add3A_497 = arith.constant 3 : i32
        %add3A_498 = arith.addi %add3A_401, %add3A_497 : i32
        %dma_wait3A_499 = arith.constant 0 : i32
        %dma_wait3A_500 = tpu.memref_slice %arg7[%add3A_498, %dma_wait3A_499] : memref<250x80xi32, #tpu.memory_space<vmem>> -> memref<1x80xi32, #tpu.memory_space<vmem>>
        %dma_wait3A_501 = tpu.memref_squeeze %dma_wait3A_500 : memref<1x80xi32, #tpu.memory_space<vmem>> -> memref<80xi32, #tpu.memory_space<vmem>>
        %dma_wait3A_502 = arith.constant 0 : i32
        %dma_wait3A_503 = tpu.memref_slice %arg2[%arg0, %dma_wait3A_502] : memref<20000x64xf32, #tpu.memory_space<hbm>> -> memref<19999x64xf32, #tpu.memory_space<hbm>>
        %dma_wait3A_504 = arith.constant 0 : i32
        %dma_wait3A_505 = arith.constant 0 : i32
        %dma_wait3A_506 = tpu.memref_slice %dma_wait3A_503[%dma_wait3A_504, %dma_wait3A_505] : memref<19999x64xf32, #tpu.memory_space<hbm>> -> memref<19999x64xf32, #tpu.memory_space<hbm>>
        tpu.wait_indirect_dma semaphore(%arg22 : memref<!tpu.dma_semaphore, #tpu.memory_space<semaphore_mem>>) src(%dma_wait3A_506 : memref<19999x64xf32, #tpu.memory_space<hbm>>) dst(%arg12 : memref<80x64xf32, #tpu.memory_space<vmem>>)
        %add3A_507 = arith.constant 3 : i32
        %add3A_508 = arith.addi %add3A_401, %add3A_507 : i32
        %dma_start3A_509 = arith.constant 0 : i32
        %dma_start3A_510 = tpu.memref_slice %arg8[%add3A_508, %dma_start3A_509] : memref<250x80xi32, #tpu.memory_space<vmem>> -> memref<1x80xi32, #tpu.memory_space<vmem>>
        %dma_start3A_511 = tpu.memref_squeeze %dma_start3A_510 : memref<1x80xi32, #tpu.memory_space<vmem>> -> memref<80xi32, #tpu.memory_space<vmem>>
        %dma_start3A_512 = arith.constant 0 : i32
        %dma_start3A_513 = arith.constant 0 : i32
        %dma_start3A_514 = tpu.memref_slice %arg17[%dma_start3A_512, %dma_start3A_513] : memref<10000x64xf32, #tpu.memory_space<vmem_shared>> -> memref<10000x64xf32, #tpu.memory_space<vmem_shared>>
        tpu.enqueue_indirect_dma source(%arg12 : memref<80x64xf32, #tpu.memory_space<vmem>>) target(%dma_start3A_514 : memref<10000x64xf32, #tpu.memory_space<vmem_shared>>) offsets(%dma_start3A_511 : memref<80xi32, #tpu.memory_space<vmem>>) semaphore(%arg28 : memref<!tpu.dma_semaphore, #tpu.memory_space<semaphore_mem>>) {add = true}
        %eq3A_515 = arith.constant 0 : i32
        %eq3A_516 = arith.cmpi eq, %arg0, %eq3A_515 : i32
        %lt3A_517 = arith.constant 125 : i32
        %lt3A_518 = arith.cmpi slt, %add3A_508, %lt3A_517 : i32
        %eq3A_519 = arith.xori %eq3A_516, %lt3A_518 : i1
        %eq3A_520 = arith.constant true
        %eq3A_521 = arith.xori %eq3A_519, %eq3A_520 : i1
        %convert_element_type3A_522 = arith.extui %eq3A_521 : i1 to i32
        %cond3A_523 = arith.constant 0 : i32
        %cond3A_524 = arith.cmpi ne, %convert_element_type3A_522, %cond3A_523 : i32
        scf.if %cond3A_524 {
          %dma_start3A_525 = arith.constant 0 : i32
          %dma_start3A_526 = tpu.memref_slice %arg8[%add3A_508, %dma_start3A_525] : memref<250x80xi32, #tpu.memory_space<vmem>> -> memref<1x80xi32, #tpu.memory_space<vmem>>
          %dma_start3A_527 = tpu.memref_squeeze %dma_start3A_526 : memref<1x80xi32, #tpu.memory_space<vmem>> -> memref<80xi32, #tpu.memory_space<vmem>>
          %dma_start3A_528 = arith.constant 0 : i32
          %dma_start3A_529 = arith.constant 0 : i32
          %dma_start3A_530 = tpu.memref_slice %arg18[%dma_start3A_528, %dma_start3A_529] : memref<10000x16xf32, #tpu.memory_space<vmem_shared>> -> memref<10000x16xf32, #tpu.memory_space<vmem_shared>>
          tpu.enqueue_indirect_dma source(%arg15 : memref<80x16xf32, #tpu.memory_space<vmem>>) target(%dma_start3A_530 : memref<10000x16xf32, #tpu.memory_space<vmem_shared>>) offsets(%dma_start3A_527 : memref<80xi32, #tpu.memory_space<vmem>>) semaphore(%arg31 : memref<!tpu.dma_semaphore, #tpu.memory_space<semaphore_mem>>) {add = true}
        } else {
        }
      } else {
      }
      %add3A_429 = arith.constant 4 : i32
      %add3A_430 = arith.addi %add3A_401, %add3A_429 : i32
      %lt3A_431 = arith.constant 250 : i32
      %lt3A_432 = arith.cmpi slt, %add3A_430, %lt3A_431 : i32
      %convert_element_type3A_433 = arith.extui %lt3A_432 : i1 to i32
      %cond3A_434 = arith.constant 0 : i32
      %cond3A_435 = arith.cmpi ne, %convert_element_type3A_433, %cond3A_434 : i32
      scf.if %cond3A_435 {
        %add3A_497 = arith.constant 4 : i32
        %add3A_498 = arith.addi %add3A_401, %add3A_497 : i32
        %dma_wait3A_499 = arith.constant 0 : i32
        %dma_wait3A_500 = tpu.memref_slice %arg7[%add3A_498, %dma_wait3A_499] : memref<250x80xi32, #tpu.memory_space<vmem>> -> memref<1x80xi32, #tpu.memory_space<vmem>>
        %dma_wait3A_501 = tpu.memref_squeeze %dma_wait3A_500 : memref<1x80xi32, #tpu.memory_space<vmem>> -> memref<80xi32, #tpu.memory_space<vmem>>
        %dma_wait3A_502 = arith.constant 0 : i32
        %dma_wait3A_503 = tpu.memref_slice %arg2[%arg0, %dma_wait3A_502] : memref<20000x64xf32, #tpu.memory_space<hbm>> -> memref<19999x64xf32, #tpu.memory_space<hbm>>
        %dma_wait3A_504 = arith.constant 0 : i32
        %dma_wait3A_505 = arith.constant 0 : i32
        %dma_wait3A_506 = tpu.memref_slice %dma_wait3A_503[%dma_wait3A_504, %dma_wait3A_505] : memref<19999x64xf32, #tpu.memory_space<hbm>> -> memref<19999x64xf32, #tpu.memory_space<hbm>>
        tpu.wait_indirect_dma semaphore(%arg23 : memref<!tpu.dma_semaphore, #tpu.memory_space<semaphore_mem>>) src(%dma_wait3A_506 : memref<19999x64xf32, #tpu.memory_space<hbm>>) dst(%arg13 : memref<80x64xf32, #tpu.memory_space<vmem>>)
        %add3A_507 = arith.constant 4 : i32
        %add3A_508 = arith.addi %add3A_401, %add3A_507 : i32
        %dma_start3A_509 = arith.constant 0 : i32
        %dma_start3A_510 = tpu.memref_slice %arg8[%add3A_508, %dma_start3A_509] : memref<250x80xi32, #tpu.memory_space<vmem>> -> memref<1x80xi32, #tpu.memory_space<vmem>>
        %dma_start3A_511 = tpu.memref_squeeze %dma_start3A_510 : memref<1x80xi32, #tpu.memory_space<vmem>> -> memref<80xi32, #tpu.memory_space<vmem>>
        %dma_start3A_512 = arith.constant 0 : i32
        %dma_start3A_513 = arith.constant 0 : i32
        %dma_start3A_514 = tpu.memref_slice %arg17[%dma_start3A_512, %dma_start3A_513] : memref<10000x64xf32, #tpu.memory_space<vmem_shared>> -> memref<10000x64xf32, #tpu.memory_space<vmem_shared>>
        tpu.enqueue_indirect_dma source(%arg13 : memref<80x64xf32, #tpu.memory_space<vmem>>) target(%dma_start3A_514 : memref<10000x64xf32, #tpu.memory_space<vmem_shared>>) offsets(%dma_start3A_511 : memref<80xi32, #tpu.memory_space<vmem>>) semaphore(%arg29 : memref<!tpu.dma_semaphore, #tpu.memory_space<semaphore_mem>>) {add = true}
        %eq3A_515 = arith.constant 0 : i32
        %eq3A_516 = arith.cmpi eq, %arg0, %eq3A_515 : i32
        %lt3A_517 = arith.constant 125 : i32
        %lt3A_518 = arith.cmpi slt, %add3A_508, %lt3A_517 : i32
        %eq3A_519 = arith.xori %eq3A_516, %lt3A_518 : i1
        %eq3A_520 = arith.constant true
        %eq3A_521 = arith.xori %eq3A_519, %eq3A_520 : i1
        %convert_element_type3A_522 = arith.extui %eq3A_521 : i1 to i32
        %cond3A_523 = arith.constant 0 : i32
        %cond3A_524 = arith.cmpi ne, %convert_element_type3A_522, %cond3A_523 : i32
        scf.if %cond3A_524 {
          %dma_start3A_525 = arith.constant 0 : i32
          %dma_start3A_526 = tpu.memref_slice %arg8[%add3A_508, %dma_start3A_525] : memref<250x80xi32, #tpu.memory_space<vmem>> -> memref<1x80xi32, #tpu.memory_space<vmem>>
          %dma_start3A_527 = tpu.memref_squeeze %dma_start3A_526 : memref<1x80xi32, #tpu.memory_space<vmem>> -> memref<80xi32, #tpu.memory_space<vmem>>
          %dma_start3A_528 = arith.constant 0 : i32
          %dma_start3A_529 = arith.constant 0 : i32
          %dma_start3A_530 = tpu.memref_slice %arg18[%dma_start3A_528, %dma_start3A_529] : memref<10000x16xf32, #tpu.memory_space<vmem_shared>> -> memref<10000x16xf32, #tpu.memory_space<vmem_shared>>
          tpu.enqueue_indirect_dma source(%arg15 : memref<80x16xf32, #tpu.memory_space<vmem>>) target(%dma_start3A_530 : memref<10000x16xf32, #tpu.memory_space<vmem_shared>>) offsets(%dma_start3A_527 : memref<80xi32, #tpu.memory_space<vmem>>) semaphore(%arg31 : memref<!tpu.dma_semaphore, #tpu.memory_space<semaphore_mem>>) {add = true}
        } else {
        }
      } else {
      }
      %add3A_436 = arith.constant 5 : i32
      %add3A_437 = arith.addi %add3A_401, %add3A_436 : i32
      %lt3A_438 = arith.constant 250 : i32
      %lt3A_439 = arith.cmpi slt, %add3A_437, %lt3A_438 : i32
      %convert_element_type3A_440 = arith.extui %lt3A_439 : i1 to i32
      %cond3A_441 = arith.constant 0 : i32
      %cond3A_442 = arith.cmpi ne, %convert_element_type3A_440, %cond3A_441 : i32
      scf.if %cond3A_442 {
        %add3A_497 = arith.constant 5 : i32
        %add3A_498 = arith.addi %add3A_401, %add3A_497 : i32
        %dma_wait3A_499 = arith.constant 0 : i32
        %dma_wait3A_500 = tpu.memref_slice %arg7[%add3A_498, %dma_wait3A_499] : memref<250x80xi32, #tpu.memory_space<vmem>> -> memref<1x80xi32, #tpu.memory_space<vmem>>
        %dma_wait3A_501 = tpu.memref_squeeze %dma_wait3A_500 : memref<1x80xi32, #tpu.memory_space<vmem>> -> memref<80xi32, #tpu.memory_space<vmem>>
        %dma_wait3A_502 = arith.constant 0 : i32
        %dma_wait3A_503 = tpu.memref_slice %arg2[%arg0, %dma_wait3A_502] : memref<20000x64xf32, #tpu.memory_space<hbm>> -> memref<19999x64xf32, #tpu.memory_space<hbm>>
        %dma_wait3A_504 = arith.constant 0 : i32
        %dma_wait3A_505 = arith.constant 0 : i32
        %dma_wait3A_506 = tpu.memref_slice %dma_wait3A_503[%dma_wait3A_504, %dma_wait3A_505] : memref<19999x64xf32, #tpu.memory_space<hbm>> -> memref<19999x64xf32, #tpu.memory_space<hbm>>
        tpu.wait_indirect_dma semaphore(%arg24 : memref<!tpu.dma_semaphore, #tpu.memory_space<semaphore_mem>>) src(%dma_wait3A_506 : memref<19999x64xf32, #tpu.memory_space<hbm>>) dst(%arg14 : memref<80x64xf32, #tpu.memory_space<vmem>>)
        %add3A_507 = arith.constant 5 : i32
        %add3A_508 = arith.addi %add3A_401, %add3A_507 : i32
        %dma_start3A_509 = arith.constant 0 : i32
        %dma_start3A_510 = tpu.memref_slice %arg8[%add3A_508, %dma_start3A_509] : memref<250x80xi32, #tpu.memory_space<vmem>> -> memref<1x80xi32, #tpu.memory_space<vmem>>
        %dma_start3A_511 = tpu.memref_squeeze %dma_start3A_510 : memref<1x80xi32, #tpu.memory_space<vmem>> -> memref<80xi32, #tpu.memory_space<vmem>>
        %dma_start3A_512 = arith.constant 0 : i32
        %dma_start3A_513 = arith.constant 0 : i32
        %dma_start3A_514 = tpu.memref_slice %arg17[%dma_start3A_512, %dma_start3A_513] : memref<10000x64xf32, #tpu.memory_space<vmem_shared>> -> memref<10000x64xf32, #tpu.memory_space<vmem_shared>>
        tpu.enqueue_indirect_dma source(%arg14 : memref<80x64xf32, #tpu.memory_space<vmem>>) target(%dma_start3A_514 : memref<10000x64xf32, #tpu.memory_space<vmem_shared>>) offsets(%dma_start3A_511 : memref<80xi32, #tpu.memory_space<vmem>>) semaphore(%arg30 : memref<!tpu.dma_semaphore, #tpu.memory_space<semaphore_mem>>) {add = true}
        %eq3A_515 = arith.constant 0 : i32
        %eq3A_516 = arith.cmpi eq, %arg0, %eq3A_515 : i32
        %lt3A_517 = arith.constant 125 : i32
        %lt3A_518 = arith.cmpi slt, %add3A_508, %lt3A_517 : i32
        %eq3A_519 = arith.xori %eq3A_516, %lt3A_518 : i1
        %eq3A_520 = arith.constant true
        %eq3A_521 = arith.xori %eq3A_519, %eq3A_520 : i1
        %convert_element_type3A_522 = arith.extui %eq3A_521 : i1 to i32
        %cond3A_523 = arith.constant 0 : i32
        %cond3A_524 = arith.cmpi ne, %convert_element_type3A_522, %cond3A_523 : i32
        scf.if %cond3A_524 {
          %dma_start3A_525 = arith.constant 0 : i32
          %dma_start3A_526 = tpu.memref_slice %arg8[%add3A_508, %dma_start3A_525] : memref<250x80xi32, #tpu.memory_space<vmem>> -> memref<1x80xi32, #tpu.memory_space<vmem>>
          %dma_start3A_527 = tpu.memref_squeeze %dma_start3A_526 : memref<1x80xi32, #tpu.memory_space<vmem>> -> memref<80xi32, #tpu.memory_space<vmem>>
          %dma_start3A_528 = arith.constant 0 : i32
          %dma_start3A_529 = arith.constant 0 : i32
          %dma_start3A_530 = tpu.memref_slice %arg18[%dma_start3A_528, %dma_start3A_529] : memref<10000x16xf32, #tpu.memory_space<vmem_shared>> -> memref<10000x16xf32, #tpu.memory_space<vmem_shared>>
          tpu.enqueue_indirect_dma source(%arg15 : memref<80x16xf32, #tpu.memory_space<vmem>>) target(%dma_start3A_530 : memref<10000x16xf32, #tpu.memory_space<vmem_shared>>) offsets(%dma_start3A_527 : memref<80xi32, #tpu.memory_space<vmem>>) semaphore(%arg31 : memref<!tpu.dma_semaphore, #tpu.memory_space<semaphore_mem>>) {add = true}
        } else {
        }
      } else {
      }
      %add3A_443 = arith.constant 0 : i32
      %add3A_444 = arith.addi %add3A_401, %add3A_443 : i32
      %add3A_445 = arith.constant 6 : i32
      %add3A_446 = arith.addi %add3A_444, %add3A_445 : i32
      %lt3A_447 = arith.constant 250 : i32
      %lt3A_448 = arith.cmpi slt, %add3A_446, %lt3A_447 : i32
      %convert_element_type3A_449 = arith.extui %lt3A_448 : i1 to i32
      %cond3A_450 = arith.constant 0 : i32
      %cond3A_451 = arith.cmpi ne, %convert_element_type3A_449, %cond3A_450 : i32
      scf.if %cond3A_451 {
        %add3A_497 = arith.constant 0 : i32
        %add3A_498 = arith.addi %add3A_401, %add3A_497 : i32
        %dma_wait3A_499 = arith.constant 0 : i32
        %dma_wait3A_500 = tpu.memref_slice %arg8[%add3A_498, %dma_wait3A_499] : memref<250x80xi32, #tpu.memory_space<vmem>> -> memref<1x80xi32, #tpu.memory_space<vmem>>
        %dma_wait3A_501 = tpu.memref_squeeze %dma_wait3A_500 : memref<1x80xi32, #tpu.memory_space<vmem>> -> memref<80xi32, #tpu.memory_space<vmem>>
        %dma_wait3A_502 = arith.constant 0 : i32
        %dma_wait3A_503 = arith.constant 0 : i32
        %dma_wait3A_504 = tpu.memref_slice %arg17[%dma_wait3A_502, %dma_wait3A_503] : memref<10000x64xf32, #tpu.memory_space<vmem_shared>> -> memref<10000x64xf32, #tpu.memory_space<vmem_shared>>
        tpu.wait_indirect_dma semaphore(%arg25 : memref<!tpu.dma_semaphore, #tpu.memory_space<semaphore_mem>>) src(%arg9 : memref<80x64xf32, #tpu.memory_space<vmem>>) dst(%dma_wait3A_504 : memref<10000x64xf32, #tpu.memory_space<vmem_shared>>)
        %add3A_505 = arith.constant 0 : i32
        %add3A_506 = arith.addi %add3A_401, %add3A_505 : i32
        %add3A_507 = arith.constant 6 : i32
        %add3A_508 = arith.addi %add3A_506, %add3A_507 : i32
        %dma_start3A_509 = arith.constant 0 : i32
        %dma_start3A_510 = tpu.memref_slice %arg7[%add3A_508, %dma_start3A_509] : memref<250x80xi32, #tpu.memory_space<vmem>> -> memref<1x80xi32, #tpu.memory_space<vmem>>
        %dma_start3A_511 = tpu.memref_squeeze %dma_start3A_510 : memref<1x80xi32, #tpu.memory_space<vmem>> -> memref<80xi32, #tpu.memory_space<vmem>>
        %dma_start3A_512 = arith.constant 0 : i32
        %dma_start3A_513 = tpu.memref_slice %arg2[%arg0, %dma_start3A_512] : memref<20000x64xf32, #tpu.memory_space<hbm>> -> memref<19999x64xf32, #tpu.memory_space<hbm>>
        %dma_start3A_514 = arith.constant 0 : i32
        %dma_start3A_515 = arith.constant 0 : i32
        %dma_start3A_516 = tpu.memref_slice %dma_start3A_513[%dma_start3A_514, %dma_start3A_515] : memref<19999x64xf32, #tpu.memory_space<hbm>> -> memref<19999x64xf32, #tpu.memory_space<hbm>>
        tpu.enqueue_indirect_dma source(%dma_start3A_516 : memref<19999x64xf32, #tpu.memory_space<hbm>>) target(%arg9 : memref<80x64xf32, #tpu.memory_space<vmem>>) offsets(%dma_start3A_511 : memref<80xi32, #tpu.memory_space<vmem>>) semaphore(%arg19 : memref<!tpu.dma_semaphore, #tpu.memory_space<semaphore_mem>>)
      } else {
      }
      %add3A_452 = arith.constant 1 : i32
      %add3A_453 = arith.addi %add3A_401, %add3A_452 : i32
      %add3A_454 = arith.constant 6 : i32
      %add3A_455 = arith.addi %add3A_453, %add3A_454 : i32
      %lt3A_456 = arith.constant 250 : i32
      %lt3A_457 = arith.cmpi slt, %add3A_455, %lt3A_456 : i32
      %convert_element_type3A_458 = arith.extui %lt3A_457 : i1 to i32
      %cond3A_459 = arith.constant 0 : i32
      %cond3A_460 = arith.cmpi ne, %convert_element_type3A_458, %cond3A_459 : i32
      scf.if %cond3A_460 {
        %add3A_497 = arith.constant 1 : i32
        %add3A_498 = arith.addi %add3A_401, %add3A_497 : i32
        %dma_wait3A_499 = arith.constant 0 : i32
        %dma_wait3A_500 = tpu.memref_slice %arg8[%add3A_498, %dma_wait3A_499] : memref<250x80xi32, #tpu.memory_space<vmem>> -> memref<1x80xi32, #tpu.memory_space<vmem>>
        %dma_wait3A_501 = tpu.memref_squeeze %dma_wait3A_500 : memref<1x80xi32, #tpu.memory_space<vmem>> -> memref<80xi32, #tpu.memory_space<vmem>>
        %dma_wait3A_502 = arith.constant 0 : i32
        %dma_wait3A_503 = arith.constant 0 : i32
        %dma_wait3A_504 = tpu.memref_slice %arg17[%dma_wait3A_502, %dma_wait3A_503] : memref<10000x64xf32, #tpu.memory_space<vmem_shared>> -> memref<10000x64xf32, #tpu.memory_space<vmem_shared>>
        tpu.wait_indirect_dma semaphore(%arg26 : memref<!tpu.dma_semaphore, #tpu.memory_space<semaphore_mem>>) src(%arg10 : memref<80x64xf32, #tpu.memory_space<vmem>>) dst(%dma_wait3A_504 : memref<10000x64xf32, #tpu.memory_space<vmem_shared>>)
        %add3A_505 = arith.constant 1 : i32
        %add3A_506 = arith.addi %add3A_401, %add3A_505 : i32
        %add3A_507 = arith.constant 6 : i32
        %add3A_508 = arith.addi %add3A_506, %add3A_507 : i32
        %dma_start3A_509 = arith.constant 0 : i32
        %dma_start3A_510 = tpu.memref_slice %arg7[%add3A_508, %dma_start3A_509] : memref<250x80xi32, #tpu.memory_space<vmem>> -> memref<1x80xi32, #tpu.memory_space<vmem>>
        %dma_start3A_511 = tpu.memref_squeeze %dma_start3A_510 : memref<1x80xi32, #tpu.memory_space<vmem>> -> memref<80xi32, #tpu.memory_space<vmem>>
        %dma_start3A_512 = arith.constant 0 : i32
        %dma_start3A_513 = tpu.memref_slice %arg2[%arg0, %dma_start3A_512] : memref<20000x64xf32, #tpu.memory_space<hbm>> -> memref<19999x64xf32, #tpu.memory_space<hbm>>
        %dma_start3A_514 = arith.constant 0 : i32
        %dma_start3A_515 = arith.constant 0 : i32
        %dma_start3A_516 = tpu.memref_slice %dma_start3A_513[%dma_start3A_514, %dma_start3A_515] : memref<19999x64xf32, #tpu.memory_space<hbm>> -> memref<19999x64xf32, #tpu.memory_space<hbm>>
        tpu.enqueue_indirect_dma source(%dma_start3A_516 : memref<19999x64xf32, #tpu.memory_space<hbm>>) target(%arg10 : memref<80x64xf32, #tpu.memory_space<vmem>>) offsets(%dma_start3A_511 : memref<80xi32, #tpu.memory_space<vmem>>) semaphore(%arg20 : memref<!tpu.dma_semaphore, #tpu.memory_space<semaphore_mem>>)
      } else {
      }
      %add3A_461 = arith.constant 2 : i32
      %add3A_462 = arith.addi %add3A_401, %add3A_461 : i32
      %add3A_463 = arith.constant 6 : i32
      %add3A_464 = arith.addi %add3A_462, %add3A_463 : i32
      %lt3A_465 = arith.constant 250 : i32
      %lt3A_466 = arith.cmpi slt, %add3A_464, %lt3A_465 : i32
      %convert_element_type3A_467 = arith.extui %lt3A_466 : i1 to i32
      %cond3A_468 = arith.constant 0 : i32
      %cond3A_469 = arith.cmpi ne, %convert_element_type3A_467, %cond3A_468 : i32
      scf.if %cond3A_469 {
        %add3A_497 = arith.constant 2 : i32
        %add3A_498 = arith.addi %add3A_401, %add3A_497 : i32
        %dma_wait3A_499 = arith.constant 0 : i32
        %dma_wait3A_500 = tpu.memref_slice %arg8[%add3A_498, %dma_wait3A_499] : memref<250x80xi32, #tpu.memory_space<vmem>> -> memref<1x80xi32, #tpu.memory_space<vmem>>
        %dma_wait3A_501 = tpu.memref_squeeze %dma_wait3A_500 : memref<1x80xi32, #tpu.memory_space<vmem>> -> memref<80xi32, #tpu.memory_space<vmem>>
        %dma_wait3A_502 = arith.constant 0 : i32
        %dma_wait3A_503 = arith.constant 0 : i32
        %dma_wait3A_504 = tpu.memref_slice %arg17[%dma_wait3A_502, %dma_wait3A_503] : memref<10000x64xf32, #tpu.memory_space<vmem_shared>> -> memref<10000x64xf32, #tpu.memory_space<vmem_shared>>
        tpu.wait_indirect_dma semaphore(%arg27 : memref<!tpu.dma_semaphore, #tpu.memory_space<semaphore_mem>>) src(%arg11 : memref<80x64xf32, #tpu.memory_space<vmem>>) dst(%dma_wait3A_504 : memref<10000x64xf32, #tpu.memory_space<vmem_shared>>)
        %add3A_505 = arith.constant 2 : i32
        %add3A_506 = arith.addi %add3A_401, %add3A_505 : i32
        %add3A_507 = arith.constant 6 : i32
        %add3A_508 = arith.addi %add3A_506, %add3A_507 : i32
        %dma_start3A_509 = arith.constant 0 : i32
        %dma_start3A_510 = tpu.memref_slice %arg7[%add3A_508, %dma_start3A_509] : memref<250x80xi32, #tpu.memory_space<vmem>> -> memref<1x80xi32, #tpu.memory_space<vmem>>
        %dma_start3A_511 = tpu.memref_squeeze %dma_start3A_510 : memref<1x80xi32, #tpu.memory_space<vmem>> -> memref<80xi32, #tpu.memory_space<vmem>>
        %dma_start3A_512 = arith.constant 0 : i32
        %dma_start3A_513 = tpu.memref_slice %arg2[%arg0, %dma_start3A_512] : memref<20000x64xf32, #tpu.memory_space<hbm>> -> memref<19999x64xf32, #tpu.memory_space<hbm>>
        %dma_start3A_514 = arith.constant 0 : i32
        %dma_start3A_515 = arith.constant 0 : i32
        %dma_start3A_516 = tpu.memref_slice %dma_start3A_513[%dma_start3A_514, %dma_start3A_515] : memref<19999x64xf32, #tpu.memory_space<hbm>> -> memref<19999x64xf32, #tpu.memory_space<hbm>>
        tpu.enqueue_indirect_dma source(%dma_start3A_516 : memref<19999x64xf32, #tpu.memory_space<hbm>>) target(%arg11 : memref<80x64xf32, #tpu.memory_space<vmem>>) offsets(%dma_start3A_511 : memref<80xi32, #tpu.memory_space<vmem>>) semaphore(%arg21 : memref<!tpu.dma_semaphore, #tpu.memory_space<semaphore_mem>>)
      } else {
      }
      %add3A_470 = arith.constant 3 : i32
      %add3A_471 = arith.addi %add3A_401, %add3A_470 : i32
      %add3A_472 = arith.constant 6 : i32
      %add3A_473 = arith.addi %add3A_471, %add3A_472 : i32
      %lt3A_474 = arith.constant 250 : i32
      %lt3A_475 = arith.cmpi slt, %add3A_473, %lt3A_474 : i32
      %convert_element_type3A_476 = arith.extui %lt3A_475 : i1 to i32
      %cond3A_477 = arith.constant 0 : i32
      %cond3A_478 = arith.cmpi ne, %convert_element_type3A_476, %cond3A_477 : i32
      scf.if %cond3A_478 {
        %add3A_497 = arith.constant 3 : i32
        %add3A_498 = arith.addi %add3A_401, %add3A_497 : i32
        %dma_wait3A_499 = arith.constant 0 : i32
        %dma_wait3A_500 = tpu.memref_slice %arg8[%add3A_498, %dma_wait3A_499] : memref<250x80xi32, #tpu.memory_space<vmem>> -> memref<1x80xi32, #tpu.memory_space<vmem>>
        %dma_wait3A_501 = tpu.memref_squeeze %dma_wait3A_500 : memref<1x80xi32, #tpu.memory_space<vmem>> -> memref<80xi32, #tpu.memory_space<vmem>>
        %dma_wait3A_502 = arith.constant 0 : i32
        %dma_wait3A_503 = arith.constant 0 : i32
        %dma_wait3A_504 = tpu.memref_slice %arg17[%dma_wait3A_502, %dma_wait3A_503] : memref<10000x64xf32, #tpu.memory_space<vmem_shared>> -> memref<10000x64xf32, #tpu.memory_space<vmem_shared>>
        tpu.wait_indirect_dma semaphore(%arg28 : memref<!tpu.dma_semaphore, #tpu.memory_space<semaphore_mem>>) src(%arg12 : memref<80x64xf32, #tpu.memory_space<vmem>>) dst(%dma_wait3A_504 : memref<10000x64xf32, #tpu.memory_space<vmem_shared>>)
        %add3A_505 = arith.constant 3 : i32
        %add3A_506 = arith.addi %add3A_401, %add3A_505 : i32
        %add3A_507 = arith.constant 6 : i32
        %add3A_508 = arith.addi %add3A_506, %add3A_507 : i32
        %dma_start3A_509 = arith.constant 0 : i32
        %dma_start3A_510 = tpu.memref_slice %arg7[%add3A_508, %dma_start3A_509] : memref<250x80xi32, #tpu.memory_space<vmem>> -> memref<1x80xi32, #tpu.memory_space<vmem>>
        %dma_start3A_511 = tpu.memref_squeeze %dma_start3A_510 : memref<1x80xi32, #tpu.memory_space<vmem>> -> memref<80xi32, #tpu.memory_space<vmem>>
        %dma_start3A_512 = arith.constant 0 : i32
        %dma_start3A_513 = tpu.memref_slice %arg2[%arg0, %dma_start3A_512] : memref<20000x64xf32, #tpu.memory_space<hbm>> -> memref<19999x64xf32, #tpu.memory_space<hbm>>
        %dma_start3A_514 = arith.constant 0 : i32
        %dma_start3A_515 = arith.constant 0 : i32
        %dma_start3A_516 = tpu.memref_slice %dma_start3A_513[%dma_start3A_514, %dma_start3A_515] : memref<19999x64xf32, #tpu.memory_space<hbm>> -> memref<19999x64xf32, #tpu.memory_space<hbm>>
        tpu.enqueue_indirect_dma source(%dma_start3A_516 : memref<19999x64xf32, #tpu.memory_space<hbm>>) target(%arg12 : memref<80x64xf32, #tpu.memory_space<vmem>>) offsets(%dma_start3A_511 : memref<80xi32, #tpu.memory_space<vmem>>) semaphore(%arg22 : memref<!tpu.dma_semaphore, #tpu.memory_space<semaphore_mem>>)
      } else {
      }
      %add3A_479 = arith.constant 4 : i32
      %add3A_480 = arith.addi %add3A_401, %add3A_479 : i32
      %add3A_481 = arith.constant 6 : i32
      %add3A_482 = arith.addi %add3A_480, %add3A_481 : i32
      %lt3A_483 = arith.constant 250 : i32
      %lt3A_484 = arith.cmpi slt, %add3A_482, %lt3A_483 : i32
      %convert_element_type3A_485 = arith.extui %lt3A_484 : i1 to i32
      %cond3A_486 = arith.constant 0 : i32
      %cond3A_487 = arith.cmpi ne, %convert_element_type3A_485, %cond3A_486 : i32
      scf.if %cond3A_487 {
        %add3A_497 = arith.constant 4 : i32
        %add3A_498 = arith.addi %add3A_401, %add3A_497 : i32
        %dma_wait3A_499 = arith.constant 0 : i32
        %dma_wait3A_500 = tpu.memref_slice %arg8[%add3A_498, %dma_wait3A_499] : memref<250x80xi32, #tpu.memory_space<vmem>> -> memref<1x80xi32, #tpu.memory_space<vmem>>
        %dma_wait3A_501 = tpu.memref_squeeze %dma_wait3A_500 : memref<1x80xi32, #tpu.memory_space<vmem>> -> memref<80xi32, #tpu.memory_space<vmem>>
        %dma_wait3A_502 = arith.constant 0 : i32
        %dma_wait3A_503 = arith.constant 0 : i32
        %dma_wait3A_504 = tpu.memref_slice %arg17[%dma_wait3A_502, %dma_wait3A_503] : memref<10000x64xf32, #tpu.memory_space<vmem_shared>> -> memref<10000x64xf32, #tpu.memory_space<vmem_shared>>
        tpu.wait_indirect_dma semaphore(%arg29 : memref<!tpu.dma_semaphore, #tpu.memory_space<semaphore_mem>>) src(%arg13 : memref<80x64xf32, #tpu.memory_space<vmem>>) dst(%dma_wait3A_504 : memref<10000x64xf32, #tpu.memory_space<vmem_shared>>)
        %add3A_505 = arith.constant 4 : i32
        %add3A_506 = arith.addi %add3A_401, %add3A_505 : i32
        %add3A_507 = arith.constant 6 : i32
        %add3A_508 = arith.addi %add3A_506, %add3A_507 : i32
        %dma_start3A_509 = arith.constant 0 : i32
        %dma_start3A_510 = tpu.memref_slice %arg7[%add3A_508, %dma_start3A_509] : memref<250x80xi32, #tpu.memory_space<vmem>> -> memref<1x80xi32, #tpu.memory_space<vmem>>
        %dma_start3A_511 = tpu.memref_squeeze %dma_start3A_510 : memref<1x80xi32, #tpu.memory_space<vmem>> -> memref<80xi32, #tpu.memory_space<vmem>>
        %dma_start3A_512 = arith.constant 0 : i32
        %dma_start3A_513 = tpu.memref_slice %arg2[%arg0, %dma_start3A_512] : memref<20000x64xf32, #tpu.memory_space<hbm>> -> memref<19999x64xf32, #tpu.memory_space<hbm>>
        %dma_start3A_514 = arith.constant 0 : i32
        %dma_start3A_515 = arith.constant 0 : i32
        %dma_start3A_516 = tpu.memref_slice %dma_start3A_513[%dma_start3A_514, %dma_start3A_515] : memref<19999x64xf32, #tpu.memory_space<hbm>> -> memref<19999x64xf32, #tpu.memory_space<hbm>>
        tpu.enqueue_indirect_dma source(%dma_start3A_516 : memref<19999x64xf32, #tpu.memory_space<hbm>>) target(%arg13 : memref<80x64xf32, #tpu.memory_space<vmem>>) offsets(%dma_start3A_511 : memref<80xi32, #tpu.memory_space<vmem>>) semaphore(%arg23 : memref<!tpu.dma_semaphore, #tpu.memory_space<semaphore_mem>>)
      } else {
      }
      %add3A_488 = arith.constant 5 : i32
      %add3A_489 = arith.addi %add3A_401, %add3A_488 : i32
      %add3A_490 = arith.constant 6 : i32
      %add3A_491 = arith.addi %add3A_489, %add3A_490 : i32
      %lt3A_492 = arith.constant 250 : i32
      %lt3A_493 = arith.cmpi slt, %add3A_491, %lt3A_492 : i32
      %convert_element_type3A_494 = arith.extui %lt3A_493 : i1 to i32
      %cond3A_495 = arith.constant 0 : i32
      %cond3A_496 = arith.cmpi ne, %convert_element_type3A_494, %cond3A_495 : i32
      scf.if %cond3A_496 {
        %add3A_497 = arith.constant 5 : i32
        %add3A_498 = arith.addi %add3A_401, %add3A_497 : i32
        %dma_wait3A_499 = arith.constant 0 : i32
        %dma_wait3A_500 = tpu.memref_slice %arg8[%add3A_498, %dma_wait3A_499] : memref<250x80xi32, #tpu.memory_space<vmem>> -> memref<1x80xi32, #tpu.memory_space<vmem>>
        %dma_wait3A_501 = tpu.memref_squeeze %dma_wait3A_500 : memref<1x80xi32, #tpu.memory_space<vmem>> -> memref<80xi32, #tpu.memory_space<vmem>>
        %dma_wait3A_502 = arith.constant 0 : i32
        %dma_wait3A_503 = arith.constant 0 : i32
        %dma_wait3A_504 = tpu.memref_slice %arg17[%dma_wait3A_502, %dma_wait3A_503] : memref<10000x64xf32, #tpu.memory_space<vmem_shared>> -> memref<10000x64xf32, #tpu.memory_space<vmem_shared>>
        tpu.wait_indirect_dma semaphore(%arg30 : memref<!tpu.dma_semaphore, #tpu.memory_space<semaphore_mem>>) src(%arg14 : memref<80x64xf32, #tpu.memory_space<vmem>>) dst(%dma_wait3A_504 : memref<10000x64xf32, #tpu.memory_space<vmem_shared>>)
        %add3A_505 = arith.constant 5 : i32
        %add3A_506 = arith.addi %add3A_401, %add3A_505 : i32
        %add3A_507 = arith.constant 6 : i32
        %add3A_508 = arith.addi %add3A_506, %add3A_507 : i32
        %dma_start3A_509 = arith.constant 0 : i32
        %dma_start3A_510 = tpu.memref_slice %arg7[%add3A_508, %dma_start3A_509] : memref<250x80xi32, #tpu.memory_space<vmem>> -> memref<1x80xi32, #tpu.memory_space<vmem>>
        %dma_start3A_511 = tpu.memref_squeeze %dma_start3A_510 : memref<1x80xi32, #tpu.memory_space<vmem>> -> memref<80xi32, #tpu.memory_space<vmem>>
        %dma_start3A_512 = arith.constant 0 : i32
        %dma_start3A_513 = tpu.memref_slice %arg2[%arg0, %dma_start3A_512] : memref<20000x64xf32, #tpu.memory_space<hbm>> -> memref<19999x64xf32, #tpu.memory_space<hbm>>
        %dma_start3A_514 = arith.constant 0 : i32
        %dma_start3A_515 = arith.constant 0 : i32
        %dma_start3A_516 = tpu.memref_slice %dma_start3A_513[%dma_start3A_514, %dma_start3A_515] : memref<19999x64xf32, #tpu.memory_space<hbm>> -> memref<19999x64xf32, #tpu.memory_space<hbm>>
        tpu.enqueue_indirect_dma source(%dma_start3A_516 : memref<19999x64xf32, #tpu.memory_space<hbm>>) target(%arg14 : memref<80x64xf32, #tpu.memory_space<vmem>>) offsets(%dma_start3A_511 : memref<80xi32, #tpu.memory_space<vmem>>) semaphore(%arg24 : memref<!tpu.dma_semaphore, #tpu.memory_space<semaphore_mem>>)
      } else {
      }
    }
    %scan3A_342 = arith.constant 42 : i32
    %dma_wait3A_343 = arith.constant 0 : i32
    %dma_wait3A_344 = arith.constant 0 : i32
    %dma_wait3A_345 = tpu.memref_slice %arg8[%dma_wait3A_343, %dma_wait3A_344] : memref<250x80xi32, #tpu.memory_space<vmem>> -> memref<1x80xi32, #tpu.memory_space<vmem>>
    %dma_wait3A_346 = tpu.memref_squeeze %dma_wait3A_345 : memref<1x80xi32, #tpu.memory_space<vmem>> -> memref<80xi32, #tpu.memory_space<vmem>>
    %dma_wait3A_347 = arith.constant 0 : i32
    %dma_wait3A_348 = arith.constant 0 : i32
    %dma_wait3A_349 = tpu.memref_slice %arg17[%dma_wait3A_347, %dma_wait3A_348] : memref<10000x64xf32, #tpu.memory_space<vmem_shared>> -> memref<10000x64xf32, #tpu.memory_space<vmem_shared>>
    tpu.wait_indirect_dma semaphore(%arg25 : memref<!tpu.dma_semaphore, #tpu.memory_space<semaphore_mem>>) src(%arg9 : memref<80x64xf32, #tpu.memory_space<vmem>>) dst(%dma_wait3A_349 : memref<10000x64xf32, #tpu.memory_space<vmem_shared>>)
    %dma_wait3A_350 = arith.constant 0 : i32
    %dma_wait3A_351 = arith.constant 0 : i32
    %dma_wait3A_352 = tpu.memref_slice %arg8[%dma_wait3A_350, %dma_wait3A_351] : memref<250x80xi32, #tpu.memory_space<vmem>> -> memref<1x80xi32, #tpu.memory_space<vmem>>
    %dma_wait3A_353 = tpu.memref_squeeze %dma_wait3A_352 : memref<1x80xi32, #tpu.memory_space<vmem>> -> memref<80xi32, #tpu.memory_space<vmem>>
    %dma_wait3A_354 = arith.constant 0 : i32
    %dma_wait3A_355 = arith.constant 0 : i32
    %dma_wait3A_356 = tpu.memref_slice %arg17[%dma_wait3A_354, %dma_wait3A_355] : memref<10000x64xf32, #tpu.memory_space<vmem_shared>> -> memref<10000x64xf32, #tpu.memory_space<vmem_shared>>
    tpu.wait_indirect_dma semaphore(%arg26 : memref<!tpu.dma_semaphore, #tpu.memory_space<semaphore_mem>>) src(%arg10 : memref<80x64xf32, #tpu.memory_space<vmem>>) dst(%dma_wait3A_356 : memref<10000x64xf32, #tpu.memory_space<vmem_shared>>)
    %dma_wait3A_357 = arith.constant 0 : i32
    %dma_wait3A_358 = arith.constant 0 : i32
    %dma_wait3A_359 = tpu.memref_slice %arg8[%dma_wait3A_357, %dma_wait3A_358] : memref<250x80xi32, #tpu.memory_space<vmem>> -> memref<1x80xi32, #tpu.memory_space<vmem>>
    %dma_wait3A_360 = tpu.memref_squeeze %dma_wait3A_359 : memref<1x80xi32, #tpu.memory_space<vmem>> -> memref<80xi32, #tpu.memory_space<vmem>>
    %dma_wait3A_361 = arith.constant 0 : i32
    %dma_wait3A_362 = arith.constant 0 : i32
    %dma_wait3A_363 = tpu.memref_slice %arg17[%dma_wait3A_361, %dma_wait3A_362] : memref<10000x64xf32, #tpu.memory_space<vmem_shared>> -> memref<10000x64xf32, #tpu.memory_space<vmem_shared>>
    tpu.wait_indirect_dma semaphore(%arg27 : memref<!tpu.dma_semaphore, #tpu.memory_space<semaphore_mem>>) src(%arg11 : memref<80x64xf32, #tpu.memory_space<vmem>>) dst(%dma_wait3A_363 : memref<10000x64xf32, #tpu.memory_space<vmem_shared>>)
    %dma_wait3A_364 = arith.constant 0 : i32
    %dma_wait3A_365 = arith.constant 0 : i32
    %dma_wait3A_366 = tpu.memref_slice %arg8[%dma_wait3A_364, %dma_wait3A_365] : memref<250x80xi32, #tpu.memory_space<vmem>> -> memref<1x80xi32, #tpu.memory_space<vmem>>
    %dma_wait3A_367 = tpu.memref_squeeze %dma_wait3A_366 : memref<1x80xi32, #tpu.memory_space<vmem>> -> memref<80xi32, #tpu.memory_space<vmem>>
    %dma_wait3A_368 = arith.constant 0 : i32
    %dma_wait3A_369 = arith.constant 0 : i32
    %dma_wait3A_370 = tpu.memref_slice %arg17[%dma_wait3A_368, %dma_wait3A_369] : memref<10000x64xf32, #tpu.memory_space<vmem_shared>> -> memref<10000x64xf32, #tpu.memory_space<vmem_shared>>
    tpu.wait_indirect_dma semaphore(%arg28 : memref<!tpu.dma_semaphore, #tpu.memory_space<semaphore_mem>>) src(%arg12 : memref<80x64xf32, #tpu.memory_space<vmem>>) dst(%dma_wait3A_370 : memref<10000x64xf32, #tpu.memory_space<vmem_shared>>)
    %dma_wait3A_371 = arith.constant 0 : i32
    %dma_wait3A_372 = arith.constant 0 : i32
    %dma_wait3A_373 = tpu.memref_slice %arg8[%dma_wait3A_371, %dma_wait3A_372] : memref<250x80xi32, #tpu.memory_space<vmem>> -> memref<1x80xi32, #tpu.memory_space<vmem>>
    %dma_wait3A_374 = tpu.memref_squeeze %dma_wait3A_373 : memref<1x80xi32, #tpu.memory_space<vmem>> -> memref<80xi32, #tpu.memory_space<vmem>>
    %dma_wait3A_375 = arith.constant 0 : i32
    %dma_wait3A_376 = arith.constant 0 : i32
    %dma_wait3A_377 = tpu.memref_slice %arg17[%dma_wait3A_375, %dma_wait3A_376] : memref<10000x64xf32, #tpu.memory_space<vmem_shared>> -> memref<10000x64xf32, #tpu.memory_space<vmem_shared>>
    tpu.wait_indirect_dma semaphore(%arg29 : memref<!tpu.dma_semaphore, #tpu.memory_space<semaphore_mem>>) src(%arg13 : memref<80x64xf32, #tpu.memory_space<vmem>>) dst(%dma_wait3A_377 : memref<10000x64xf32, #tpu.memory_space<vmem_shared>>)
    %dma_wait3A_378 = arith.constant 0 : i32
    %dma_wait3A_379 = arith.constant 0 : i32
    %dma_wait3A_380 = tpu.memref_slice %arg8[%dma_wait3A_378, %dma_wait3A_379] : memref<250x80xi32, #tpu.memory_space<vmem>> -> memref<1x80xi32, #tpu.memory_space<vmem>>
    %dma_wait3A_381 = tpu.memref_squeeze %dma_wait3A_380 : memref<1x80xi32, #tpu.memory_space<vmem>> -> memref<80xi32, #tpu.memory_space<vmem>>
    %dma_wait3A_382 = arith.constant 0 : i32
    %dma_wait3A_383 = arith.constant 0 : i32
    %dma_wait3A_384 = tpu.memref_slice %arg17[%dma_wait3A_382, %dma_wait3A_383] : memref<10000x64xf32, #tpu.memory_space<vmem_shared>> -> memref<10000x64xf32, #tpu.memory_space<vmem_shared>>
    tpu.wait_indirect_dma semaphore(%arg30 : memref<!tpu.dma_semaphore, #tpu.memory_space<semaphore_mem>>) src(%arg14 : memref<80x64xf32, #tpu.memory_space<vmem>>) dst(%dma_wait3A_384 : memref<10000x64xf32, #tpu.memory_space<vmem_shared>>)
    %scan3A_385 = arith.constant 0 : i32
    %scan3A_386 = arith.constant 125 : i32
    %scan3A_387 = arith.addi %scan3A_385, %scan3A_386 : i32
    %scan3A_388 = arith.constant 1 : i32
    scf.for %scan3A_397 = %scan3A_385 to %scan3A_387 step %scan3A_388  : i32 {
      %mul3A_398 = arith.constant 1 : i32
      %mul3A_399 = arith.muli %scan3A_397, %mul3A_398 : i32
      %add3A_400 = arith.constant 0 : i32
      %add3A_401 = arith.addi %add3A_400, %mul3A_399 : i32
      %dma_wait3A_402 = arith.constant 0 : i32
      %dma_wait3A_403 = arith.constant 0 : i32
      %dma_wait3A_404 = tpu.memref_slice %arg8[%dma_wait3A_402, %dma_wait3A_403] : memref<250x80xi32, #tpu.memory_space<vmem>> -> memref<1x80xi32, #tpu.memory_space<vmem>>
      %dma_wait3A_405 = tpu.memref_squeeze %dma_wait3A_404 : memref<1x80xi32, #tpu.memory_space<vmem>> -> memref<80xi32, #tpu.memory_space<vmem>>
      %dma_wait3A_406 = arith.constant 0 : i32
      %dma_wait3A_407 = arith.constant 0 : i32
      %dma_wait3A_408 = tpu.memref_slice %arg18[%dma_wait3A_406, %dma_wait3A_407] : memref<10000x16xf32, #tpu.memory_space<vmem_shared>> -> memref<10000x16xf32, #tpu.memory_space<vmem_shared>>
      tpu.wait_indirect_dma semaphore(%arg31 : memref<!tpu.dma_semaphore, #tpu.memory_space<semaphore_mem>>) src(%arg15 : memref<80x16xf32, #tpu.memory_space<vmem>>) dst(%dma_wait3A_408 : memref<10000x16xf32, #tpu.memory_space<vmem_shared>>)
    }
    %scan3A_389 = arith.constant 125 : i32
    %barrier3A_390 = arith.constant 0 : index
    tpu.barrier barrier_id(%barrier3A_390)
    %mul3A_391 = arith.constant 624 : i32
    %mul3A_392 = arith.muli %arg1, %mul3A_391 : i32
    %mul3A_393 = arith.constant 64 : i32
    %mul3A_394 = arith.muli %arg0, %mul3A_393 : i32
    "tpu.region"() ({
      %run_scoped3A = tpu.sem_alloc : memref<!tpu.dma_semaphore, #tpu.memory_space<semaphore_mem>>
      %dma_start3A_397 = tpu.memref_slice %arg5[%mul3A_392, %mul3A_394] : memref<10000x128xf32, #tpu.memory_space<hbm>> -> memref<624x64xf32, #tpu.memory_space<hbm>>
      %dma_start3A_398 = arith.constant 0 : i32
      %dma_start3A_399 = tpu.memref_slice %arg17[%mul3A_392, %dma_start3A_398] : memref<10000x64xf32, #tpu.memory_space<vmem_shared>> -> memref<624x64xf32, #tpu.memory_space<vmem_shared>>
      tpu.enqueue_dma source(%dma_start3A_399 : memref<624x64xf32, #tpu.memory_space<vmem_shared>>) target(%dma_start3A_397 : memref<624x64xf32, #tpu.memory_space<hbm>>) target_semaphore(%run_scoped3A : memref<!tpu.dma_semaphore, #tpu.memory_space<semaphore_mem>>)
      %dma_wait3A_400 = tpu.memref_slice %arg5[%mul3A_392, %mul3A_394] : memref<10000x128xf32, #tpu.memory_space<hbm>> -> memref<624x64xf32, #tpu.memory_space<hbm>>
      %dma_wait3A_401 = arith.constant 0 : i32
      %dma_wait3A_402 = tpu.memref_slice %arg17[%mul3A_392, %dma_wait3A_401] : memref<10000x64xf32, #tpu.memory_space<vmem_shared>> -> memref<624x64xf32, #tpu.memory_space<vmem_shared>>
      tpu.wait_dma2 semaphore(%run_scoped3A : memref<!tpu.dma_semaphore, #tpu.memory_space<semaphore_mem>>) src(%dma_wait3A_402 : memref<624x64xf32, #tpu.memory_space<vmem_shared>>) dst(%dma_wait3A_400 : memref<624x64xf32, #tpu.memory_space<hbm>>)
      tpu.yield
    }) : () -> ()
    "tpu.region"() ({
      %run_scoped3A = tpu.sem_alloc : memref<!tpu.dma_semaphore, #tpu.memory_space<semaphore_mem>>
      %dma_start3A_397 = arith.constant 0 : i32
      %dma_start3A_398 = tpu.memref_slice %arg6[%arg0, %mul3A_392, %dma_start3A_397] : memref<2x10000x16xf32, #tpu.memory_space<hbm>> -> memref<1x624x16xf32, #tpu.memory_space<hbm>>
      %dma_start3A_399 = tpu.memref_squeeze %dma_start3A_398 : memref<1x624x16xf32, #tpu.memory_space<hbm>> -> memref<624x16xf32, #tpu.memory_space<hbm>>
      %dma_start3A_400 = arith.constant 0 : i32
      %dma_start3A_401 = tpu.memref_slice %arg18[%mul3A_392, %dma_start3A_400] : memref<10000x16xf32, #tpu.memory_space<vmem_shared>> -> memref<624x16xf32, #tpu.memory_space<vmem_shared>>
      tpu.enqueue_dma source(%dma_start3A_401 : memref<624x16xf32, #tpu.memory_space<vmem_shared>>) target(%dma_start3A_399 : memref<624x16xf32, #tpu.memory_space<hbm>>) target_semaphore(%run_scoped3A : memref<!tpu.dma_semaphore, #tpu.memory_space<semaphore_mem>>)
      %dma_wait3A_402 = arith.constant 0 : i32
      %dma_wait3A_403 = tpu.memref_slice %arg6[%arg0, %mul3A_392, %dma_wait3A_402] : memref<2x10000x16xf32, #tpu.memory_space<hbm>> -> memref<1x624x16xf32, #tpu.memory_space<hbm>>
      %dma_wait3A_404 = tpu.memref_squeeze %dma_wait3A_403 : memref<1x624x16xf32, #tpu.memory_space<hbm>> -> memref<624x16xf32, #tpu.memory_space<hbm>>
      %dma_wait3A_405 = arith.constant 0 : i32
      %dma_wait3A_406 = tpu.memref_slice %arg18[%mul3A_392, %dma_wait3A_405] : memref<10000x16xf32, #tpu.memory_space<vmem_shared>> -> memref<624x16xf32, #tpu.memory_space<vmem_shared>>
      tpu.wait_dma2 semaphore(%run_scoped3A : memref<!tpu.dma_semaphore, #tpu.memory_space<semaphore_mem>>) src(%dma_wait3A_406 : memref<624x16xf32, #tpu.memory_space<vmem_shared>>) dst(%dma_wait3A_404 : memref<624x16xf32, #tpu.memory_space<hbm>>)
      tpu.yield
    }) : () -> ()
    %eq3A = arith.constant 15 : i32
    %eq3A_395 = arith.cmpi eq, %arg1, %eq3A : i32
    %convert_element_type3A = arith.extui %eq3A_395 : i1 to i32
    %cond3A = arith.constant 0 : i32
    %cond3A_396 = arith.cmpi ne, %convert_element_type3A, %cond3A : i32
    scf.if %cond3A_396 {
      %mul3A_397 = arith.constant 64 : i32
      %mul3A_398 = arith.muli %arg0, %mul3A_397 : i32
      "tpu.region"() ({
        %run_scoped3A = tpu.sem_alloc : memref<!tpu.dma_semaphore, #tpu.memory_space<semaphore_mem>>
        %dma_start3A_399 = arith.constant 9984 : i32
        %dma_start3A_400 = tpu.memref_slice %arg5[%dma_start3A_399, %mul3A_398] : memref<10000x128xf32, #tpu.memory_space<hbm>> -> memref<16x64xf32, #tpu.memory_space<hbm>>
        %dma_start3A_401 = arith.constant 9984 : i32
        %dma_start3A_402 = arith.constant 0 : i32
        %dma_start3A_403 = tpu.memref_slice %arg17[%dma_start3A_401, %dma_start3A_402] : memref<10000x64xf32, #tpu.memory_space<vmem_shared>> -> memref<16x64xf32, #tpu.memory_space<vmem_shared>>
        tpu.enqueue_dma source(%dma_start3A_403 : memref<16x64xf32, #tpu.memory_space<vmem_shared>>) target(%dma_start3A_400 : memref<16x64xf32, #tpu.memory_space<hbm>>) target_semaphore(%run_scoped3A : memref<!tpu.dma_semaphore, #tpu.memory_space<semaphore_mem>>)
        %dma_wait3A_404 = arith.constant 9984 : i32
        %dma_wait3A_405 = tpu.memref_slice %arg5[%dma_wait3A_404, %mul3A_398] : memref<10000x128xf32, #tpu.memory_space<hbm>> -> memref<16x64xf32, #tpu.memory_space<hbm>>
        %dma_wait3A_406 = arith.constant 9984 : i32
        %dma_wait3A_407 = arith.constant 0 : i32
        %dma_wait3A_408 = tpu.memref_slice %arg17[%dma_wait3A_406, %dma_wait3A_407] : memref<10000x64xf32, #tpu.memory_space<vmem_shared>> -> memref<16x64xf32, #tpu.memory_space<vmem_shared>>
        tpu.wait_dma2 semaphore(%run_scoped3A : memref<!tpu.dma_semaphore, #tpu.memory_space<semaphore_mem>>) src(%dma_wait3A_408 : memref<16x64xf32, #tpu.memory_space<vmem_shared>>) dst(%dma_wait3A_405 : memref<16x64xf32, #tpu.memory_space<hbm>>)
        tpu.yield
      }) : () -> ()
      "tpu.region"() ({
        %run_scoped3A = tpu.sem_alloc : memref<!tpu.dma_semaphore, #tpu.memory_space<semaphore_mem>>
        %dma_start3A_399 = arith.constant 9984 : i32
        %dma_start3A_400 = arith.constant 0 : i32
        %dma_start3A_401 = tpu.memref_slice %arg6[%arg0, %dma_start3A_399, %dma_start3A_400] : memref<2x10000x16xf32, #tpu.memory_space<hbm>> -> memref<1x16x16xf32, #tpu.memory_space<hbm>>
        %dma_start3A_402 = tpu.memref_squeeze %dma_start3A_401 : memref<1x16x16xf32, #tpu.memory_space<hbm>> -> memref<16x16xf32, #tpu.memory_space<hbm>>
        %dma_start3A_403 = arith.constant 9984 : i32
        %dma_start3A_404 = arith.constant 0 : i32
        %dma_start3A_405 = tpu.memref_slice %arg18[%dma_start3A_403, %dma_start3A_404] : memref<10000x16xf32, #tpu.memory_space<vmem_shared>> -> memref<16x16xf32, #tpu.memory_space<vmem_shared>>
        tpu.enqueue_dma source(%dma_start3A_405 : memref<16x16xf32, #tpu.memory_space<vmem_shared>>) target(%dma_start3A_402 : memref<16x16xf32, #tpu.memory_space<hbm>>) target_semaphore(%run_scoped3A : memref<!tpu.dma_semaphore, #tpu.memory_space<semaphore_mem>>)
        %dma_wait3A_406 = arith.constant 9984 : i32
        %dma_wait3A_407 = arith.constant 0 : i32
        %dma_wait3A_408 = tpu.memref_slice %arg6[%arg0, %dma_wait3A_406, %dma_wait3A_407] : memref<2x10000x16xf32, #tpu.memory_space<hbm>> -> memref<1x16x16xf32, #tpu.memory_space<hbm>>
        %dma_wait3A_409 = tpu.memref_squeeze %dma_wait3A_408 : memref<1x16x16xf32, #tpu.memory_space<hbm>> -> memref<16x16xf32, #tpu.memory_space<hbm>>
        %dma_wait3A_410 = arith.constant 9984 : i32
        %dma_wait3A_411 = arith.constant 0 : i32
        %dma_wait3A_412 = tpu.memref_slice %arg18[%dma_wait3A_410, %dma_wait3A_411] : memref<10000x16xf32, #tpu.memory_space<vmem_shared>> -> memref<16x16xf32, #tpu.memory_space<vmem_shared>>
        tpu.wait_dma2 semaphore(%run_scoped3A : memref<!tpu.dma_semaphore, #tpu.memory_space<semaphore_mem>>) src(%dma_wait3A_412 : memref<16x16xf32, #tpu.memory_space<vmem_shared>>) dst(%dma_wait3A_409 : memref<16x16xf32, #tpu.memory_space<hbm>>)
        tpu.yield
      }) : () -> ()
    } else {
    }
    return
  }
}

#map = affine_map<(d0, d1) -> (0, 0)>
#map1 = affine_map<(d0, d1) -> (0, 0, 0)>
module attributes {stable_mosaic.version = 14 : i64} {
  func.func @_sc_agg_body(%arg0: i32, %arg1: i32, %arg2: memref<20000x64xf32, #tpu.memory_space<hbm>>, %arg3: memref<16x250x80xi32, #tpu.memory_space<hbm>>, %arg4: memref<16x250x80xi32, #tpu.memory_space<hbm>>, %arg5: memref<10000x128xf32, #tpu.memory_space<hbm>>, %arg6: memref<250x80xi32, #tpu.memory_space<vmem>>, %arg7: memref<250x80xi32, #tpu.memory_space<vmem>>, %arg8: memref<80x64xf32, #tpu.memory_space<vmem>>, %arg9: memref<80x64xf32, #tpu.memory_space<vmem>>, %arg10: memref<80x64xf32, #tpu.memory_space<vmem>>, %arg11: memref<80x64xf32, #tpu.memory_space<vmem>>, %arg12: memref<80x64xf32, #tpu.memory_space<vmem>>, %arg13: memref<80x64xf32, #tpu.memory_space<vmem>>, %arg14: memref<10000x64xf32, #tpu.memory_space<vmem_shared>>, %arg15: memref<!tpu.dma_semaphore, #tpu.memory_space<semaphore_mem>>, %arg16: memref<!tpu.dma_semaphore, #tpu.memory_space<semaphore_mem>>, %arg17: memref<!tpu.dma_semaphore, #tpu.memory_space<semaphore_mem>>, %arg18: memref<!tpu.dma_semaphore, #tpu.memory_space<semaphore_mem>>, %arg19: memref<!tpu.dma_semaphore, #tpu.memory_space<semaphore_mem>>, %arg20: memref<!tpu.dma_semaphore, #tpu.memory_space<semaphore_mem>>, %arg21: memref<!tpu.dma_semaphore, #tpu.memory_space<semaphore_mem>>, %arg22: memref<!tpu.dma_semaphore, #tpu.memory_space<semaphore_mem>>, %arg23: memref<!tpu.dma_semaphore, #tpu.memory_space<semaphore_mem>>, %arg24: memref<!tpu.dma_semaphore, #tpu.memory_space<semaphore_mem>>, %arg25: memref<!tpu.dma_semaphore, #tpu.memory_space<semaphore_mem>>, %arg26: memref<!tpu.dma_semaphore, #tpu.memory_space<semaphore_mem>>) attributes {dimension_semantics = [#tpu.dimension_semantics<core_parallel>, #tpu.dimension_semantics<subcore_parallel>], iteration_bounds = array<i64: 2, 16>, scalar_prefetch = 0 : i64, scratch_operands = 21 : i64, tpu.core_type = #tpu.core_type<sc_vector_subcore>, window_params = [{transform_indices = #map}, {transform_indices = #map1}, {transform_indices = #map1}, {transform_indices = #map}]} {
    %dma_start3A = arith.constant 0 : i32
    %dma_start3A_0 = arith.constant 0 : i32
    %dma_start3A_1 = tpu.memref_slice %arg3[%arg1, %dma_start3A, %dma_start3A_0] : memref<16x250x80xi32, #tpu.memory_space<hbm>> -> memref<1x250x80xi32, #tpu.memory_space<hbm>>
    %dma_start3A_2 = tpu.memref_squeeze %dma_start3A_1 : memref<1x250x80xi32, #tpu.memory_space<hbm>> -> memref<250x80xi32, #tpu.memory_space<hbm>>
    %dma_start3A_3 = arith.constant 0 : i32
    %dma_start3A_4 = arith.constant 0 : i32
    %dma_start3A_5 = tpu.memref_slice %arg3[%arg1, %dma_start3A_3, %dma_start3A_4] : memref<16x250x80xi32, #tpu.memory_space<hbm>> -> memref<1x250x80xi32, #tpu.memory_space<hbm>>
    %dma_start3A_6 = tpu.memref_squeeze %dma_start3A_5 : memref<1x250x80xi32, #tpu.memory_space<hbm>> -> memref<250x80xi32, #tpu.memory_space<hbm>>
    tpu.enqueue_dma source(%dma_start3A_6 : memref<250x80xi32, #tpu.memory_space<hbm>>) target(%arg6 : memref<250x80xi32, #tpu.memory_space<vmem>>) target_semaphore(%arg15 : memref<!tpu.dma_semaphore, #tpu.memory_space<semaphore_mem>>)
    %dma_start3A_7 = arith.constant 0 : i32
    %dma_start3A_8 = arith.constant 0 : i32
    %dma_start3A_9 = tpu.memref_slice %arg4[%arg1, %dma_start3A_7, %dma_start3A_8] : memref<16x250x80xi32, #tpu.memory_space<hbm>> -> memref<1x250x80xi32, #tpu.memory_space<hbm>>
    %dma_start3A_10 = tpu.memref_squeeze %dma_start3A_9 : memref<1x250x80xi32, #tpu.memory_space<hbm>> -> memref<250x80xi32, #tpu.memory_space<hbm>>
    %dma_start3A_11 = arith.constant 0 : i32
    %dma_start3A_12 = arith.constant 0 : i32
    %dma_start3A_13 = tpu.memref_slice %arg4[%arg1, %dma_start3A_11, %dma_start3A_12] : memref<16x250x80xi32, #tpu.memory_space<hbm>> -> memref<1x250x80xi32, #tpu.memory_space<hbm>>
    %dma_start3A_14 = tpu.memref_squeeze %dma_start3A_13 : memref<1x250x80xi32, #tpu.memory_space<hbm>> -> memref<250x80xi32, #tpu.memory_space<hbm>>
    tpu.enqueue_dma source(%dma_start3A_14 : memref<250x80xi32, #tpu.memory_space<hbm>>) target(%arg7 : memref<250x80xi32, #tpu.memory_space<vmem>>) target_semaphore(%arg16 : memref<!tpu.dma_semaphore, #tpu.memory_space<semaphore_mem>>)
    %broadcast_in_dim3A = arith.constant 0.000000e+00 : f32
    %broadcast_in_dim3A_15 = vector.broadcast %broadcast_in_dim3A : f32 to vector<16xf32>
    %scan3A = arith.constant 0 : i32
    %scan3A_16 = arith.constant 80 : i32
    %scan3A_17 = arith.addi %scan3A, %scan3A_16 : i32
    %scan3A_18 = arith.constant 1 : i32
    scf.for %scan3A_265 = %scan3A to %scan3A_17 step %scan3A_18  : i32 {
      %mul3A_266 = arith.constant 1 : i32
      %mul3A_267 = arith.muli %scan3A_265, %mul3A_266 : i32
      %add3A_268 = arith.constant 0 : i32
      %add3A_269 = arith.addi %add3A_268, %mul3A_267 : i32
      %swap3A = arith.index_cast %add3A_269 : i32 to index
      %swap3A_270 = arith.constant 0 : index
      %swap3A_271 = tpu.vector_load %arg8[%swap3A, %swap3A_270] {strides = array<i32>} : memref<80x64xf32, #tpu.memory_space<vmem>>, vector<1x16xf32>,
      %swap3A_272 = vector.shape_cast %swap3A_271 : vector<1x16xf32> to vector<16xf32>
      %swap3A_273 = vector.shape_cast %broadcast_in_dim3A_15 : vector<16xf32> to vector<1x16xf32>
      tpu.vector_store %arg8[%swap3A, %swap3A_270], %swap3A_273 {strides = array<i32>} : memref<80x64xf32, #tpu.memory_space<vmem>>, vector<1x16xf32>,
      %swap3A_274 = arith.index_cast %add3A_269 : i32 to index
      %swap3A_275 = arith.constant 16 : index
      %swap3A_276 = tpu.vector_load %arg8[%swap3A_274, %swap3A_275] {strides = array<i32>} : memref<80x64xf32, #tpu.memory_space<vmem>>, vector<1x16xf32>,
      %swap3A_277 = vector.shape_cast %swap3A_276 : vector<1x16xf32> to vector<16xf32>
      %swap3A_278 = vector.shape_cast %broadcast_in_dim3A_15 : vector<16xf32> to vector<1x16xf32>
      tpu.vector_store %arg8[%swap3A_274, %swap3A_275], %swap3A_278 {strides = array<i32>} : memref<80x64xf32, #tpu.memory_space<vmem>>, vector<1x16xf32>,
      %swap3A_279 = arith.index_cast %add3A_269 : i32 to index
      %swap3A_280 = arith.constant 32 : index
      %swap3A_281 = tpu.vector_load %arg8[%swap3A_279, %swap3A_280] {strides = array<i32>} : memref<80x64xf32, #tpu.memory_space<vmem>>, vector<1x16xf32>,
      %swap3A_282 = vector.shape_cast %swap3A_281 : vector<1x16xf32> to vector<16xf32>
      %swap3A_283 = vector.shape_cast %broadcast_in_dim3A_15 : vector<16xf32> to vector<1x16xf32>
      tpu.vector_store %arg8[%swap3A_279, %swap3A_280], %swap3A_283 {strides = array<i32>} : memref<80x64xf32, #tpu.memory_space<vmem>>, vector<1x16xf32>,
      %swap3A_284 = arith.index_cast %add3A_269 : i32 to index
      %swap3A_285 = arith.constant 48 : index
      %swap3A_286 = tpu.vector_load %arg8[%swap3A_284, %swap3A_285] {strides = array<i32>} : memref<80x64xf32, #tpu.memory_space<vmem>>, vector<1x16xf32>,
      %swap3A_287 = vector.shape_cast %swap3A_286 : vector<1x16xf32> to vector<16xf32>
      %swap3A_288 = vector.shape_cast %broadcast_in_dim3A_15 : vector<16xf32> to vector<1x16xf32>
      tpu.vector_store %arg8[%swap3A_284, %swap3A_285], %swap3A_288 {strides = array<i32>} : memref<80x64xf32, #tpu.memory_space<vmem>>, vector<1x16xf32>,
    }
    %scan3A_19 = arith.constant 80 : i32
    %mul3A = arith.constant 625 : i32
    %mul3A_20 = arith.muli %arg1, %mul3A : i32
    %add3A = arith.constant 0 : i32
    %add3A_21 = arith.addi %mul3A_20, %add3A : i32
    %dma_start3A_22 = arith.constant 0 : i32
    %dma_start3A_23 = tpu.memref_slice %arg14[%add3A_21, %dma_start3A_22] : memref<10000x64xf32, #tpu.memory_space<vmem_shared>> -> memref<80x64xf32, #tpu.memory_space<vmem_shared>>
    %dma_start3A_24 = arith.constant 0 : i32
    %dma_start3A_25 = tpu.memref_slice %arg14[%add3A_21, %dma_start3A_24] : memref<10000x64xf32, #tpu.memory_space<vmem_shared>> -> memref<80x64xf32, #tpu.memory_space<vmem_shared>>
    tpu.enqueue_dma source(%arg8 : memref<80x64xf32, #tpu.memory_space<vmem>>) target(%dma_start3A_25 : memref<80x64xf32, #tpu.memory_space<vmem_shared>>) target_semaphore(%arg21 : memref<!tpu.dma_semaphore, #tpu.memory_space<semaphore_mem>>)
    %mul3A_26 = arith.constant 625 : i32
    %mul3A_27 = arith.muli %arg1, %mul3A_26 : i32
    %add3A_28 = arith.constant 80 : i32
    %add3A_29 = arith.addi %mul3A_27, %add3A_28 : i32
    %dma_start3A_30 = arith.constant 0 : i32
    %dma_start3A_31 = tpu.memref_slice %arg14[%add3A_29, %dma_start3A_30] : memref<10000x64xf32, #tpu.memory_space<vmem_shared>> -> memref<80x64xf32, #tpu.memory_space<vmem_shared>>
    %dma_start3A_32 = arith.constant 0 : i32
    %dma_start3A_33 = tpu.memref_slice %arg14[%add3A_29, %dma_start3A_32] : memref<10000x64xf32, #tpu.memory_space<vmem_shared>> -> memref<80x64xf32, #tpu.memory_space<vmem_shared>>
    tpu.enqueue_dma source(%arg8 : memref<80x64xf32, #tpu.memory_space<vmem>>) target(%dma_start3A_33 : memref<80x64xf32, #tpu.memory_space<vmem_shared>>) target_semaphore(%arg21 : memref<!tpu.dma_semaphore, #tpu.memory_space<semaphore_mem>>)
    %mul3A_34 = arith.constant 625 : i32
    %mul3A_35 = arith.muli %arg1, %mul3A_34 : i32
    %add3A_36 = arith.constant 160 : i32
    %add3A_37 = arith.addi %mul3A_35, %add3A_36 : i32
    %dma_start3A_38 = arith.constant 0 : i32
    %dma_start3A_39 = tpu.memref_slice %arg14[%add3A_37, %dma_start3A_38] : memref<10000x64xf32, #tpu.memory_space<vmem_shared>> -> memref<80x64xf32, #tpu.memory_space<vmem_shared>>
    %dma_start3A_40 = arith.constant 0 : i32
    %dma_start3A_41 = tpu.memref_slice %arg14[%add3A_37, %dma_start3A_40] : memref<10000x64xf32, #tpu.memory_space<vmem_shared>> -> memref<80x64xf32, #tpu.memory_space<vmem_shared>>
    tpu.enqueue_dma source(%arg8 : memref<80x64xf32, #tpu.memory_space<vmem>>) target(%dma_start3A_41 : memref<80x64xf32, #tpu.memory_space<vmem_shared>>) target_semaphore(%arg21 : memref<!tpu.dma_semaphore, #tpu.memory_space<semaphore_mem>>)
    %mul3A_42 = arith.constant 625 : i32
    %mul3A_43 = arith.muli %arg1, %mul3A_42 : i32
    %add3A_44 = arith.constant 240 : i32
    %add3A_45 = arith.addi %mul3A_43, %add3A_44 : i32
    %dma_start3A_46 = arith.constant 0 : i32
    %dma_start3A_47 = tpu.memref_slice %arg14[%add3A_45, %dma_start3A_46] : memref<10000x64xf32, #tpu.memory_space<vmem_shared>> -> memref<80x64xf32, #tpu.memory_space<vmem_shared>>
    %dma_start3A_48 = arith.constant 0 : i32
    %dma_start3A_49 = tpu.memref_slice %arg14[%add3A_45, %dma_start3A_48] : memref<10000x64xf32, #tpu.memory_space<vmem_shared>> -> memref<80x64xf32, #tpu.memory_space<vmem_shared>>
    tpu.enqueue_dma source(%arg8 : memref<80x64xf32, #tpu.memory_space<vmem>>) target(%dma_start3A_49 : memref<80x64xf32, #tpu.memory_space<vmem_shared>>) target_semaphore(%arg21 : memref<!tpu.dma_semaphore, #tpu.memory_space<semaphore_mem>>)
    %mul3A_50 = arith.constant 625 : i32
    %mul3A_51 = arith.muli %arg1, %mul3A_50 : i32
    %add3A_52 = arith.constant 320 : i32
    %add3A_53 = arith.addi %mul3A_51, %add3A_52 : i32
    %dma_start3A_54 = arith.constant 0 : i32
    %dma_start3A_55 = tpu.memref_slice %arg14[%add3A_53, %dma_start3A_54] : memref<10000x64xf32, #tpu.memory_space<vmem_shared>> -> memref<80x64xf32, #tpu.memory_space<vmem_shared>>
    %dma_start3A_56 = arith.constant 0 : i32
    %dma_start3A_57 = tpu.memref_slice %arg14[%add3A_53, %dma_start3A_56] : memref<10000x64xf32, #tpu.memory_space<vmem_shared>> -> memref<80x64xf32, #tpu.memory_space<vmem_shared>>
    tpu.enqueue_dma source(%arg8 : memref<80x64xf32, #tpu.memory_space<vmem>>) target(%dma_start3A_57 : memref<80x64xf32, #tpu.memory_space<vmem_shared>>) target_semaphore(%arg21 : memref<!tpu.dma_semaphore, #tpu.memory_space<semaphore_mem>>)
    %mul3A_58 = arith.constant 625 : i32
    %mul3A_59 = arith.muli %arg1, %mul3A_58 : i32
    %add3A_60 = arith.constant 400 : i32
    %add3A_61 = arith.addi %mul3A_59, %add3A_60 : i32
    %dma_start3A_62 = arith.constant 0 : i32
    %dma_start3A_63 = tpu.memref_slice %arg14[%add3A_61, %dma_start3A_62] : memref<10000x64xf32, #tpu.memory_space<vmem_shared>> -> memref<80x64xf32, #tpu.memory_space<vmem_shared>>
    %dma_start3A_64 = arith.constant 0 : i32
    %dma_start3A_65 = tpu.memref_slice %arg14[%add3A_61, %dma_start3A_64] : memref<10000x64xf32, #tpu.memory_space<vmem_shared>> -> memref<80x64xf32, #tpu.memory_space<vmem_shared>>
    tpu.enqueue_dma source(%arg8 : memref<80x64xf32, #tpu.memory_space<vmem>>) target(%dma_start3A_65 : memref<80x64xf32, #tpu.memory_space<vmem_shared>>) target_semaphore(%arg21 : memref<!tpu.dma_semaphore, #tpu.memory_space<semaphore_mem>>)
    %mul3A_66 = arith.constant 625 : i32
    %mul3A_67 = arith.muli %arg1, %mul3A_66 : i32
    %add3A_68 = arith.constant 480 : i32
    %add3A_69 = arith.addi %mul3A_67, %add3A_68 : i32
    %dma_start3A_70 = arith.constant 0 : i32
    %dma_start3A_71 = tpu.memref_slice %arg14[%add3A_69, %dma_start3A_70] : memref<10000x64xf32, #tpu.memory_space<vmem_shared>> -> memref<80x64xf32, #tpu.memory_space<vmem_shared>>
    %dma_start3A_72 = arith.constant 0 : i32
    %dma_start3A_73 = tpu.memref_slice %arg14[%add3A_69, %dma_start3A_72] : memref<10000x64xf32, #tpu.memory_space<vmem_shared>> -> memref<80x64xf32, #tpu.memory_space<vmem_shared>>
    tpu.enqueue_dma source(%arg8 : memref<80x64xf32, #tpu.memory_space<vmem>>) target(%dma_start3A_73 : memref<80x64xf32, #tpu.memory_space<vmem_shared>>) target_semaphore(%arg21 : memref<!tpu.dma_semaphore, #tpu.memory_space<semaphore_mem>>)
    %mul3A_74 = arith.constant 625 : i32
    %mul3A_75 = arith.muli %arg1, %mul3A_74 : i32
    %add3A_76 = arith.constant 560 : i32
    %add3A_77 = arith.addi %mul3A_75, %add3A_76 : i32
    %dma_start3A_78 = arith.constant 0 : i32
    %dma_start3A_79 = arith.constant 0 : i32
    %dma_start3A_80 = tpu.memref_slice %arg8[%dma_start3A_78, %dma_start3A_79] : memref<80x64xf32, #tpu.memory_space<vmem>> -> memref<65x64xf32, #tpu.memory_space<vmem>>
    %dma_start3A_81 = arith.constant 0 : i32
    %dma_start3A_82 = tpu.memref_slice %arg14[%add3A_77, %dma_start3A_81] : memref<10000x64xf32, #tpu.memory_space<vmem_shared>> -> memref<65x64xf32, #tpu.memory_space<vmem_shared>>
    %dma_start3A_83 = arith.constant 0 : i32
    %dma_start3A_84 = tpu.memref_slice %arg14[%add3A_77, %dma_start3A_83] : memref<10000x64xf32, #tpu.memory_space<vmem_shared>> -> memref<65x64xf32, #tpu.memory_space<vmem_shared>>
    %dma_start3A_85 = arith.constant 0 : i32
    %dma_start3A_86 = arith.constant 0 : i32
    %dma_start3A_87 = tpu.memref_slice %arg8[%dma_start3A_85, %dma_start3A_86] : memref<80x64xf32, #tpu.memory_space<vmem>> -> memref<65x64xf32, #tpu.memory_space<vmem>>
    tpu.enqueue_dma source(%dma_start3A_87 : memref<65x64xf32, #tpu.memory_space<vmem>>) target(%dma_start3A_84 : memref<65x64xf32, #tpu.memory_space<vmem_shared>>) target_semaphore(%arg21 : memref<!tpu.dma_semaphore, #tpu.memory_space<semaphore_mem>>)
    %dma_wait3A = arith.constant 0 : i32
    %dma_wait3A_88 = arith.constant 0 : i32
    %dma_wait3A_89 = tpu.memref_slice %arg3[%arg1, %dma_wait3A, %dma_wait3A_88] : memref<16x250x80xi32, #tpu.memory_space<hbm>> -> memref<1x250x80xi32, #tpu.memory_space<hbm>>
    %dma_wait3A_90 = tpu.memref_squeeze %dma_wait3A_89 : memref<1x250x80xi32, #tpu.memory_space<hbm>> -> memref<250x80xi32, #tpu.memory_space<hbm>>
    %dma_wait3A_91 = arith.constant 0 : i32
    %dma_wait3A_92 = arith.constant 0 : i32
    %dma_wait3A_93 = tpu.memref_slice %arg3[%arg1, %dma_wait3A_91, %dma_wait3A_92] : memref<16x250x80xi32, #tpu.memory_space<hbm>> -> memref<1x250x80xi32, #tpu.memory_space<hbm>>
    %dma_wait3A_94 = tpu.memref_squeeze %dma_wait3A_93 : memref<1x250x80xi32, #tpu.memory_space<hbm>> -> memref<250x80xi32, #tpu.memory_space<hbm>>
    tpu.wait_dma2 semaphore(%arg15 : memref<!tpu.dma_semaphore, #tpu.memory_space<semaphore_mem>>) src(%dma_wait3A_94 : memref<250x80xi32, #tpu.memory_space<hbm>>) dst(%arg6 : memref<250x80xi32, #tpu.memory_space<vmem>>)
    %dma_wait3A_95 = arith.constant 0 : i32
    %dma_wait3A_96 = arith.constant 0 : i32
    %dma_wait3A_97 = tpu.memref_slice %arg4[%arg1, %dma_wait3A_95, %dma_wait3A_96] : memref<16x250x80xi32, #tpu.memory_space<hbm>> -> memref<1x250x80xi32, #tpu.memory_space<hbm>>
    %dma_wait3A_98 = tpu.memref_squeeze %dma_wait3A_97 : memref<1x250x80xi32, #tpu.memory_space<hbm>> -> memref<250x80xi32, #tpu.memory_space<hbm>>
    %dma_wait3A_99 = arith.constant 0 : i32
    %dma_wait3A_100 = arith.constant 0 : i32
    %dma_wait3A_101 = tpu.memref_slice %arg4[%arg1, %dma_wait3A_99, %dma_wait3A_100] : memref<16x250x80xi32, #tpu.memory_space<hbm>> -> memref<1x250x80xi32, #tpu.memory_space<hbm>>
    %dma_wait3A_102 = tpu.memref_squeeze %dma_wait3A_101 : memref<1x250x80xi32, #tpu.memory_space<hbm>> -> memref<250x80xi32, #tpu.memory_space<hbm>>
    tpu.wait_dma2 semaphore(%arg16 : memref<!tpu.dma_semaphore, #tpu.memory_space<semaphore_mem>>) src(%dma_wait3A_102 : memref<250x80xi32, #tpu.memory_space<hbm>>) dst(%arg7 : memref<250x80xi32, #tpu.memory_space<vmem>>)
    %mul3A_103 = arith.constant 625 : i32
    %mul3A_104 = arith.muli %arg1, %mul3A_103 : i32
    %dma_wait3A_105 = arith.constant 0 : i32
    %dma_wait3A_106 = tpu.memref_slice %arg14[%mul3A_104, %dma_wait3A_105] : memref<10000x64xf32, #tpu.memory_space<vmem_shared>> -> memref<80x64xf32, #tpu.memory_space<vmem_shared>>
    %dma_wait3A_107 = arith.constant 0 : i32
    %dma_wait3A_108 = tpu.memref_slice %arg14[%mul3A_104, %dma_wait3A_107] : memref<10000x64xf32, #tpu.memory_space<vmem_shared>> -> memref<80x64xf32, #tpu.memory_space<vmem_shared>>
    tpu.wait_dma2 semaphore(%arg21 : memref<!tpu.dma_semaphore, #tpu.memory_space<semaphore_mem>>) src(%arg8 : memref<80x64xf32, #tpu.memory_space<vmem>>) dst(%dma_wait3A_108 : memref<80x64xf32, #tpu.memory_space<vmem_shared>>)
    %mul3A_109 = arith.constant 625 : i32
    %mul3A_110 = arith.muli %arg1, %mul3A_109 : i32
    %dma_wait3A_111 = arith.constant 0 : i32
    %dma_wait3A_112 = tpu.memref_slice %arg14[%mul3A_110, %dma_wait3A_111] : memref<10000x64xf32, #tpu.memory_space<vmem_shared>> -> memref<80x64xf32, #tpu.memory_space<vmem_shared>>
    %dma_wait3A_113 = arith.constant 0 : i32
    %dma_wait3A_114 = tpu.memref_slice %arg14[%mul3A_110, %dma_wait3A_113] : memref<10000x64xf32, #tpu.memory_space<vmem_shared>> -> memref<80x64xf32, #tpu.memory_space<vmem_shared>>
    tpu.wait_dma2 semaphore(%arg21 : memref<!tpu.dma_semaphore, #tpu.memory_space<semaphore_mem>>) src(%arg8 : memref<80x64xf32, #tpu.memory_space<vmem>>) dst(%dma_wait3A_114 : memref<80x64xf32, #tpu.memory_space<vmem_shared>>)
    %mul3A_115 = arith.constant 625 : i32
    %mul3A_116 = arith.muli %arg1, %mul3A_115 : i32
    %dma_wait3A_117 = arith.constant 0 : i32
    %dma_wait3A_118 = tpu.memref_slice %arg14[%mul3A_116, %dma_wait3A_117] : memref<10000x64xf32, #tpu.memory_space<vmem_shared>> -> memref<80x64xf32, #tpu.memory_space<vmem_shared>>
    %dma_wait3A_119 = arith.constant 0 : i32
    %dma_wait3A_120 = tpu.memref_slice %arg14[%mul3A_116, %dma_wait3A_119] : memref<10000x64xf32, #tpu.memory_space<vmem_shared>> -> memref<80x64xf32, #tpu.memory_space<vmem_shared>>
    tpu.wait_dma2 semaphore(%arg21 : memref<!tpu.dma_semaphore, #tpu.memory_space<semaphore_mem>>) src(%arg8 : memref<80x64xf32, #tpu.memory_space<vmem>>) dst(%dma_wait3A_120 : memref<80x64xf32, #tpu.memory_space<vmem_shared>>)
    %mul3A_121 = arith.constant 625 : i32
    %mul3A_122 = arith.muli %arg1, %mul3A_121 : i32
    %dma_wait3A_123 = arith.constant 0 : i32
    %dma_wait3A_124 = tpu.memref_slice %arg14[%mul3A_122, %dma_wait3A_123] : memref<10000x64xf32, #tpu.memory_space<vmem_shared>> -> memref<80x64xf32, #tpu.memory_space<vmem_shared>>
    %dma_wait3A_125 = arith.constant 0 : i32
    %dma_wait3A_126 = tpu.memref_slice %arg14[%mul3A_122, %dma_wait3A_125] : memref<10000x64xf32, #tpu.memory_space<vmem_shared>> -> memref<80x64xf32, #tpu.memory_space<vmem_shared>>
    tpu.wait_dma2 semaphore(%arg21 : memref<!tpu.dma_semaphore, #tpu.memory_space<semaphore_mem>>) src(%arg8 : memref<80x64xf32, #tpu.memory_space<vmem>>) dst(%dma_wait3A_126 : memref<80x64xf32, #tpu.memory_space<vmem_shared>>)
    %mul3A_127 = arith.constant 625 : i32
    %mul3A_128 = arith.muli %arg1, %mul3A_127 : i32
    %dma_wait3A_129 = arith.constant 0 : i32
    %dma_wait3A_130 = tpu.memref_slice %arg14[%mul3A_128, %dma_wait3A_129] : memref<10000x64xf32, #tpu.memory_space<vmem_shared>> -> memref<80x64xf32, #tpu.memory_space<vmem_shared>>
    %dma_wait3A_131 = arith.constant 0 : i32
    %dma_wait3A_132 = tpu.memref_slice %arg14[%mul3A_128, %dma_wait3A_131] : memref<10000x64xf32, #tpu.memory_space<vmem_shared>> -> memref<80x64xf32, #tpu.memory_space<vmem_shared>>
    tpu.wait_dma2 semaphore(%arg21 : memref<!tpu.dma_semaphore, #tpu.memory_space<semaphore_mem>>) src(%arg8 : memref<80x64xf32, #tpu.memory_space<vmem>>) dst(%dma_wait3A_132 : memref<80x64xf32, #tpu.memory_space<vmem_shared>>)
    %mul3A_133 = arith.constant 625 : i32
    %mul3A_134 = arith.muli %arg1, %mul3A_133 : i32
    %dma_wait3A_135 = arith.constant 0 : i32
    %dma_wait3A_136 = tpu.memref_slice %arg14[%mul3A_134, %dma_wait3A_135] : memref<10000x64xf32, #tpu.memory_space<vmem_shared>> -> memref<80x64xf32, #tpu.memory_space<vmem_shared>>
    %dma_wait3A_137 = arith.constant 0 : i32
    %dma_wait3A_138 = tpu.memref_slice %arg14[%mul3A_134, %dma_wait3A_137] : memref<10000x64xf32, #tpu.memory_space<vmem_shared>> -> memref<80x64xf32, #tpu.memory_space<vmem_shared>>
    tpu.wait_dma2 semaphore(%arg21 : memref<!tpu.dma_semaphore, #tpu.memory_space<semaphore_mem>>) src(%arg8 : memref<80x64xf32, #tpu.memory_space<vmem>>) dst(%dma_wait3A_138 : memref<80x64xf32, #tpu.memory_space<vmem_shared>>)
    %mul3A_139 = arith.constant 625 : i32
    %mul3A_140 = arith.muli %arg1, %mul3A_139 : i32
    %dma_wait3A_141 = arith.constant 0 : i32
    %dma_wait3A_142 = tpu.memref_slice %arg14[%mul3A_140, %dma_wait3A_141] : memref<10000x64xf32, #tpu.memory_space<vmem_shared>> -> memref<80x64xf32, #tpu.memory_space<vmem_shared>>
    %dma_wait3A_143 = arith.constant 0 : i32
    %dma_wait3A_144 = tpu.memref_slice %arg14[%mul3A_140, %dma_wait3A_143] : memref<10000x64xf32, #tpu.memory_space<vmem_shared>> -> memref<80x64xf32, #tpu.memory_space<vmem_shared>>
    tpu.wait_dma2 semaphore(%arg21 : memref<!tpu.dma_semaphore, #tpu.memory_space<semaphore_mem>>) src(%arg8 : memref<80x64xf32, #tpu.memory_space<vmem>>) dst(%dma_wait3A_144 : memref<80x64xf32, #tpu.memory_space<vmem_shared>>)
    %mul3A_145 = arith.constant 625 : i32
    %mul3A_146 = arith.muli %arg1, %mul3A_145 : i32
    %dma_wait3A_147 = arith.constant 0 : i32
    %dma_wait3A_148 = arith.constant 0 : i32
    %dma_wait3A_149 = tpu.memref_slice %arg8[%dma_wait3A_147, %dma_wait3A_148] : memref<80x64xf32, #tpu.memory_space<vmem>> -> memref<65x64xf32, #tpu.memory_space<vmem>>
    %dma_wait3A_150 = arith.constant 0 : i32
    %dma_wait3A_151 = tpu.memref_slice %arg14[%mul3A_146, %dma_wait3A_150] : memref<10000x64xf32, #tpu.memory_space<vmem_shared>> -> memref<65x64xf32, #tpu.memory_space<vmem_shared>>
    %dma_wait3A_152 = arith.constant 0 : i32
    %dma_wait3A_153 = tpu.memref_slice %arg14[%mul3A_146, %dma_wait3A_152] : memref<10000x64xf32, #tpu.memory_space<vmem_shared>> -> memref<65x64xf32, #tpu.memory_space<vmem_shared>>
    %dma_wait3A_154 = arith.constant 0 : i32
    %dma_wait3A_155 = arith.constant 0 : i32
    %dma_wait3A_156 = tpu.memref_slice %arg8[%dma_wait3A_154, %dma_wait3A_155] : memref<80x64xf32, #tpu.memory_space<vmem>> -> memref<65x64xf32, #tpu.memory_space<vmem>>
    tpu.wait_dma2 semaphore(%arg21 : memref<!tpu.dma_semaphore, #tpu.memory_space<semaphore_mem>>) src(%dma_wait3A_156 : memref<65x64xf32, #tpu.memory_space<vmem>>) dst(%dma_wait3A_153 : memref<65x64xf32, #tpu.memory_space<vmem_shared>>)
    %barrier3A = arith.constant 0 : index
    tpu.barrier barrier_id(%barrier3A)
    %dma_start3A_157 = arith.constant 0 : i32
    %dma_start3A_158 = arith.constant 0 : i32
    %dma_start3A_159 = tpu.memref_slice %arg6[%dma_start3A_157, %dma_start3A_158] : memref<250x80xi32, #tpu.memory_space<vmem>> -> memref<1x80xi32, #tpu.memory_space<vmem>>
    %dma_start3A_160 = tpu.memref_squeeze %dma_start3A_159 : memref<1x80xi32, #tpu.memory_space<vmem>> -> memref<80xi32, #tpu.memory_space<vmem>>
    %dma_start3A_161 = arith.constant 0 : i32
    %dma_start3A_162 = tpu.memref_slice %arg2[%arg0, %dma_start3A_161] : memref<20000x64xf32, #tpu.memory_space<hbm>> -> memref<19999x64xf32, #tpu.memory_space<hbm>>
    %dma_start3A_163 = arith.constant 0 : i32
    %dma_start3A_164 = arith.constant 0 : i32
    %dma_start3A_165 = tpu.memref_slice %dma_start3A_162[%dma_start3A_163, %dma_start3A_164] : memref<19999x64xf32, #tpu.memory_space<hbm>> -> memref<19999x64xf32, #tpu.memory_space<hbm>>
    tpu.enqueue_indirect_dma source(%dma_start3A_165 : memref<19999x64xf32, #tpu.memory_space<hbm>>) target(%arg8 : memref<80x64xf32, #tpu.memory_space<vmem>>) offsets(%dma_start3A_160 : memref<80xi32, #tpu.memory_space<vmem>>) semaphore(%arg15 : memref<!tpu.dma_semaphore, #tpu.memory_space<semaphore_mem>>)
    %dma_start3A_166 = arith.constant 1 : i32
    %dma_start3A_167 = arith.constant 0 : i32
    %dma_start3A_168 = tpu.memref_slice %arg6[%dma_start3A_166, %dma_start3A_167] : memref<250x80xi32, #tpu.memory_space<vmem>> -> memref<1x80xi32, #tpu.memory_space<vmem>>
    %dma_start3A_169 = tpu.memref_squeeze %dma_start3A_168 : memref<1x80xi32, #tpu.memory_space<vmem>> -> memref<80xi32, #tpu.memory_space<vmem>>
    %dma_start3A_170 = arith.constant 0 : i32
    %dma_start3A_171 = tpu.memref_slice %arg2[%arg0, %dma_start3A_170] : memref<20000x64xf32, #tpu.memory_space<hbm>> -> memref<19999x64xf32, #tpu.memory_space<hbm>>
    %dma_start3A_172 = arith.constant 0 : i32
    %dma_start3A_173 = arith.constant 0 : i32
    %dma_start3A_174 = tpu.memref_slice %dma_start3A_171[%dma_start3A_172, %dma_start3A_173] : memref<19999x64xf32, #tpu.memory_space<hbm>> -> memref<19999x64xf32, #tpu.memory_space<hbm>>
    tpu.enqueue_indirect_dma source(%dma_start3A_174 : memref<19999x64xf32, #tpu.memory_space<hbm>>) target(%arg9 : memref<80x64xf32, #tpu.memory_space<vmem>>) offsets(%dma_start3A_169 : memref<80xi32, #tpu.memory_space<vmem>>) semaphore(%arg16 : memref<!tpu.dma_semaphore, #tpu.memory_space<semaphore_mem>>)
    %dma_start3A_175 = arith.constant 2 : i32
    %dma_start3A_176 = arith.constant 0 : i32
    %dma_start3A_177 = tpu.memref_slice %arg6[%dma_start3A_175, %dma_start3A_176] : memref<250x80xi32, #tpu.memory_space<vmem>> -> memref<1x80xi32, #tpu.memory_space<vmem>>
    %dma_start3A_178 = tpu.memref_squeeze %dma_start3A_177 : memref<1x80xi32, #tpu.memory_space<vmem>> -> memref<80xi32, #tpu.memory_space<vmem>>
    %dma_start3A_179 = arith.constant 0 : i32
    %dma_start3A_180 = tpu.memref_slice %arg2[%arg0, %dma_start3A_179] : memref<20000x64xf32, #tpu.memory_space<hbm>> -> memref<19999x64xf32, #tpu.memory_space<hbm>>
    %dma_start3A_181 = arith.constant 0 : i32
    %dma_start3A_182 = arith.constant 0 : i32
    %dma_start3A_183 = tpu.memref_slice %dma_start3A_180[%dma_start3A_181, %dma_start3A_182] : memref<19999x64xf32, #tpu.memory_space<hbm>> -> memref<19999x64xf32, #tpu.memory_space<hbm>>
    tpu.enqueue_indirect_dma source(%dma_start3A_183 : memref<19999x64xf32, #tpu.memory_space<hbm>>) target(%arg10 : memref<80x64xf32, #tpu.memory_space<vmem>>) offsets(%dma_start3A_178 : memref<80xi32, #tpu.memory_space<vmem>>) semaphore(%arg17 : memref<!tpu.dma_semaphore, #tpu.memory_space<semaphore_mem>>)
    %dma_start3A_184 = arith.constant 3 : i32
    %dma_start3A_185 = arith.constant 0 : i32
    %dma_start3A_186 = tpu.memref_slice %arg6[%dma_start3A_184, %dma_start3A_185] : memref<250x80xi32, #tpu.memory_space<vmem>> -> memref<1x80xi32, #tpu.memory_space<vmem>>
    %dma_start3A_187 = tpu.memref_squeeze %dma_start3A_186 : memref<1x80xi32, #tpu.memory_space<vmem>> -> memref<80xi32, #tpu.memory_space<vmem>>
    %dma_start3A_188 = arith.constant 0 : i32
    %dma_start3A_189 = tpu.memref_slice %arg2[%arg0, %dma_start3A_188] : memref<20000x64xf32, #tpu.memory_space<hbm>> -> memref<19999x64xf32, #tpu.memory_space<hbm>>
    %dma_start3A_190 = arith.constant 0 : i32
    %dma_start3A_191 = arith.constant 0 : i32
    %dma_start3A_192 = tpu.memref_slice %dma_start3A_189[%dma_start3A_190, %dma_start3A_191] : memref<19999x64xf32, #tpu.memory_space<hbm>> -> memref<19999x64xf32, #tpu.memory_space<hbm>>
    tpu.enqueue_indirect_dma source(%dma_start3A_192 : memref<19999x64xf32, #tpu.memory_space<hbm>>) target(%arg11 : memref<80x64xf32, #tpu.memory_space<vmem>>) offsets(%dma_start3A_187 : memref<80xi32, #tpu.memory_space<vmem>>) semaphore(%arg18 : memref<!tpu.dma_semaphore, #tpu.memory_space<semaphore_mem>>)
    %dma_start3A_193 = arith.constant 4 : i32
    %dma_start3A_194 = arith.constant 0 : i32
    %dma_start3A_195 = tpu.memref_slice %arg6[%dma_start3A_193, %dma_start3A_194] : memref<250x80xi32, #tpu.memory_space<vmem>> -> memref<1x80xi32, #tpu.memory_space<vmem>>
    %dma_start3A_196 = tpu.memref_squeeze %dma_start3A_195 : memref<1x80xi32, #tpu.memory_space<vmem>> -> memref<80xi32, #tpu.memory_space<vmem>>
    %dma_start3A_197 = arith.constant 0 : i32
    %dma_start3A_198 = tpu.memref_slice %arg2[%arg0, %dma_start3A_197] : memref<20000x64xf32, #tpu.memory_space<hbm>> -> memref<19999x64xf32, #tpu.memory_space<hbm>>
    %dma_start3A_199 = arith.constant 0 : i32
    %dma_start3A_200 = arith.constant 0 : i32
    %dma_start3A_201 = tpu.memref_slice %dma_start3A_198[%dma_start3A_199, %dma_start3A_200] : memref<19999x64xf32, #tpu.memory_space<hbm>> -> memref<19999x64xf32, #tpu.memory_space<hbm>>
    tpu.enqueue_indirect_dma source(%dma_start3A_201 : memref<19999x64xf32, #tpu.memory_space<hbm>>) target(%arg12 : memref<80x64xf32, #tpu.memory_space<vmem>>) offsets(%dma_start3A_196 : memref<80xi32, #tpu.memory_space<vmem>>) semaphore(%arg19 : memref<!tpu.dma_semaphore, #tpu.memory_space<semaphore_mem>>)
    %dma_start3A_202 = arith.constant 5 : i32
    %dma_start3A_203 = arith.constant 0 : i32
    %dma_start3A_204 = tpu.memref_slice %arg6[%dma_start3A_202, %dma_start3A_203] : memref<250x80xi32, #tpu.memory_space<vmem>> -> memref<1x80xi32, #tpu.memory_space<vmem>>
    %dma_start3A_205 = tpu.memref_squeeze %dma_start3A_204 : memref<1x80xi32, #tpu.memory_space<vmem>> -> memref<80xi32, #tpu.memory_space<vmem>>
    %dma_start3A_206 = arith.constant 0 : i32
    %dma_start3A_207 = tpu.memref_slice %arg2[%arg0, %dma_start3A_206] : memref<20000x64xf32, #tpu.memory_space<hbm>> -> memref<19999x64xf32, #tpu.memory_space<hbm>>
    %dma_start3A_208 = arith.constant 0 : i32
    %dma_start3A_209 = arith.constant 0 : i32
    %dma_start3A_210 = tpu.memref_slice %dma_start3A_207[%dma_start3A_208, %dma_start3A_209] : memref<19999x64xf32, #tpu.memory_space<hbm>> -> memref<19999x64xf32, #tpu.memory_space<hbm>>
    tpu.enqueue_indirect_dma source(%dma_start3A_210 : memref<19999x64xf32, #tpu.memory_space<hbm>>) target(%arg13 : memref<80x64xf32, #tpu.memory_space<vmem>>) offsets(%dma_start3A_205 : memref<80xi32, #tpu.memory_space<vmem>>) semaphore(%arg20 : memref<!tpu.dma_semaphore, #tpu.memory_space<semaphore_mem>>)
    %scan3A_211 = arith.constant 0 : i32
    %scan3A_212 = arith.constant 42 : i32
    %scan3A_213 = arith.addi %scan3A_211, %scan3A_212 : i32
    %scan3A_214 = arith.constant 1 : i32
    scf.for %scan3A_265 = %scan3A_211 to %scan3A_213 step %scan3A_214  : i32 {
      %mul3A_266 = arith.constant 6 : i32
      %mul3A_267 = arith.muli %scan3A_265, %mul3A_266 : i32
      %add3A_268 = arith.constant 0 : i32
      %add3A_269 = arith.addi %add3A_268, %mul3A_267 : i32
      %add3A_270 = arith.constant 0 : i32
      %add3A_271 = arith.addi %add3A_269, %add3A_270 : i32
      %lt3A = arith.constant 250 : i32
      %lt3A_272 = arith.cmpi slt, %add3A_271, %lt3A : i32
      %convert_element_type3A_273 = arith.extui %lt3A_272 : i1 to i32
      %cond3A_274 = arith.constant 0 : i32
      %cond3A_275 = arith.cmpi ne, %convert_element_type3A_273, %cond3A_274 : i32
      scf.if %cond3A_275 {
        %add3A_365 = arith.constant 0 : i32
        %add3A_366 = arith.addi %add3A_269, %add3A_365 : i32
        %dma_wait3A_367 = arith.constant 0 : i32
        %dma_wait3A_368 = tpu.memref_slice %arg6[%add3A_366, %dma_wait3A_367] : memref<250x80xi32, #tpu.memory_space<vmem>> -> memref<1x80xi32, #tpu.memory_space<vmem>>
        %dma_wait3A_369 = tpu.memref_squeeze %dma_wait3A_368 : memref<1x80xi32, #tpu.memory_space<vmem>> -> memref<80xi32, #tpu.memory_space<vmem>>
        %dma_wait3A_370 = arith.constant 0 : i32
        %dma_wait3A_371 = tpu.memref_slice %arg2[%arg0, %dma_wait3A_370] : memref<20000x64xf32, #tpu.memory_space<hbm>> -> memref<19999x64xf32, #tpu.memory_space<hbm>>
        %dma_wait3A_372 = arith.constant 0 : i32
        %dma_wait3A_373 = arith.constant 0 : i32
        %dma_wait3A_374 = tpu.memref_slice %dma_wait3A_371[%dma_wait3A_372, %dma_wait3A_373] : memref<19999x64xf32, #tpu.memory_space<hbm>> -> memref<19999x64xf32, #tpu.memory_space<hbm>>
        tpu.wait_indirect_dma semaphore(%arg15 : memref<!tpu.dma_semaphore, #tpu.memory_space<semaphore_mem>>) src(%dma_wait3A_374 : memref<19999x64xf32, #tpu.memory_space<hbm>>) dst(%arg8 : memref<80x64xf32, #tpu.memory_space<vmem>>)
        %add3A_375 = arith.constant 0 : i32
        %add3A_376 = arith.addi %add3A_269, %add3A_375 : i32
        %dma_start3A_377 = arith.constant 0 : i32
        %dma_start3A_378 = tpu.memref_slice %arg7[%add3A_376, %dma_start3A_377] : memref<250x80xi32, #tpu.memory_space<vmem>> -> memref<1x80xi32, #tpu.memory_space<vmem>>
        %dma_start3A_379 = tpu.memref_squeeze %dma_start3A_378 : memref<1x80xi32, #tpu.memory_space<vmem>> -> memref<80xi32, #tpu.memory_space<vmem>>
        %dma_start3A_380 = arith.constant 0 : i32
        %dma_start3A_381 = arith.constant 0 : i32
        %dma_start3A_382 = tpu.memref_slice %arg14[%dma_start3A_380, %dma_start3A_381] : memref<10000x64xf32, #tpu.memory_space<vmem_shared>> -> memref<10000x64xf32, #tpu.memory_space<vmem_shared>>
        tpu.enqueue_indirect_dma source(%arg8 : memref<80x64xf32, #tpu.memory_space<vmem>>) target(%dma_start3A_382 : memref<10000x64xf32, #tpu.memory_space<vmem_shared>>) offsets(%dma_start3A_379 : memref<80xi32, #tpu.memory_space<vmem>>) semaphore(%arg21 : memref<!tpu.dma_semaphore, #tpu.memory_space<semaphore_mem>>) {add = true}
      } else {
      }
      %add3A_276 = arith.constant 1 : i32
      %add3A_277 = arith.addi %add3A_269, %add3A_276 : i32
      %lt3A_278 = arith.constant 250 : i32
      %lt3A_279 = arith.cmpi slt, %add3A_277, %lt3A_278 : i32
      %convert_element_type3A_280 = arith.extui %lt3A_279 : i1 to i32
      %cond3A_281 = arith.constant 0 : i32
      %cond3A_282 = arith.cmpi ne, %convert_element_type3A_280, %cond3A_281 : i32
      scf.if %cond3A_282 {
        %add3A_365 = arith.constant 1 : i32
        %add3A_366 = arith.addi %add3A_269, %add3A_365 : i32
        %dma_wait3A_367 = arith.constant 0 : i32
        %dma_wait3A_368 = tpu.memref_slice %arg6[%add3A_366, %dma_wait3A_367] : memref<250x80xi32, #tpu.memory_space<vmem>> -> memref<1x80xi32, #tpu.memory_space<vmem>>
        %dma_wait3A_369 = tpu.memref_squeeze %dma_wait3A_368 : memref<1x80xi32, #tpu.memory_space<vmem>> -> memref<80xi32, #tpu.memory_space<vmem>>
        %dma_wait3A_370 = arith.constant 0 : i32
        %dma_wait3A_371 = tpu.memref_slice %arg2[%arg0, %dma_wait3A_370] : memref<20000x64xf32, #tpu.memory_space<hbm>> -> memref<19999x64xf32, #tpu.memory_space<hbm>>
        %dma_wait3A_372 = arith.constant 0 : i32
        %dma_wait3A_373 = arith.constant 0 : i32
        %dma_wait3A_374 = tpu.memref_slice %dma_wait3A_371[%dma_wait3A_372, %dma_wait3A_373] : memref<19999x64xf32, #tpu.memory_space<hbm>> -> memref<19999x64xf32, #tpu.memory_space<hbm>>
        tpu.wait_indirect_dma semaphore(%arg16 : memref<!tpu.dma_semaphore, #tpu.memory_space<semaphore_mem>>) src(%dma_wait3A_374 : memref<19999x64xf32, #tpu.memory_space<hbm>>) dst(%arg9 : memref<80x64xf32, #tpu.memory_space<vmem>>)
        %add3A_375 = arith.constant 1 : i32
        %add3A_376 = arith.addi %add3A_269, %add3A_375 : i32
        %dma_start3A_377 = arith.constant 0 : i32
        %dma_start3A_378 = tpu.memref_slice %arg7[%add3A_376, %dma_start3A_377] : memref<250x80xi32, #tpu.memory_space<vmem>> -> memref<1x80xi32, #tpu.memory_space<vmem>>
        %dma_start3A_379 = tpu.memref_squeeze %dma_start3A_378 : memref<1x80xi32, #tpu.memory_space<vmem>> -> memref<80xi32, #tpu.memory_space<vmem>>
        %dma_start3A_380 = arith.constant 0 : i32
        %dma_start3A_381 = arith.constant 0 : i32
        %dma_start3A_382 = tpu.memref_slice %arg14[%dma_start3A_380, %dma_start3A_381] : memref<10000x64xf32, #tpu.memory_space<vmem_shared>> -> memref<10000x64xf32, #tpu.memory_space<vmem_shared>>
        tpu.enqueue_indirect_dma source(%arg9 : memref<80x64xf32, #tpu.memory_space<vmem>>) target(%dma_start3A_382 : memref<10000x64xf32, #tpu.memory_space<vmem_shared>>) offsets(%dma_start3A_379 : memref<80xi32, #tpu.memory_space<vmem>>) semaphore(%arg22 : memref<!tpu.dma_semaphore, #tpu.memory_space<semaphore_mem>>) {add = true}
      } else {
      }
      %add3A_283 = arith.constant 2 : i32
      %add3A_284 = arith.addi %add3A_269, %add3A_283 : i32
      %lt3A_285 = arith.constant 250 : i32
      %lt3A_286 = arith.cmpi slt, %add3A_284, %lt3A_285 : i32
      %convert_element_type3A_287 = arith.extui %lt3A_286 : i1 to i32
      %cond3A_288 = arith.constant 0 : i32
      %cond3A_289 = arith.cmpi ne, %convert_element_type3A_287, %cond3A_288 : i32
      scf.if %cond3A_289 {
        %add3A_365 = arith.constant 2 : i32
        %add3A_366 = arith.addi %add3A_269, %add3A_365 : i32
        %dma_wait3A_367 = arith.constant 0 : i32
        %dma_wait3A_368 = tpu.memref_slice %arg6[%add3A_366, %dma_wait3A_367] : memref<250x80xi32, #tpu.memory_space<vmem>> -> memref<1x80xi32, #tpu.memory_space<vmem>>
        %dma_wait3A_369 = tpu.memref_squeeze %dma_wait3A_368 : memref<1x80xi32, #tpu.memory_space<vmem>> -> memref<80xi32, #tpu.memory_space<vmem>>
        %dma_wait3A_370 = arith.constant 0 : i32
        %dma_wait3A_371 = tpu.memref_slice %arg2[%arg0, %dma_wait3A_370] : memref<20000x64xf32, #tpu.memory_space<hbm>> -> memref<19999x64xf32, #tpu.memory_space<hbm>>
        %dma_wait3A_372 = arith.constant 0 : i32
        %dma_wait3A_373 = arith.constant 0 : i32
        %dma_wait3A_374 = tpu.memref_slice %dma_wait3A_371[%dma_wait3A_372, %dma_wait3A_373] : memref<19999x64xf32, #tpu.memory_space<hbm>> -> memref<19999x64xf32, #tpu.memory_space<hbm>>
        tpu.wait_indirect_dma semaphore(%arg17 : memref<!tpu.dma_semaphore, #tpu.memory_space<semaphore_mem>>) src(%dma_wait3A_374 : memref<19999x64xf32, #tpu.memory_space<hbm>>) dst(%arg10 : memref<80x64xf32, #tpu.memory_space<vmem>>)
        %add3A_375 = arith.constant 2 : i32
        %add3A_376 = arith.addi %add3A_269, %add3A_375 : i32
        %dma_start3A_377 = arith.constant 0 : i32
        %dma_start3A_378 = tpu.memref_slice %arg7[%add3A_376, %dma_start3A_377] : memref<250x80xi32, #tpu.memory_space<vmem>> -> memref<1x80xi32, #tpu.memory_space<vmem>>
        %dma_start3A_379 = tpu.memref_squeeze %dma_start3A_378 : memref<1x80xi32, #tpu.memory_space<vmem>> -> memref<80xi32, #tpu.memory_space<vmem>>
        %dma_start3A_380 = arith.constant 0 : i32
        %dma_start3A_381 = arith.constant 0 : i32
        %dma_start3A_382 = tpu.memref_slice %arg14[%dma_start3A_380, %dma_start3A_381] : memref<10000x64xf32, #tpu.memory_space<vmem_shared>> -> memref<10000x64xf32, #tpu.memory_space<vmem_shared>>
        tpu.enqueue_indirect_dma source(%arg10 : memref<80x64xf32, #tpu.memory_space<vmem>>) target(%dma_start3A_382 : memref<10000x64xf32, #tpu.memory_space<vmem_shared>>) offsets(%dma_start3A_379 : memref<80xi32, #tpu.memory_space<vmem>>) semaphore(%arg23 : memref<!tpu.dma_semaphore, #tpu.memory_space<semaphore_mem>>) {add = true}
      } else {
      }
      %add3A_290 = arith.constant 3 : i32
      %add3A_291 = arith.addi %add3A_269, %add3A_290 : i32
      %lt3A_292 = arith.constant 250 : i32
      %lt3A_293 = arith.cmpi slt, %add3A_291, %lt3A_292 : i32
      %convert_element_type3A_294 = arith.extui %lt3A_293 : i1 to i32
      %cond3A_295 = arith.constant 0 : i32
      %cond3A_296 = arith.cmpi ne, %convert_element_type3A_294, %cond3A_295 : i32
      scf.if %cond3A_296 {
        %add3A_365 = arith.constant 3 : i32
        %add3A_366 = arith.addi %add3A_269, %add3A_365 : i32
        %dma_wait3A_367 = arith.constant 0 : i32
        %dma_wait3A_368 = tpu.memref_slice %arg6[%add3A_366, %dma_wait3A_367] : memref<250x80xi32, #tpu.memory_space<vmem>> -> memref<1x80xi32, #tpu.memory_space<vmem>>
        %dma_wait3A_369 = tpu.memref_squeeze %dma_wait3A_368 : memref<1x80xi32, #tpu.memory_space<vmem>> -> memref<80xi32, #tpu.memory_space<vmem>>
        %dma_wait3A_370 = arith.constant 0 : i32
        %dma_wait3A_371 = tpu.memref_slice %arg2[%arg0, %dma_wait3A_370] : memref<20000x64xf32, #tpu.memory_space<hbm>> -> memref<19999x64xf32, #tpu.memory_space<hbm>>
        %dma_wait3A_372 = arith.constant 0 : i32
        %dma_wait3A_373 = arith.constant 0 : i32
        %dma_wait3A_374 = tpu.memref_slice %dma_wait3A_371[%dma_wait3A_372, %dma_wait3A_373] : memref<19999x64xf32, #tpu.memory_space<hbm>> -> memref<19999x64xf32, #tpu.memory_space<hbm>>
        tpu.wait_indirect_dma semaphore(%arg18 : memref<!tpu.dma_semaphore, #tpu.memory_space<semaphore_mem>>) src(%dma_wait3A_374 : memref<19999x64xf32, #tpu.memory_space<hbm>>) dst(%arg11 : memref<80x64xf32, #tpu.memory_space<vmem>>)
        %add3A_375 = arith.constant 3 : i32
        %add3A_376 = arith.addi %add3A_269, %add3A_375 : i32
        %dma_start3A_377 = arith.constant 0 : i32
        %dma_start3A_378 = tpu.memref_slice %arg7[%add3A_376, %dma_start3A_377] : memref<250x80xi32, #tpu.memory_space<vmem>> -> memref<1x80xi32, #tpu.memory_space<vmem>>
        %dma_start3A_379 = tpu.memref_squeeze %dma_start3A_378 : memref<1x80xi32, #tpu.memory_space<vmem>> -> memref<80xi32, #tpu.memory_space<vmem>>
        %dma_start3A_380 = arith.constant 0 : i32
        %dma_start3A_381 = arith.constant 0 : i32
        %dma_start3A_382 = tpu.memref_slice %arg14[%dma_start3A_380, %dma_start3A_381] : memref<10000x64xf32, #tpu.memory_space<vmem_shared>> -> memref<10000x64xf32, #tpu.memory_space<vmem_shared>>
        tpu.enqueue_indirect_dma source(%arg11 : memref<80x64xf32, #tpu.memory_space<vmem>>) target(%dma_start3A_382 : memref<10000x64xf32, #tpu.memory_space<vmem_shared>>) offsets(%dma_start3A_379 : memref<80xi32, #tpu.memory_space<vmem>>) semaphore(%arg24 : memref<!tpu.dma_semaphore, #tpu.memory_space<semaphore_mem>>) {add = true}
      } else {
      }
      %add3A_297 = arith.constant 4 : i32
      %add3A_298 = arith.addi %add3A_269, %add3A_297 : i32
      %lt3A_299 = arith.constant 250 : i32
      %lt3A_300 = arith.cmpi slt, %add3A_298, %lt3A_299 : i32
      %convert_element_type3A_301 = arith.extui %lt3A_300 : i1 to i32
      %cond3A_302 = arith.constant 0 : i32
      %cond3A_303 = arith.cmpi ne, %convert_element_type3A_301, %cond3A_302 : i32
      scf.if %cond3A_303 {
        %add3A_365 = arith.constant 4 : i32
        %add3A_366 = arith.addi %add3A_269, %add3A_365 : i32
        %dma_wait3A_367 = arith.constant 0 : i32
        %dma_wait3A_368 = tpu.memref_slice %arg6[%add3A_366, %dma_wait3A_367] : memref<250x80xi32, #tpu.memory_space<vmem>> -> memref<1x80xi32, #tpu.memory_space<vmem>>
        %dma_wait3A_369 = tpu.memref_squeeze %dma_wait3A_368 : memref<1x80xi32, #tpu.memory_space<vmem>> -> memref<80xi32, #tpu.memory_space<vmem>>
        %dma_wait3A_370 = arith.constant 0 : i32
        %dma_wait3A_371 = tpu.memref_slice %arg2[%arg0, %dma_wait3A_370] : memref<20000x64xf32, #tpu.memory_space<hbm>> -> memref<19999x64xf32, #tpu.memory_space<hbm>>
        %dma_wait3A_372 = arith.constant 0 : i32
        %dma_wait3A_373 = arith.constant 0 : i32
        %dma_wait3A_374 = tpu.memref_slice %dma_wait3A_371[%dma_wait3A_372, %dma_wait3A_373] : memref<19999x64xf32, #tpu.memory_space<hbm>> -> memref<19999x64xf32, #tpu.memory_space<hbm>>
        tpu.wait_indirect_dma semaphore(%arg19 : memref<!tpu.dma_semaphore, #tpu.memory_space<semaphore_mem>>) src(%dma_wait3A_374 : memref<19999x64xf32, #tpu.memory_space<hbm>>) dst(%arg12 : memref<80x64xf32, #tpu.memory_space<vmem>>)
        %add3A_375 = arith.constant 4 : i32
        %add3A_376 = arith.addi %add3A_269, %add3A_375 : i32
        %dma_start3A_377 = arith.constant 0 : i32
        %dma_start3A_378 = tpu.memref_slice %arg7[%add3A_376, %dma_start3A_377] : memref<250x80xi32, #tpu.memory_space<vmem>> -> memref<1x80xi32, #tpu.memory_space<vmem>>
        %dma_start3A_379 = tpu.memref_squeeze %dma_start3A_378 : memref<1x80xi32, #tpu.memory_space<vmem>> -> memref<80xi32, #tpu.memory_space<vmem>>
        %dma_start3A_380 = arith.constant 0 : i32
        %dma_start3A_381 = arith.constant 0 : i32
        %dma_start3A_382 = tpu.memref_slice %arg14[%dma_start3A_380, %dma_start3A_381] : memref<10000x64xf32, #tpu.memory_space<vmem_shared>> -> memref<10000x64xf32, #tpu.memory_space<vmem_shared>>
        tpu.enqueue_indirect_dma source(%arg12 : memref<80x64xf32, #tpu.memory_space<vmem>>) target(%dma_start3A_382 : memref<10000x64xf32, #tpu.memory_space<vmem_shared>>) offsets(%dma_start3A_379 : memref<80xi32, #tpu.memory_space<vmem>>) semaphore(%arg25 : memref<!tpu.dma_semaphore, #tpu.memory_space<semaphore_mem>>) {add = true}
      } else {
      }
      %add3A_304 = arith.constant 5 : i32
      %add3A_305 = arith.addi %add3A_269, %add3A_304 : i32
      %lt3A_306 = arith.constant 250 : i32
      %lt3A_307 = arith.cmpi slt, %add3A_305, %lt3A_306 : i32
      %convert_element_type3A_308 = arith.extui %lt3A_307 : i1 to i32
      %cond3A_309 = arith.constant 0 : i32
      %cond3A_310 = arith.cmpi ne, %convert_element_type3A_308, %cond3A_309 : i32
      scf.if %cond3A_310 {
        %add3A_365 = arith.constant 5 : i32
        %add3A_366 = arith.addi %add3A_269, %add3A_365 : i32
        %dma_wait3A_367 = arith.constant 0 : i32
        %dma_wait3A_368 = tpu.memref_slice %arg6[%add3A_366, %dma_wait3A_367] : memref<250x80xi32, #tpu.memory_space<vmem>> -> memref<1x80xi32, #tpu.memory_space<vmem>>
        %dma_wait3A_369 = tpu.memref_squeeze %dma_wait3A_368 : memref<1x80xi32, #tpu.memory_space<vmem>> -> memref<80xi32, #tpu.memory_space<vmem>>
        %dma_wait3A_370 = arith.constant 0 : i32
        %dma_wait3A_371 = tpu.memref_slice %arg2[%arg0, %dma_wait3A_370] : memref<20000x64xf32, #tpu.memory_space<hbm>> -> memref<19999x64xf32, #tpu.memory_space<hbm>>
        %dma_wait3A_372 = arith.constant 0 : i32
        %dma_wait3A_373 = arith.constant 0 : i32
        %dma_wait3A_374 = tpu.memref_slice %dma_wait3A_371[%dma_wait3A_372, %dma_wait3A_373] : memref<19999x64xf32, #tpu.memory_space<hbm>> -> memref<19999x64xf32, #tpu.memory_space<hbm>>
        tpu.wait_indirect_dma semaphore(%arg20 : memref<!tpu.dma_semaphore, #tpu.memory_space<semaphore_mem>>) src(%dma_wait3A_374 : memref<19999x64xf32, #tpu.memory_space<hbm>>) dst(%arg13 : memref<80x64xf32, #tpu.memory_space<vmem>>)
        %add3A_375 = arith.constant 5 : i32
        %add3A_376 = arith.addi %add3A_269, %add3A_375 : i32
        %dma_start3A_377 = arith.constant 0 : i32
        %dma_start3A_378 = tpu.memref_slice %arg7[%add3A_376, %dma_start3A_377] : memref<250x80xi32, #tpu.memory_space<vmem>> -> memref<1x80xi32, #tpu.memory_space<vmem>>
        %dma_start3A_379 = tpu.memref_squeeze %dma_start3A_378 : memref<1x80xi32, #tpu.memory_space<vmem>> -> memref<80xi32, #tpu.memory_space<vmem>>
        %dma_start3A_380 = arith.constant 0 : i32
        %dma_start3A_381 = arith.constant 0 : i32
        %dma_start3A_382 = tpu.memref_slice %arg14[%dma_start3A_380, %dma_start3A_381] : memref<10000x64xf32, #tpu.memory_space<vmem_shared>> -> memref<10000x64xf32, #tpu.memory_space<vmem_shared>>
        tpu.enqueue_indirect_dma source(%arg13 : memref<80x64xf32, #tpu.memory_space<vmem>>) target(%dma_start3A_382 : memref<10000x64xf32, #tpu.memory_space<vmem_shared>>) offsets(%dma_start3A_379 : memref<80xi32, #tpu.memory_space<vmem>>) semaphore(%arg26 : memref<!tpu.dma_semaphore, #tpu.memory_space<semaphore_mem>>) {add = true}
      } else {
      }
      %add3A_311 = arith.constant 0 : i32
      %add3A_312 = arith.addi %add3A_269, %add3A_311 : i32
      %add3A_313 = arith.constant 6 : i32
      %add3A_314 = arith.addi %add3A_312, %add3A_313 : i32
      %lt3A_315 = arith.constant 250 : i32
      %lt3A_316 = arith.cmpi slt, %add3A_314, %lt3A_315 : i32
      %convert_element_type3A_317 = arith.extui %lt3A_316 : i1 to i32
      %cond3A_318 = arith.constant 0 : i32
      %cond3A_319 = arith.cmpi ne, %convert_element_type3A_317, %cond3A_318 : i32
      scf.if %cond3A_319 {
        %add3A_365 = arith.constant 0 : i32
        %add3A_366 = arith.addi %add3A_269, %add3A_365 : i32
        %dma_wait3A_367 = arith.constant 0 : i32
        %dma_wait3A_368 = tpu.memref_slice %arg7[%add3A_366, %dma_wait3A_367] : memref<250x80xi32, #tpu.memory_space<vmem>> -> memref<1x80xi32, #tpu.memory_space<vmem>>
        %dma_wait3A_369 = tpu.memref_squeeze %dma_wait3A_368 : memref<1x80xi32, #tpu.memory_space<vmem>> -> memref<80xi32, #tpu.memory_space<vmem>>
        %dma_wait3A_370 = arith.constant 0 : i32
        %dma_wait3A_371 = arith.constant 0 : i32
        %dma_wait3A_372 = tpu.memref_slice %arg14[%dma_wait3A_370, %dma_wait3A_371] : memref<10000x64xf32, #tpu.memory_space<vmem_shared>> -> memref<10000x64xf32, #tpu.memory_space<vmem_shared>>
        tpu.wait_indirect_dma semaphore(%arg21 : memref<!tpu.dma_semaphore, #tpu.memory_space<semaphore_mem>>) src(%arg8 : memref<80x64xf32, #tpu.memory_space<vmem>>) dst(%dma_wait3A_372 : memref<10000x64xf32, #tpu.memory_space<vmem_shared>>)
        %add3A_373 = arith.constant 0 : i32
        %add3A_374 = arith.addi %add3A_269, %add3A_373 : i32
        %add3A_375 = arith.constant 6 : i32
        %add3A_376 = arith.addi %add3A_374, %add3A_375 : i32
        %dma_start3A_377 = arith.constant 0 : i32
        %dma_start3A_378 = tpu.memref_slice %arg6[%add3A_376, %dma_start3A_377] : memref<250x80xi32, #tpu.memory_space<vmem>> -> memref<1x80xi32, #tpu.memory_space<vmem>>
        %dma_start3A_379 = tpu.memref_squeeze %dma_start3A_378 : memref<1x80xi32, #tpu.memory_space<vmem>> -> memref<80xi32, #tpu.memory_space<vmem>>
        %dma_start3A_380 = arith.constant 0 : i32
        %dma_start3A_381 = tpu.memref_slice %arg2[%arg0, %dma_start3A_380] : memref<20000x64xf32, #tpu.memory_space<hbm>> -> memref<19999x64xf32, #tpu.memory_space<hbm>>
        %dma_start3A_382 = arith.constant 0 : i32
        %dma_start3A_383 = arith.constant 0 : i32
        %dma_start3A_384 = tpu.memref_slice %dma_start3A_381[%dma_start3A_382, %dma_start3A_383] : memref<19999x64xf32, #tpu.memory_space<hbm>> -> memref<19999x64xf32, #tpu.memory_space<hbm>>
        tpu.enqueue_indirect_dma source(%dma_start3A_384 : memref<19999x64xf32, #tpu.memory_space<hbm>>) target(%arg8 : memref<80x64xf32, #tpu.memory_space<vmem>>) offsets(%dma_start3A_379 : memref<80xi32, #tpu.memory_space<vmem>>) semaphore(%arg15 : memref<!tpu.dma_semaphore, #tpu.memory_space<semaphore_mem>>)
      } else {
      }
      %add3A_320 = arith.constant 1 : i32
      %add3A_321 = arith.addi %add3A_269, %add3A_320 : i32
      %add3A_322 = arith.constant 6 : i32
      %add3A_323 = arith.addi %add3A_321, %add3A_322 : i32
      %lt3A_324 = arith.constant 250 : i32
      %lt3A_325 = arith.cmpi slt, %add3A_323, %lt3A_324 : i32
      %convert_element_type3A_326 = arith.extui %lt3A_325 : i1 to i32
      %cond3A_327 = arith.constant 0 : i32
      %cond3A_328 = arith.cmpi ne, %convert_element_type3A_326, %cond3A_327 : i32
      scf.if %cond3A_328 {
        %add3A_365 = arith.constant 1 : i32
        %add3A_366 = arith.addi %add3A_269, %add3A_365 : i32
        %dma_wait3A_367 = arith.constant 0 : i32
        %dma_wait3A_368 = tpu.memref_slice %arg7[%add3A_366, %dma_wait3A_367] : memref<250x80xi32, #tpu.memory_space<vmem>> -> memref<1x80xi32, #tpu.memory_space<vmem>>
        %dma_wait3A_369 = tpu.memref_squeeze %dma_wait3A_368 : memref<1x80xi32, #tpu.memory_space<vmem>> -> memref<80xi32, #tpu.memory_space<vmem>>
        %dma_wait3A_370 = arith.constant 0 : i32
        %dma_wait3A_371 = arith.constant 0 : i32
        %dma_wait3A_372 = tpu.memref_slice %arg14[%dma_wait3A_370, %dma_wait3A_371] : memref<10000x64xf32, #tpu.memory_space<vmem_shared>> -> memref<10000x64xf32, #tpu.memory_space<vmem_shared>>
        tpu.wait_indirect_dma semaphore(%arg22 : memref<!tpu.dma_semaphore, #tpu.memory_space<semaphore_mem>>) src(%arg9 : memref<80x64xf32, #tpu.memory_space<vmem>>) dst(%dma_wait3A_372 : memref<10000x64xf32, #tpu.memory_space<vmem_shared>>)
        %add3A_373 = arith.constant 1 : i32
        %add3A_374 = arith.addi %add3A_269, %add3A_373 : i32
        %add3A_375 = arith.constant 6 : i32
        %add3A_376 = arith.addi %add3A_374, %add3A_375 : i32
        %dma_start3A_377 = arith.constant 0 : i32
        %dma_start3A_378 = tpu.memref_slice %arg6[%add3A_376, %dma_start3A_377] : memref<250x80xi32, #tpu.memory_space<vmem>> -> memref<1x80xi32, #tpu.memory_space<vmem>>
        %dma_start3A_379 = tpu.memref_squeeze %dma_start3A_378 : memref<1x80xi32, #tpu.memory_space<vmem>> -> memref<80xi32, #tpu.memory_space<vmem>>
        %dma_start3A_380 = arith.constant 0 : i32
        %dma_start3A_381 = tpu.memref_slice %arg2[%arg0, %dma_start3A_380] : memref<20000x64xf32, #tpu.memory_space<hbm>> -> memref<19999x64xf32, #tpu.memory_space<hbm>>
        %dma_start3A_382 = arith.constant 0 : i32
        %dma_start3A_383 = arith.constant 0 : i32
        %dma_start3A_384 = tpu.memref_slice %dma_start3A_381[%dma_start3A_382, %dma_start3A_383] : memref<19999x64xf32, #tpu.memory_space<hbm>> -> memref<19999x64xf32, #tpu.memory_space<hbm>>
        tpu.enqueue_indirect_dma source(%dma_start3A_384 : memref<19999x64xf32, #tpu.memory_space<hbm>>) target(%arg9 : memref<80x64xf32, #tpu.memory_space<vmem>>) offsets(%dma_start3A_379 : memref<80xi32, #tpu.memory_space<vmem>>) semaphore(%arg16 : memref<!tpu.dma_semaphore, #tpu.memory_space<semaphore_mem>>)
      } else {
      }
      %add3A_329 = arith.constant 2 : i32
      %add3A_330 = arith.addi %add3A_269, %add3A_329 : i32
      %add3A_331 = arith.constant 6 : i32
      %add3A_332 = arith.addi %add3A_330, %add3A_331 : i32
      %lt3A_333 = arith.constant 250 : i32
      %lt3A_334 = arith.cmpi slt, %add3A_332, %lt3A_333 : i32
      %convert_element_type3A_335 = arith.extui %lt3A_334 : i1 to i32
      %cond3A_336 = arith.constant 0 : i32
      %cond3A_337 = arith.cmpi ne, %convert_element_type3A_335, %cond3A_336 : i32
      scf.if %cond3A_337 {
        %add3A_365 = arith.constant 2 : i32
        %add3A_366 = arith.addi %add3A_269, %add3A_365 : i32
        %dma_wait3A_367 = arith.constant 0 : i32
        %dma_wait3A_368 = tpu.memref_slice %arg7[%add3A_366, %dma_wait3A_367] : memref<250x80xi32, #tpu.memory_space<vmem>> -> memref<1x80xi32, #tpu.memory_space<vmem>>
        %dma_wait3A_369 = tpu.memref_squeeze %dma_wait3A_368 : memref<1x80xi32, #tpu.memory_space<vmem>> -> memref<80xi32, #tpu.memory_space<vmem>>
        %dma_wait3A_370 = arith.constant 0 : i32
        %dma_wait3A_371 = arith.constant 0 : i32
        %dma_wait3A_372 = tpu.memref_slice %arg14[%dma_wait3A_370, %dma_wait3A_371] : memref<10000x64xf32, #tpu.memory_space<vmem_shared>> -> memref<10000x64xf32, #tpu.memory_space<vmem_shared>>
        tpu.wait_indirect_dma semaphore(%arg23 : memref<!tpu.dma_semaphore, #tpu.memory_space<semaphore_mem>>) src(%arg10 : memref<80x64xf32, #tpu.memory_space<vmem>>) dst(%dma_wait3A_372 : memref<10000x64xf32, #tpu.memory_space<vmem_shared>>)
        %add3A_373 = arith.constant 2 : i32
        %add3A_374 = arith.addi %add3A_269, %add3A_373 : i32
        %add3A_375 = arith.constant 6 : i32
        %add3A_376 = arith.addi %add3A_374, %add3A_375 : i32
        %dma_start3A_377 = arith.constant 0 : i32
        %dma_start3A_378 = tpu.memref_slice %arg6[%add3A_376, %dma_start3A_377] : memref<250x80xi32, #tpu.memory_space<vmem>> -> memref<1x80xi32, #tpu.memory_space<vmem>>
        %dma_start3A_379 = tpu.memref_squeeze %dma_start3A_378 : memref<1x80xi32, #tpu.memory_space<vmem>> -> memref<80xi32, #tpu.memory_space<vmem>>
        %dma_start3A_380 = arith.constant 0 : i32
        %dma_start3A_381 = tpu.memref_slice %arg2[%arg0, %dma_start3A_380] : memref<20000x64xf32, #tpu.memory_space<hbm>> -> memref<19999x64xf32, #tpu.memory_space<hbm>>
        %dma_start3A_382 = arith.constant 0 : i32
        %dma_start3A_383 = arith.constant 0 : i32
        %dma_start3A_384 = tpu.memref_slice %dma_start3A_381[%dma_start3A_382, %dma_start3A_383] : memref<19999x64xf32, #tpu.memory_space<hbm>> -> memref<19999x64xf32, #tpu.memory_space<hbm>>
        tpu.enqueue_indirect_dma source(%dma_start3A_384 : memref<19999x64xf32, #tpu.memory_space<hbm>>) target(%arg10 : memref<80x64xf32, #tpu.memory_space<vmem>>) offsets(%dma_start3A_379 : memref<80xi32, #tpu.memory_space<vmem>>) semaphore(%arg17 : memref<!tpu.dma_semaphore, #tpu.memory_space<semaphore_mem>>)
      } else {
      }
      %add3A_338 = arith.constant 3 : i32
      %add3A_339 = arith.addi %add3A_269, %add3A_338 : i32
      %add3A_340 = arith.constant 6 : i32
      %add3A_341 = arith.addi %add3A_339, %add3A_340 : i32
      %lt3A_342 = arith.constant 250 : i32
      %lt3A_343 = arith.cmpi slt, %add3A_341, %lt3A_342 : i32
      %convert_element_type3A_344 = arith.extui %lt3A_343 : i1 to i32
      %cond3A_345 = arith.constant 0 : i32
      %cond3A_346 = arith.cmpi ne, %convert_element_type3A_344, %cond3A_345 : i32
      scf.if %cond3A_346 {
        %add3A_365 = arith.constant 3 : i32
        %add3A_366 = arith.addi %add3A_269, %add3A_365 : i32
        %dma_wait3A_367 = arith.constant 0 : i32
        %dma_wait3A_368 = tpu.memref_slice %arg7[%add3A_366, %dma_wait3A_367] : memref<250x80xi32, #tpu.memory_space<vmem>> -> memref<1x80xi32, #tpu.memory_space<vmem>>
        %dma_wait3A_369 = tpu.memref_squeeze %dma_wait3A_368 : memref<1x80xi32, #tpu.memory_space<vmem>> -> memref<80xi32, #tpu.memory_space<vmem>>
        %dma_wait3A_370 = arith.constant 0 : i32
        %dma_wait3A_371 = arith.constant 0 : i32
        %dma_wait3A_372 = tpu.memref_slice %arg14[%dma_wait3A_370, %dma_wait3A_371] : memref<10000x64xf32, #tpu.memory_space<vmem_shared>> -> memref<10000x64xf32, #tpu.memory_space<vmem_shared>>
        tpu.wait_indirect_dma semaphore(%arg24 : memref<!tpu.dma_semaphore, #tpu.memory_space<semaphore_mem>>) src(%arg11 : memref<80x64xf32, #tpu.memory_space<vmem>>) dst(%dma_wait3A_372 : memref<10000x64xf32, #tpu.memory_space<vmem_shared>>)
        %add3A_373 = arith.constant 3 : i32
        %add3A_374 = arith.addi %add3A_269, %add3A_373 : i32
        %add3A_375 = arith.constant 6 : i32
        %add3A_376 = arith.addi %add3A_374, %add3A_375 : i32
        %dma_start3A_377 = arith.constant 0 : i32
        %dma_start3A_378 = tpu.memref_slice %arg6[%add3A_376, %dma_start3A_377] : memref<250x80xi32, #tpu.memory_space<vmem>> -> memref<1x80xi32, #tpu.memory_space<vmem>>
        %dma_start3A_379 = tpu.memref_squeeze %dma_start3A_378 : memref<1x80xi32, #tpu.memory_space<vmem>> -> memref<80xi32, #tpu.memory_space<vmem>>
        %dma_start3A_380 = arith.constant 0 : i32
        %dma_start3A_381 = tpu.memref_slice %arg2[%arg0, %dma_start3A_380] : memref<20000x64xf32, #tpu.memory_space<hbm>> -> memref<19999x64xf32, #tpu.memory_space<hbm>>
        %dma_start3A_382 = arith.constant 0 : i32
        %dma_start3A_383 = arith.constant 0 : i32
        %dma_start3A_384 = tpu.memref_slice %dma_start3A_381[%dma_start3A_382, %dma_start3A_383] : memref<19999x64xf32, #tpu.memory_space<hbm>> -> memref<19999x64xf32, #tpu.memory_space<hbm>>
        tpu.enqueue_indirect_dma source(%dma_start3A_384 : memref<19999x64xf32, #tpu.memory_space<hbm>>) target(%arg11 : memref<80x64xf32, #tpu.memory_space<vmem>>) offsets(%dma_start3A_379 : memref<80xi32, #tpu.memory_space<vmem>>) semaphore(%arg18 : memref<!tpu.dma_semaphore, #tpu.memory_space<semaphore_mem>>)
      } else {
      }
      %add3A_347 = arith.constant 4 : i32
      %add3A_348 = arith.addi %add3A_269, %add3A_347 : i32
      %add3A_349 = arith.constant 6 : i32
      %add3A_350 = arith.addi %add3A_348, %add3A_349 : i32
      %lt3A_351 = arith.constant 250 : i32
      %lt3A_352 = arith.cmpi slt, %add3A_350, %lt3A_351 : i32
      %convert_element_type3A_353 = arith.extui %lt3A_352 : i1 to i32
      %cond3A_354 = arith.constant 0 : i32
      %cond3A_355 = arith.cmpi ne, %convert_element_type3A_353, %cond3A_354 : i32
      scf.if %cond3A_355 {
        %add3A_365 = arith.constant 4 : i32
        %add3A_366 = arith.addi %add3A_269, %add3A_365 : i32
        %dma_wait3A_367 = arith.constant 0 : i32
        %dma_wait3A_368 = tpu.memref_slice %arg7[%add3A_366, %dma_wait3A_367] : memref<250x80xi32, #tpu.memory_space<vmem>> -> memref<1x80xi32, #tpu.memory_space<vmem>>
        %dma_wait3A_369 = tpu.memref_squeeze %dma_wait3A_368 : memref<1x80xi32, #tpu.memory_space<vmem>> -> memref<80xi32, #tpu.memory_space<vmem>>
        %dma_wait3A_370 = arith.constant 0 : i32
        %dma_wait3A_371 = arith.constant 0 : i32
        %dma_wait3A_372 = tpu.memref_slice %arg14[%dma_wait3A_370, %dma_wait3A_371] : memref<10000x64xf32, #tpu.memory_space<vmem_shared>> -> memref<10000x64xf32, #tpu.memory_space<vmem_shared>>
        tpu.wait_indirect_dma semaphore(%arg25 : memref<!tpu.dma_semaphore, #tpu.memory_space<semaphore_mem>>) src(%arg12 : memref<80x64xf32, #tpu.memory_space<vmem>>) dst(%dma_wait3A_372 : memref<10000x64xf32, #tpu.memory_space<vmem_shared>>)
        %add3A_373 = arith.constant 4 : i32
        %add3A_374 = arith.addi %add3A_269, %add3A_373 : i32
        %add3A_375 = arith.constant 6 : i32
        %add3A_376 = arith.addi %add3A_374, %add3A_375 : i32
        %dma_start3A_377 = arith.constant 0 : i32
        %dma_start3A_378 = tpu.memref_slice %arg6[%add3A_376, %dma_start3A_377] : memref<250x80xi32, #tpu.memory_space<vmem>> -> memref<1x80xi32, #tpu.memory_space<vmem>>
        %dma_start3A_379 = tpu.memref_squeeze %dma_start3A_378 : memref<1x80xi32, #tpu.memory_space<vmem>> -> memref<80xi32, #tpu.memory_space<vmem>>
        %dma_start3A_380 = arith.constant 0 : i32
        %dma_start3A_381 = tpu.memref_slice %arg2[%arg0, %dma_start3A_380] : memref<20000x64xf32, #tpu.memory_space<hbm>> -> memref<19999x64xf32, #tpu.memory_space<hbm>>
        %dma_start3A_382 = arith.constant 0 : i32
        %dma_start3A_383 = arith.constant 0 : i32
        %dma_start3A_384 = tpu.memref_slice %dma_start3A_381[%dma_start3A_382, %dma_start3A_383] : memref<19999x64xf32, #tpu.memory_space<hbm>> -> memref<19999x64xf32, #tpu.memory_space<hbm>>
        tpu.enqueue_indirect_dma source(%dma_start3A_384 : memref<19999x64xf32, #tpu.memory_space<hbm>>) target(%arg12 : memref<80x64xf32, #tpu.memory_space<vmem>>) offsets(%dma_start3A_379 : memref<80xi32, #tpu.memory_space<vmem>>) semaphore(%arg19 : memref<!tpu.dma_semaphore, #tpu.memory_space<semaphore_mem>>)
      } else {
      }
      %add3A_356 = arith.constant 5 : i32
      %add3A_357 = arith.addi %add3A_269, %add3A_356 : i32
      %add3A_358 = arith.constant 6 : i32
      %add3A_359 = arith.addi %add3A_357, %add3A_358 : i32
      %lt3A_360 = arith.constant 250 : i32
      %lt3A_361 = arith.cmpi slt, %add3A_359, %lt3A_360 : i32
      %convert_element_type3A_362 = arith.extui %lt3A_361 : i1 to i32
      %cond3A_363 = arith.constant 0 : i32
      %cond3A_364 = arith.cmpi ne, %convert_element_type3A_362, %cond3A_363 : i32
      scf.if %cond3A_364 {
        %add3A_365 = arith.constant 5 : i32
        %add3A_366 = arith.addi %add3A_269, %add3A_365 : i32
        %dma_wait3A_367 = arith.constant 0 : i32
        %dma_wait3A_368 = tpu.memref_slice %arg7[%add3A_366, %dma_wait3A_367] : memref<250x80xi32, #tpu.memory_space<vmem>> -> memref<1x80xi32, #tpu.memory_space<vmem>>
        %dma_wait3A_369 = tpu.memref_squeeze %dma_wait3A_368 : memref<1x80xi32, #tpu.memory_space<vmem>> -> memref<80xi32, #tpu.memory_space<vmem>>
        %dma_wait3A_370 = arith.constant 0 : i32
        %dma_wait3A_371 = arith.constant 0 : i32
        %dma_wait3A_372 = tpu.memref_slice %arg14[%dma_wait3A_370, %dma_wait3A_371] : memref<10000x64xf32, #tpu.memory_space<vmem_shared>> -> memref<10000x64xf32, #tpu.memory_space<vmem_shared>>
        tpu.wait_indirect_dma semaphore(%arg26 : memref<!tpu.dma_semaphore, #tpu.memory_space<semaphore_mem>>) src(%arg13 : memref<80x64xf32, #tpu.memory_space<vmem>>) dst(%dma_wait3A_372 : memref<10000x64xf32, #tpu.memory_space<vmem_shared>>)
        %add3A_373 = arith.constant 5 : i32
        %add3A_374 = arith.addi %add3A_269, %add3A_373 : i32
        %add3A_375 = arith.constant 6 : i32
        %add3A_376 = arith.addi %add3A_374, %add3A_375 : i32
        %dma_start3A_377 = arith.constant 0 : i32
        %dma_start3A_378 = tpu.memref_slice %arg6[%add3A_376, %dma_start3A_377] : memref<250x80xi32, #tpu.memory_space<vmem>> -> memref<1x80xi32, #tpu.memory_space<vmem>>
        %dma_start3A_379 = tpu.memref_squeeze %dma_start3A_378 : memref<1x80xi32, #tpu.memory_space<vmem>> -> memref<80xi32, #tpu.memory_space<vmem>>
        %dma_start3A_380 = arith.constant 0 : i32
        %dma_start3A_381 = tpu.memref_slice %arg2[%arg0, %dma_start3A_380] : memref<20000x64xf32, #tpu.memory_space<hbm>> -> memref<19999x64xf32, #tpu.memory_space<hbm>>
        %dma_start3A_382 = arith.constant 0 : i32
        %dma_start3A_383 = arith.constant 0 : i32
        %dma_start3A_384 = tpu.memref_slice %dma_start3A_381[%dma_start3A_382, %dma_start3A_383] : memref<19999x64xf32, #tpu.memory_space<hbm>> -> memref<19999x64xf32, #tpu.memory_space<hbm>>
        tpu.enqueue_indirect_dma source(%dma_start3A_384 : memref<19999x64xf32, #tpu.memory_space<hbm>>) target(%arg13 : memref<80x64xf32, #tpu.memory_space<vmem>>) offsets(%dma_start3A_379 : memref<80xi32, #tpu.memory_space<vmem>>) semaphore(%arg20 : memref<!tpu.dma_semaphore, #tpu.memory_space<semaphore_mem>>)
      } else {
      }
    }
    %scan3A_215 = arith.constant 42 : i32
    %dma_wait3A_216 = arith.constant 0 : i32
    %dma_wait3A_217 = arith.constant 0 : i32
    %dma_wait3A_218 = tpu.memref_slice %arg7[%dma_wait3A_216, %dma_wait3A_217] : memref<250x80xi32, #tpu.memory_space<vmem>> -> memref<1x80xi32, #tpu.memory_space<vmem>>
    %dma_wait3A_219 = tpu.memref_squeeze %dma_wait3A_218 : memref<1x80xi32, #tpu.memory_space<vmem>> -> memref<80xi32, #tpu.memory_space<vmem>>
    %dma_wait3A_220 = arith.constant 0 : i32
    %dma_wait3A_221 = arith.constant 0 : i32
    %dma_wait3A_222 = tpu.memref_slice %arg14[%dma_wait3A_220, %dma_wait3A_221] : memref<10000x64xf32, #tpu.memory_space<vmem_shared>> -> memref<10000x64xf32, #tpu.memory_space<vmem_shared>>
    tpu.wait_indirect_dma semaphore(%arg21 : memref<!tpu.dma_semaphore, #tpu.memory_space<semaphore_mem>>) src(%arg8 : memref<80x64xf32, #tpu.memory_space<vmem>>) dst(%dma_wait3A_222 : memref<10000x64xf32, #tpu.memory_space<vmem_shared>>)
    %dma_wait3A_223 = arith.constant 0 : i32
    %dma_wait3A_224 = arith.constant 0 : i32
    %dma_wait3A_225 = tpu.memref_slice %arg7[%dma_wait3A_223, %dma_wait3A_224] : memref<250x80xi32, #tpu.memory_space<vmem>> -> memref<1x80xi32, #tpu.memory_space<vmem>>
    %dma_wait3A_226 = tpu.memref_squeeze %dma_wait3A_225 : memref<1x80xi32, #tpu.memory_space<vmem>> -> memref<80xi32, #tpu.memory_space<vmem>>
    %dma_wait3A_227 = arith.constant 0 : i32
    %dma_wait3A_228 = arith.constant 0 : i32
    %dma_wait3A_229 = tpu.memref_slice %arg14[%dma_wait3A_227, %dma_wait3A_228] : memref<10000x64xf32, #tpu.memory_space<vmem_shared>> -> memref<10000x64xf32, #tpu.memory_space<vmem_shared>>
    tpu.wait_indirect_dma semaphore(%arg22 : memref<!tpu.dma_semaphore, #tpu.memory_space<semaphore_mem>>) src(%arg9 : memref<80x64xf32, #tpu.memory_space<vmem>>) dst(%dma_wait3A_229 : memref<10000x64xf32, #tpu.memory_space<vmem_shared>>)
    %dma_wait3A_230 = arith.constant 0 : i32
    %dma_wait3A_231 = arith.constant 0 : i32
    %dma_wait3A_232 = tpu.memref_slice %arg7[%dma_wait3A_230, %dma_wait3A_231] : memref<250x80xi32, #tpu.memory_space<vmem>> -> memref<1x80xi32, #tpu.memory_space<vmem>>
    %dma_wait3A_233 = tpu.memref_squeeze %dma_wait3A_232 : memref<1x80xi32, #tpu.memory_space<vmem>> -> memref<80xi32, #tpu.memory_space<vmem>>
    %dma_wait3A_234 = arith.constant 0 : i32
    %dma_wait3A_235 = arith.constant 0 : i32
    %dma_wait3A_236 = tpu.memref_slice %arg14[%dma_wait3A_234, %dma_wait3A_235] : memref<10000x64xf32, #tpu.memory_space<vmem_shared>> -> memref<10000x64xf32, #tpu.memory_space<vmem_shared>>
    tpu.wait_indirect_dma semaphore(%arg23 : memref<!tpu.dma_semaphore, #tpu.memory_space<semaphore_mem>>) src(%arg10 : memref<80x64xf32, #tpu.memory_space<vmem>>) dst(%dma_wait3A_236 : memref<10000x64xf32, #tpu.memory_space<vmem_shared>>)
    %dma_wait3A_237 = arith.constant 0 : i32
    %dma_wait3A_238 = arith.constant 0 : i32
    %dma_wait3A_239 = tpu.memref_slice %arg7[%dma_wait3A_237, %dma_wait3A_238] : memref<250x80xi32, #tpu.memory_space<vmem>> -> memref<1x80xi32, #tpu.memory_space<vmem>>
    %dma_wait3A_240 = tpu.memref_squeeze %dma_wait3A_239 : memref<1x80xi32, #tpu.memory_space<vmem>> -> memref<80xi32, #tpu.memory_space<vmem>>
    %dma_wait3A_241 = arith.constant 0 : i32
    %dma_wait3A_242 = arith.constant 0 : i32
    %dma_wait3A_243 = tpu.memref_slice %arg14[%dma_wait3A_241, %dma_wait3A_242] : memref<10000x64xf32, #tpu.memory_space<vmem_shared>> -> memref<10000x64xf32, #tpu.memory_space<vmem_shared>>
    tpu.wait_indirect_dma semaphore(%arg24 : memref<!tpu.dma_semaphore, #tpu.memory_space<semaphore_mem>>) src(%arg11 : memref<80x64xf32, #tpu.memory_space<vmem>>) dst(%dma_wait3A_243 : memref<10000x64xf32, #tpu.memory_space<vmem_shared>>)
    %dma_wait3A_244 = arith.constant 0 : i32
    %dma_wait3A_245 = arith.constant 0 : i32
    %dma_wait3A_246 = tpu.memref_slice %arg7[%dma_wait3A_244, %dma_wait3A_245] : memref<250x80xi32, #tpu.memory_space<vmem>> -> memref<1x80xi32, #tpu.memory_space<vmem>>
    %dma_wait3A_247 = tpu.memref_squeeze %dma_wait3A_246 : memref<1x80xi32, #tpu.memory_space<vmem>> -> memref<80xi32, #tpu.memory_space<vmem>>
    %dma_wait3A_248 = arith.constant 0 : i32
    %dma_wait3A_249 = arith.constant 0 : i32
    %dma_wait3A_250 = tpu.memref_slice %arg14[%dma_wait3A_248, %dma_wait3A_249] : memref<10000x64xf32, #tpu.memory_space<vmem_shared>> -> memref<10000x64xf32, #tpu.memory_space<vmem_shared>>
    tpu.wait_indirect_dma semaphore(%arg25 : memref<!tpu.dma_semaphore, #tpu.memory_space<semaphore_mem>>) src(%arg12 : memref<80x64xf32, #tpu.memory_space<vmem>>) dst(%dma_wait3A_250 : memref<10000x64xf32, #tpu.memory_space<vmem_shared>>)
    %dma_wait3A_251 = arith.constant 0 : i32
    %dma_wait3A_252 = arith.constant 0 : i32
    %dma_wait3A_253 = tpu.memref_slice %arg7[%dma_wait3A_251, %dma_wait3A_252] : memref<250x80xi32, #tpu.memory_space<vmem>> -> memref<1x80xi32, #tpu.memory_space<vmem>>
    %dma_wait3A_254 = tpu.memref_squeeze %dma_wait3A_253 : memref<1x80xi32, #tpu.memory_space<vmem>> -> memref<80xi32, #tpu.memory_space<vmem>>
    %dma_wait3A_255 = arith.constant 0 : i32
    %dma_wait3A_256 = arith.constant 0 : i32
    %dma_wait3A_257 = tpu.memref_slice %arg14[%dma_wait3A_255, %dma_wait3A_256] : memref<10000x64xf32, #tpu.memory_space<vmem_shared>> -> memref<10000x64xf32, #tpu.memory_space<vmem_shared>>
    tpu.wait_indirect_dma semaphore(%arg26 : memref<!tpu.dma_semaphore, #tpu.memory_space<semaphore_mem>>) src(%arg13 : memref<80x64xf32, #tpu.memory_space<vmem>>) dst(%dma_wait3A_257 : memref<10000x64xf32, #tpu.memory_space<vmem_shared>>)
    %barrier3A_258 = arith.constant 0 : index
    tpu.barrier barrier_id(%barrier3A_258)
    %mul3A_259 = arith.constant 624 : i32
    %mul3A_260 = arith.muli %arg1, %mul3A_259 : i32
    %mul3A_261 = arith.constant 64 : i32
    %mul3A_262 = arith.muli %arg0, %mul3A_261 : i32
    "tpu.region"() ({
      %run_scoped3A = tpu.sem_alloc : memref<!tpu.dma_semaphore, #tpu.memory_space<semaphore_mem>>
      %dma_start3A_265 = tpu.memref_slice %arg5[%mul3A_260, %mul3A_262] : memref<10000x128xf32, #tpu.memory_space<hbm>> -> memref<624x64xf32, #tpu.memory_space<hbm>>
      %dma_start3A_266 = arith.constant 0 : i32
      %dma_start3A_267 = tpu.memref_slice %arg14[%mul3A_260, %dma_start3A_266] : memref<10000x64xf32, #tpu.memory_space<vmem_shared>> -> memref<624x64xf32, #tpu.memory_space<vmem_shared>>
      tpu.enqueue_dma source(%dma_start3A_267 : memref<624x64xf32, #tpu.memory_space<vmem_shared>>) target(%dma_start3A_265 : memref<624x64xf32, #tpu.memory_space<hbm>>) target_semaphore(%run_scoped3A : memref<!tpu.dma_semaphore, #tpu.memory_space<semaphore_mem>>)
      %dma_wait3A_268 = tpu.memref_slice %arg5[%mul3A_260, %mul3A_262] : memref<10000x128xf32, #tpu.memory_space<hbm>> -> memref<624x64xf32, #tpu.memory_space<hbm>>
      %dma_wait3A_269 = arith.constant 0 : i32
      %dma_wait3A_270 = tpu.memref_slice %arg14[%mul3A_260, %dma_wait3A_269] : memref<10000x64xf32, #tpu.memory_space<vmem_shared>> -> memref<624x64xf32, #tpu.memory_space<vmem_shared>>
      tpu.wait_dma2 semaphore(%run_scoped3A : memref<!tpu.dma_semaphore, #tpu.memory_space<semaphore_mem>>) src(%dma_wait3A_270 : memref<624x64xf32, #tpu.memory_space<vmem_shared>>) dst(%dma_wait3A_268 : memref<624x64xf32, #tpu.memory_space<hbm>>)
      tpu.yield
    }) : () -> ()
    %eq3A = arith.constant 15 : i32
    %eq3A_263 = arith.cmpi eq, %arg1, %eq3A : i32
    %convert_element_type3A = arith.extui %eq3A_263 : i1 to i32
    %cond3A = arith.constant 0 : i32
    %cond3A_264 = arith.cmpi ne, %convert_element_type3A, %cond3A : i32
    scf.if %cond3A_264 {
      %mul3A_265 = arith.constant 64 : i32
      %mul3A_266 = arith.muli %arg0, %mul3A_265 : i32
      "tpu.region"() ({
        %run_scoped3A = tpu.sem_alloc : memref<!tpu.dma_semaphore, #tpu.memory_space<semaphore_mem>>
        %dma_start3A_267 = arith.constant 9984 : i32
        %dma_start3A_268 = tpu.memref_slice %arg5[%dma_start3A_267, %mul3A_266] : memref<10000x128xf32, #tpu.memory_space<hbm>> -> memref<16x64xf32, #tpu.memory_space<hbm>>
        %dma_start3A_269 = arith.constant 9984 : i32
        %dma_start3A_270 = arith.constant 0 : i32
        %dma_start3A_271 = tpu.memref_slice %arg14[%dma_start3A_269, %dma_start3A_270] : memref<10000x64xf32, #tpu.memory_space<vmem_shared>> -> memref<16x64xf32, #tpu.memory_space<vmem_shared>>
        tpu.enqueue_dma source(%dma_start3A_271 : memref<16x64xf32, #tpu.memory_space<vmem_shared>>) target(%dma_start3A_268 : memref<16x64xf32, #tpu.memory_space<hbm>>) target_semaphore(%run_scoped3A : memref<!tpu.dma_semaphore, #tpu.memory_space<semaphore_mem>>)
        %dma_wait3A_272 = arith.constant 9984 : i32
        %dma_wait3A_273 = tpu.memref_slice %arg5[%dma_wait3A_272, %mul3A_266] : memref<10000x128xf32, #tpu.memory_space<hbm>> -> memref<16x64xf32, #tpu.memory_space<hbm>>
        %dma_wait3A_274 = arith.constant 9984 : i32
        %dma_wait3A_275 = arith.constant 0 : i32
        %dma_wait3A_276 = tpu.memref_slice %arg14[%dma_wait3A_274, %dma_wait3A_275] : memref<10000x64xf32, #tpu.memory_space<vmem_shared>> -> memref<16x64xf32, #tpu.memory_space<vmem_shared>>
        tpu.wait_dma2 semaphore(%run_scoped3A : memref<!tpu.dma_semaphore, #tpu.memory_space<semaphore_mem>>) src(%dma_wait3A_276 : memref<16x64xf32, #tpu.memory_space<vmem_shared>>) dst(%dma_wait3A_273 : memref<16x64xf32, #tpu.memory_space<hbm>>)
        tpu.yield
      }) : () -> ()
    } else {
    }
    return
  }
}

module attributes {stable_mosaic.version = 14 : i64} {
  func.func @_tc_combine_body(%arg0: memref<10000x128xf32, #tpu.memory_space<vmem>>, %arg1: memref<2x10000x16xf32, #tpu.memory_space<vmem>>, %arg2: memref<10000x128xf32, #tpu.memory_space<vmem>>, %arg3: memref<128x128xf32, #tpu.memory_space<vmem>>, %arg4: memref<10000x128xf32, #tpu.memory_space<vmem>>) attributes {dimension_semantics = [], scalar_prefetch = 0 : i64, scratch_operands = 0 : i64, tpu.core_type = #tpu.core_type<tc>} {
    %get3A = arith.constant 0 : index
    %get3A_0 = arith.constant 0 : index
    %get3A_1 = arith.constant 0 : index
    %get3A_2 = vector.load %arg1[%get3A, %get3A_0, %get3A_1] : memref<2x10000x16xf32, #tpu.memory_space<vmem>>, vector<1x10000x1xf32>
    %get3A_3 = vector.shape_cast %get3A_2 : vector<1x10000x1xf32> to vector<10000x1xf32>
    %get3A_4 = arith.constant 1 : index
    %get3A_5 = arith.constant 0 : index
    %get3A_6 = arith.constant 0 : index
    %get3A_7 = vector.load %arg1[%get3A_4, %get3A_5, %get3A_6] : memref<2x10000x16xf32, #tpu.memory_space<vmem>>, vector<1x10000x1xf32>
    %get3A_8 = vector.shape_cast %get3A_7 : vector<1x10000x1xf32> to vector<10000x1xf32>
    %add3A = arith.addf %get3A_3, %get3A_8 : vector<10000x1xf32>
    %get3A_9 = arith.constant 0 : index
    %get3A_10 = arith.constant 0 : index
    %get3A_11 = vector.load %arg0[%get3A_9, %get3A_10] : memref<10000x128xf32, #tpu.memory_space<vmem>>, vector<10000x128xf32>
    %max3A = arith.constant 1.000000e+00 : f32
    %max3A_12 = vector.broadcast %max3A : f32 to vector<10000x1xf32>
    %max3A_13 = arith.maximumf %add3A, %max3A_12 : vector<10000x1xf32>
    %div3A = vector.broadcast %max3A_13 : vector<10000x1xf32> to vector<10000x128xf32>
    %div3A_14 = arith.divf %get3A_11, %div3A : vector<10000x128xf32>
    %get3A_15 = arith.constant 0 : index
    %get3A_16 = arith.constant 0 : index
    %get3A_17 = vector.load %arg3[%get3A_15, %get3A_16] : memref<128x128xf32, #tpu.memory_space<vmem>>, vector<128x128xf32>
    %dot_general3A = arith.constant dense<0.000000e+00> : vector<10000x128xf32>
    %dot_general3A_18 = tpu.matmul %div3A_14, %get3A_17, %dot_general3A {dimension_numbers = #tpu.dot_dimension_numbers<[1], [1], [0], [0], [0, 0, 1, 0], [], []>, transpose_lhs_hint = false} : vector<10000x128xf32>, vector<128x128xf32>, vector<10000x128xf32> -> vector<10000x128xf32>
    %get3A_19 = arith.constant 0 : index
    %get3A_20 = arith.constant 0 : index
    %get3A_21 = vector.load %arg2[%get3A_19, %get3A_20] : memref<10000x128xf32, #tpu.memory_space<vmem>>, vector<10000x128xf32>
    %add3A_22 = arith.addf %dot_general3A_18, %get3A_21 : vector<10000x128xf32>
    %max3A_23 = arith.constant 0.000000e+00 : f32
    %max3A_24 = vector.broadcast %max3A_23 : f32 to vector<10000x128xf32>
    %max3A_25 = arith.maximumf %add3A_22, %max3A_24 : vector<10000x128xf32>
    %swap3A = arith.constant 0 : index
    %swap3A_26 = arith.constant 0 : index
    %swap3A_27 = vector.load %arg4[%swap3A, %swap3A_26] : memref<10000x128xf32, #tpu.memory_space<vmem>>, vector<10000x128xf32>
    tpu.vector_store %arg4[%swap3A, %swap3A_26], %max3A_25 {strides = array<i32>} : memref<10000x128xf32, #tpu.memory_space<vmem>>, vector<10000x128xf32>,
    return
  }
}

module attributes {stable_mosaic.version = 14 : i64} {
  func.func @_tc_mm_r_body(%arg0: memref<10000x128xf32, #tpu.memory_space<vmem>>, %arg1: memref<128x128xf32, #tpu.memory_space<vmem>>, %arg2: memref<1x128xf32, #tpu.memory_space<vmem>>, %arg3: memref<10000x128xf32, #tpu.memory_space<vmem>>) attributes {dimension_semantics = [], scalar_prefetch = 0 : i64, scratch_operands = 0 : i64, tpu.core_type = #tpu.core_type<tc>} {
    %get3A = arith.constant 0 : index
    %get3A_0 = arith.constant 0 : index
    %get3A_1 = vector.load %arg0[%get3A, %get3A_0] : memref<10000x128xf32, #tpu.memory_space<vmem>>, vector<10000x128xf32>
    %get3A_2 = arith.constant 0 : index
    %get3A_3 = arith.constant 0 : index
    %get3A_4 = vector.load %arg1[%get3A_2, %get3A_3] : memref<128x128xf32, #tpu.memory_space<vmem>>, vector<128x128xf32>
    %dot_general3A = arith.constant dense<0.000000e+00> : vector<10000x128xf32>
    %dot_general3A_5 = tpu.matmul %get3A_1, %get3A_4, %dot_general3A {dimension_numbers = #tpu.dot_dimension_numbers<[1], [1], [0], [0], [0, 0, 1, 0], [], []>, transpose_lhs_hint = false} : vector<10000x128xf32>, vector<128x128xf32>, vector<10000x128xf32> -> vector<10000x128xf32>
    %get3A_6 = arith.constant 0 : index
    %get3A_7 = arith.constant 0 : index
    %get3A_8 = vector.load %arg2[%get3A_6, %get3A_7] : memref<1x128xf32, #tpu.memory_space<vmem>>, vector<1x128xf32>
    %add3A = vector.broadcast %get3A_8 : vector<1x128xf32> to vector<10000x128xf32>
    %add3A_9 = arith.addf %dot_general3A_5, %add3A : vector<10000x128xf32>
    %swap3A = arith.constant 0 : index
    %swap3A_10 = arith.constant 0 : index
    %swap3A_11 = vector.load %arg3[%swap3A, %swap3A_10] : memref<10000x128xf32, #tpu.memory_space<vmem>>, vector<10000x128xf32>
    tpu.vector_store %arg3[%swap3A, %swap3A_10], %add3A_9 {strides = array<i32>} : memref<10000x128xf32, #tpu.memory_space<vmem>>, vector<10000x128xf32>,
    return
  }
}

module attributes {stable_mosaic.version = 14 : i64} {
  func.func @_tc_combine_body(%arg0: memref<10000x128xf32, #tpu.memory_space<vmem>>, %arg1: memref<2x10000x16xf32, #tpu.memory_space<vmem>>, %arg2: memref<10000x128xf32, #tpu.memory_space<vmem>>, %arg3: memref<128x128xf32, #tpu.memory_space<vmem>>, %arg4: memref<10000x128xf32, #tpu.memory_space<vmem>>) attributes {dimension_semantics = [], scalar_prefetch = 0 : i64, scratch_operands = 0 : i64, tpu.core_type = #tpu.core_type<tc>} {
    %get3A = arith.constant 0 : index
    %get3A_0 = arith.constant 0 : index
    %get3A_1 = arith.constant 0 : index
    %get3A_2 = vector.load %arg1[%get3A, %get3A_0, %get3A_1] : memref<2x10000x16xf32, #tpu.memory_space<vmem>>, vector<1x10000x1xf32>
    %get3A_3 = vector.shape_cast %get3A_2 : vector<1x10000x1xf32> to vector<10000x1xf32>
    %get3A_4 = arith.constant 1 : index
    %get3A_5 = arith.constant 0 : index
    %get3A_6 = arith.constant 0 : index
    %get3A_7 = vector.load %arg1[%get3A_4, %get3A_5, %get3A_6] : memref<2x10000x16xf32, #tpu.memory_space<vmem>>, vector<1x10000x1xf32>
    %get3A_8 = vector.shape_cast %get3A_7 : vector<1x10000x1xf32> to vector<10000x1xf32>
    %add3A = arith.addf %get3A_3, %get3A_8 : vector<10000x1xf32>
    %get3A_9 = arith.constant 0 : index
    %get3A_10 = arith.constant 0 : index
    %get3A_11 = vector.load %arg0[%get3A_9, %get3A_10] : memref<10000x128xf32, #tpu.memory_space<vmem>>, vector<10000x128xf32>
    %max3A = arith.constant 1.000000e+00 : f32
    %max3A_12 = vector.broadcast %max3A : f32 to vector<10000x1xf32>
    %max3A_13 = arith.maximumf %add3A, %max3A_12 : vector<10000x1xf32>
    %div3A = vector.broadcast %max3A_13 : vector<10000x1xf32> to vector<10000x128xf32>
    %div3A_14 = arith.divf %get3A_11, %div3A : vector<10000x128xf32>
    %get3A_15 = arith.constant 0 : index
    %get3A_16 = arith.constant 0 : index
    %get3A_17 = vector.load %arg3[%get3A_15, %get3A_16] : memref<128x128xf32, #tpu.memory_space<vmem>>, vector<128x128xf32>
    %dot_general3A = arith.constant dense<0.000000e+00> : vector<10000x128xf32>
    %dot_general3A_18 = tpu.matmul %div3A_14, %get3A_17, %dot_general3A {dimension_numbers = #tpu.dot_dimension_numbers<[1], [1], [0], [0], [0, 0, 1, 0], [], []>, transpose_lhs_hint = false} : vector<10000x128xf32>, vector<128x128xf32>, vector<10000x128xf32> -> vector<10000x128xf32>
    %get3A_19 = arith.constant 0 : index
    %get3A_20 = arith.constant 0 : index
    %get3A_21 = vector.load %arg2[%get3A_19, %get3A_20] : memref<10000x128xf32, #tpu.memory_space<vmem>>, vector<10000x128xf32>
    %add3A_22 = arith.addf %dot_general3A_18, %get3A_21 : vector<10000x128xf32>
    %reduce_max3A = arith.constant dense<0xFF800000> : vector<10000xf32>
    %reduce_max3A_23 = vector.multi_reduction <maximumf>, %add3A_22, %reduce_max3A [1] : vector<10000x128xf32> to vector<10000xf32>
    %broadcast_in_dim3A = vector.shape_cast %reduce_max3A_23 : vector<10000xf32> to vector<10000x1xf32>
    %sub3A = vector.broadcast %broadcast_in_dim3A : vector<10000x1xf32> to vector<10000x128xf32>
    %sub3A_24 = arith.subf %add3A_22, %sub3A : vector<10000x128xf32>
    %exp3A = math.exp %sub3A_24 : vector<10000x128xf32>
    %reduce_sum3A = arith.constant dense<0.000000e+00> : vector<10000xf32>
    %reduce_sum3A_25 = vector.multi_reduction <add>, %exp3A, %reduce_sum3A [1] : vector<10000x128xf32> to vector<10000xf32>
    %broadcast_in_dim3A_26 = vector.shape_cast %reduce_sum3A_25 : vector<10000xf32> to vector<10000x1xf32>
    %log3A = math.log %broadcast_in_dim3A_26 : vector<10000x1xf32>
    %add3A_27 = arith.addf %log3A, %broadcast_in_dim3A : vector<10000x1xf32>
    %sub3A_28 = vector.broadcast %add3A_27 : vector<10000x1xf32> to vector<10000x128xf32>
    %sub3A_29 = arith.subf %add3A_22, %sub3A_28 : vector<10000x128xf32>
    %swap3A = arith.constant 0 : index
    %swap3A_30 = arith.constant 0 : index
    %swap3A_31 = vector.load %arg4[%swap3A, %swap3A_30] : memref<10000x128xf32, #tpu.memory_space<vmem>>, vector<10000x128xf32>
    tpu.vector_store %arg4[%swap3A, %swap3A_30], %sub3A_29 {strides = array<i32>} : memref<10000x128xf32, #tpu.memory_space<vmem>>, vector<10000x128xf32>,
    return
  }
}

</mosaic_0001>

<sc_bundles>
// kernel: kernel.11.cloned.1.call-start
scs
__scs_entry_jumppad:
0x0: {  	(pc) =	sbr.rel $0x88, $3  }
0x1: {  	(tag) =	ssettag $0x0;
	lr =	simm.s32 $0x1  }
0x2: {  	[smem:$0x3F99] =	sst lr;
	_ =	strace $0xD0000000  }
0x3: {  	_ = 	snop  }
0x4: {  	_ = 	snop  }
0x5: {  	_ = 	snop  }
0x6: {  	_ = 	snop  }
0x7: {  	_ = 	snop  }
__scs_overlays_trampoline_lowered:
0x8: {  	[smem:$0x3FA8] =	sst s0  }
0x9: {  	[smem:$0x3FA9] =	sst s1  }
0xa: {  	[smem:$0x3FAA] =	sst s2  }
0xb: {  	[smem:$0x3FAB] =	sst s3  }
0xc: {  	[smem:$0x3FAC] =	sst s4  }
0xd: {  	[smem:$0x3FAD] =	sst s5  }
0xe: {  	[smem:$0x3FAE] =	sst s6  }
0xf: {  	[smem:$0x3FAF] =	sst s7  }
0x10: {  	[smem:$0x3FB0] =	sst s8  }
0x11: {  	[smem:$0x3FB1] =	sst s9;
	s0 =	simm.s32 @!p0 $0x0  }
0x12: {  	s1 =	sld [smem:$0x3F97];
	s0 =	simm.s32 @p0 $0x1  }
0x13: {  	[smem:$0x3FB2] =	sst s0;
	s0 =	simm.s32 @!p1 $0x0  }
0x14: {  	s2 =	sld [smem:$0x3F96];
	s0 =	simm.s32 @p1 $0x1  }
0x15: {  	[smem:$0x3FB3] =	sst s0;
	s0 =	simm.s32 @!p2 $0x0  }
0x16: {  	s3 =	sld [smem:$0x3FDB];
	s0 =	simm.s32 @p2 $0x1  }
0x17: {  	s4 =	simm.s32 $0x1BF5;
	[smem:$0x3FB5] =	sst s0  }
0x18: {  	s0 =	sld [smem:$0x3F98];
	_ =	swait.ge [sflag:s4], $0x0  }
0x19: {  	s7 =	sld [smem:$0x3F99]  }
0x1a: {  	s8 =	sadd.s32 $0xFFFFE003, lr  }
0x1b: {  	s9 =	sadd.s32 $0xFFFFFEF7, lr;
	s5 =	simm.s32 $0xFFFFFFFF;
	p2 =	slt.u32 s8, $0xFFFFF086  }
0x1c: {  	p1 =	slt.u32 s9, $0xF7A;
	s5 =	simm.s32 @!p2 $0x0  }
0x1d: {  	s5 =	simm.s32 @p1 $0x1;
	p0 =	seq.s32 s7, s2  }
0x1e: {  	s7 =	smul.u32 @!p0 $0xF7A, s2;
	p2 =	seq.s32 @!p0 s5, $0x0  }
0x1f: {  	s9 =	smul.u32 $0xF7A, s1;
	s8 =	simm.s32 @!p0 $0x1BF5;
	p2 =	por !p2, p0  }
0x20: {  	[sflag:s8] =	ssyncset.s32 @!p0 $0xFFFFF086;
	s6 =	sadd.s32 @!p0 s3, s7;
	s7 =	simm.s32 @!p0 $0x108  }
0x21: {  	s3 =	sadd.s32 s3, s9;
	s6 =	sadd.s32 @!p0 $0x88, s6;
	s7 =	simm.s32 @p2 $0x1082  }
0x22: {  	[simem:s7], [sflag:s8] =	dma.local @!p0 [hbm:s6], $0xF7A  }
0x23: {  	s9 =	sor.u32 $0xD0000000, s2;
	s6 =	simm.s32 $0x108;
	_ =	swait.ge @!p0 [sflag:s8], $0x0  }
0x24: {  	s3 =	sadd.s32 $0x88, s3;
	s6 =	simm.s32 @!p1 $0x1082;
	[sflag:s4] =	ssyncset.s32 $0xFFFFF086  }
0x25: {  	[simem:s6], [sflag:s4] =	dma.local [hbm:s3], $0xF7A  }
0x26: {  	[smem:$0x3F99] =	sst s1;
	(tag) =	ssettag s2;
	_ =	strace s9  }
0x27: {  	s1 =	sld [smem:$0x3FA9]  }
0x28: {  	s2 =	sld [smem:$0x3FAA]  }
0x29: {  	s4 =	sld [smem:$0x3FAC]  }
0x2a: {  	p0 =	seq.s32 s5, $0x0;
	s5 =	sld [smem:$0x3FAD]  }
0x2b: {  	s6 =	sld [smem:$0x3FAE]  }
0x2c: {  	s7 =	sld [smem:$0x3FAF]  }
0x2d: {  	s3 =	simm.s32 $0x108;
	s8 =	sld [smem:$0x3FB0]  }
0x2e: {  	s3 =	simm.s32 @!p0 $0x1082;
	s9 =	sld [smem:$0x3FB1]  }
0x2f: {  	lr =	sadd.s32 s0, s3;
	s0 =	sld [smem:$0x3FA8]  }
0x30: {  	s3 =	sld [smem:$0x3FAB]  }
0x31: {  	[smem:$0x3FB4] =	sst s10  }
0x32: {  	s10 =	sld [smem:$0x3FB2];
	_ =	sdelay $0x3  }
0x33: {  	p0 =	seq.s32 s10, $0x1;
	s10 =	sld [smem:$0x3FB4];
	_ =	sdelay $0x3  }
0x34: {  	[smem:$0x3FB4] =	sst s10  }
0x35: {  	s10 =	sld [smem:$0x3FB3];
	_ =	sdelay $0x3  }
0x36: {  	p1 =	seq.s32 s10, $0x1;
	s10 =	sld [smem:$0x3FB4];
	_ =	sdelay $0x3  }
0x37: {  	[smem:$0x3FB4] =	sst s10  }
0x38: {  	s10 =	sld [smem:$0x3FB5]  }
0x39: {  	_ = 	snop;
	(pc) =	sbr.ind lr, $3  }
0x3a: {  	_ = 	snop  }
0x3b: {  	_ = 	snop  }
0x3c: {  	p2 =	seq.s32 s10, $0x1;
	s10 =	sld [smem:$0x3FB4]  }
0x3d: {  	_ =	shalt  }
0x3e: {  	_ =	shalt  }
0x3f: {  	_ =	shalt  }
0x40: {  	_ =	shalt  }
0x41: {  	_ =	shalt  }
0x42: {  	_ =	shalt  }
0x43: {  	_ =	shalt  }
0x44: {  	_ =	shalt  }
0x45: {  	_ =	shalt  }
0x46: {  	_ =	shalt  }
0x47: {  	_ =	shalt  }
0x48: {  	_ =	shalt  }
0x49: {  	_ =	shalt  }
0x4a: {  	_ =	shalt  }
0x4b: {  	_ =	shalt  }
0x4c: {  	_ =	shalt  }
0x4d: {  	_ =	shalt  }
0x4e: {  	_ =	shalt  }
0x4f: {  	_ =	shalt  }
0x50: {  	_ =	shalt  }
0x51: {  	_ =	shalt  }
0x52: {  	_ =	shalt  }
0x53: {  	_ =	shalt  }
0x54: {  	_ =	shalt  }
0x55: {  	_ =	shalt  }
0x56: {  	_ =	shalt  }
0x57: {  	_ =	shalt  }
0x58: {  	_ =	shalt  }
0x59: {  	_ =	shalt  }
0x5a: {  	_ =	shalt  }
0x5b: {  	_ =	shalt  }
0x5c: {  	_ =	shalt  }
0x5d: {  	_ =	shalt  }
0x5e: {  	_ =	shalt  }
0x5f: {  	_ =	shalt  }
0x60: {  	_ =	shalt  }
0x61: {  	_ =	shalt  }
0x62: {  	_ =	shalt  }
0x63: {  	_ =	shalt  }
0x64: {  	_ =	shalt  }
0x65: {  	_ =	shalt  }
0x66: {  	_ =	shalt  }
0x67: {  	_ =	shalt  }
0x68: {  	_ =	shalt  }
0x69: {  	_ =	shalt  }
0x6a: {  	_ =	shalt  }
0x6b: {  	_ =	shalt  }
0x6c: {  	_ =	shalt  }
0x6d: {  	_ =	shalt  }
0x6e: {  	_ =	shalt  }
0x6f: {  	_ =	shalt  }
0x70: {  	_ =	shalt  }
0x71: {  	_ =	shalt  }
0x72: {  	_ =	shalt  }
0x73: {  	_ =	shalt  }
0x74: {  	_ =	shalt  }
0x75: {  	_ =	shalt  }
0x76: {  	_ =	shalt  }
0x77: {  	_ =	shalt  }
0x78: {  	_ =	shalt  }
0x79: {  	_ =	shalt  }
0x7a: {  	_ =	shalt  }
0x7b: {  	_ =	shalt  }
0x7c: {  	_ =	shalt  }
0x7d: {  	_ =	shalt  }
0x7e: {  	_ =	shalt  }
0x7f: {  	_ =	shalt  }
0x80: {  	_ =	shalt  }
0x81: {  	_ =	shalt  }
0x82: {  	_ =	shalt  }
0x83: {  	_ =	shalt  }
0x84: {  	_ =	shalt  }
0x85: {  	_ =	shalt  }
0x86: {  	_ =	shalt  }
0x87: {  	_ =	shalt  }
.Lfunc_end0:
.L_simem_size_0:
called_computation.1_lowered:
.L_overlay_start_0:
0x88: {  	s2 =	sld [smem:$0x3FD9]  }
0x89: {  	s3 =	sld [smem:$0x3FFE];
	_ =	sdelay $0x1  }
0x8a: {  	s1 =	srdreg.scid  }
0x8b: {  	s0 =	sand.u32 $0x1, s1  }
0x8c: {  	s17 =	sshll.u32 s0, $0xA;
	s2 =	sadd.s32 s3, s2  }
0x8d: {  	s2 =	sadd.s32 s2, s17  }
0x8e: {  	[smem:$0x3FC0] =	sst s2  }
0x8f: {  	_ = 	snop  }
0x90: {  	s2 =	sld [smem:$0x3FD0];
	(tm) =	ssettm $0x1  }
0x91: {  	s18 =	sld [smem:$0x3FFB];
	_ =	sdelay $0x3  }
0x92: {  	_ =	strace s18  }
0x93: {  	s3 =	sld [smem:$0x3FFC];
	_ =	sdelay $0x3  }
0x94: {  	_ =	strace s3  }
0x95: {  	s3 =	sld [smem:$0x3FFD];
	_ =	sdelay $0x3  }
0x96: {  	_ =	strace s3  }
0x97: {  	_ =	strace $0x8FFFFFFF  }
0x98: {  	s19 =	sld [smem:$0x3FDB];
	_ =	sdelay $0x1  }
0x99: {  	s4 =	simm.s32 $_scs_section_size  }
0x9a: {  	s5 =	simm.s32 $_size__tile_overlayer_lowered;
	s6 =	simm.s32 $_tile_overlayer_lowered  }
0x9b: {  	s22 =	simm.s32 $0x1BFF;
	s21 =	sshll.u32 s6, $0x1;
	s3 =	sadd.s32 s4, s19  }
0x9c: {  	s7 =	simm.s32 $0x0;
	s20 =	sshll.u32 s5, $0x1;
	s5 =	sadd.s32 s21, s3  }
0x9d: {  	[timem:s7], [sflag:s22] =	dma.local [hbm:s5], s20  }
0x9e: {  	_ =	swait.ge [sflag:s22], s20  }
0x9f: {  	s4 =	ssub.s32 $0x0, s20;
	[sflag:s22] =	ssyncset.done $0x0  }
0xa0: {  	[sflag:s22] =	ssyncadd.s32 s4;
	_ =	sdelay $0x1  }
0xa1: {  	s23 =	simm.s32 $0x1B8B  }
0xa2: {  	_ =	swait.ge [sflag:s23], $0x1  }
0xa3: {  	[sflag:s23] =	ssyncset.done $0x0  }
0xa4: {  	s25 =	simm.s32 $0x1B8E;
	s24 =	sld [smem:$0x3FFE];
	[sflag:s23] =	ssyncadd.s32 $0xFFFFFFFF  }
0xa5: {  	s26 =	simm.s32 $execute0_lowered;
	[smem:$0x3FD2] =	sst s25  }
0xa6: {  	s5 =	sshll.u32 s26, $0x1;
	_ =	strace $0x80000049;
	[dreg:$0x1] =	wrdreg $0xFFFFFFFF  }
0xa7: {  	s28 =	simm.s32 $_size_execute0_lowered;
	s3 =	sadd.s32 s3, s5;
	[dreg:$0x0] =	wrdreg $0x0  }
0xa8: {  	s5 =	sshll.u32 s28, $0x1;
	[dreg:$0x2] =	wrdreg s3  }
0xa9: {  	[dreg:$0x3] =	wrdreg s5  }
0xaa: {  	[dreg:$0x4] =	wrdreg $0xC0  }
0xab: {  	_ =	task [dreg:s7], $0x5FFFF  }
0xac: {  	[dreg:$0x1] =	wrdreg $0xFFFFFFFF  }
0xad: {  	[dreg:$0x0] =	wrdreg $0x60  }
0xae: {  	[dreg:$0x2] =	wrdreg s2  }
0xaf: {  	[dreg:$0x3] =	wrdreg s24  }
0xb0: {  	[dreg:$0x4] =	wrdreg $0x114400  }
0xb1: {  	[dreg:$0x5] =	wrdreg $0x9  }
0xb2: {  	_ =	task.clear_ibuf [dreg:s7], $0x6FFFF;
	_ =	strace $0x90000049  }
0xb3: {  	s29 =	simm.s32 $0x9;
	_ =	strace $0x8000004B  }
0xb4: {  	_ =	swait.ge [sflag:s29], $0x1  }
0xb5: {  	[sflag:s29] =	ssyncadd.s32 $0xFFFFFFFF  }
0xb6: {  	_ =	strace $0x9000004B  }
0xb7: {  	_ =	sfence  }
0xb8: {  	s30 =	sld [smem:$0x0];
	_ =	sdelay $0x2  }
0xb9: {  	s31 =	sshll.u32 s1, $0xD;
	s1 =	sshrl.u32 s1, $0x2  }
0xba: {  	s3 =	sand.u32 $0x4000, s31;
	s1 =	sadd.s32 s1, s30  }
0xbb: {  	s0 =	sor.u32 s3, s0;
	s1 =	sshll.u32 s1, $0x11  }
0xbc: {  	s0 =	sor.u32 s1, s0  }
0xbd: {  	s0 =	sadd.s32 $0x8F2B, s0  }
0xbe: {  	[sflag:s0] =	ssyncadd.remote.s32 $0x1  }
0xbf: {  	_ =	sfence.sel $0xFFFF  }
0xc0: {  	[dreg:$0x0] =	wrdreg $0xFFFFFFFF;
	(pc) =	sbr.abs _section_cstart, $3  }
0xc1: {  	[dreg:$0x1] =	wrdreg $0xFFFFFFFF  }
0xc2: {  	_ =	task.clear_ibuf [dreg:s7], $0x2FFFF;
	_ =	strace $0x9FFFFFFF  }
0xc3: {  	(tm) =	ssettm $0x7FFFFFFF  }
tec
execute0_lowered:
.L_overlay_start_1:
0x0: {  	(tag) =	ssettag $0x1  }
0x1: {  	s0 =	rddreg [dreg:$0x0]  }
0x2: {  	s1 =	rddreg [dreg:$0x1]  }
0x3: {  	s2 =	rddreg [dreg:$0x2];
	s9 =	stileid.u32;
	s5 =	simm.s32 $0x0  }
0x4: {  	s4 =	srdreg.scid;
	s29 =	simm.s32 $0xC440;
	s3 =	smul.u32 $0x9C4, s9  }
0x5: {  	s31 =	simm.s32 $0xD840;
	s30 =	simm.s32 $0x10040;
	s12 =	smul.u32 $0x27100, s9  }
0x6: {  	s28 =	simm.s32 $0x4;
	[smem:$0x7FF] =	sst s5;
	s20 =	smul.u32 $0x13800, s9  }
0x7: {  	s11 =	sand.u32 $0x1, s4;
	s8 =	smul.u32 $0x27000, s9;
	p0 =	sne.s32 s9, $0xF  }
0x8: {  	s9 =	simm.s32 $0xC;
	_ =	strace $0x8000004A;
	s6 =	ssub.s32 $0x2, s11  }
0x9: {  	s21 =	sshll.u32 s11, $0x6;
	s5 =	sshll.u32 s11, $0x3;
	s11 =	simm.s32 $0x0  }
0xa: {  	s3 =	sadd.s32 s3, s1;
	s7 =	sshrl.u32 s6, $0x1;
	s4 =	sshrl.u32 s12, $0x2  }
0xb: {  	s1 =	sadd.s32 $0x6E800, s1;
	s22 =	sor.u32 s21, s20;
	s23 =	sshrl.u32 s8, $0x2  }
0xc: {  	s20 =	simm.s32 $0x1;
	s21 =	simm.s32 $0x2;
	s13 =	sadd.s32 $0xCA00, s3  }
0xd: {  	s4 =	sadd.s32 s4, s2;
	s3 =	sadd.s32 $0x2C00, s3;
	[dreg:$0x4] =	wrdreg s13  }
0xe: {  	s8 =	simm.s32 $0xB;
	[dreg:$0x5] =	wrdreg s3;
	s14 =	sadd.s32 $0x1400, s4  }
0xf: {  	s6 =	ssub.s32 s6, s7;
	s15 =	sadd.s32 $0x2800, s4;
	[dreg:$0x6] =	wrdreg s14  }
0x10: {  	s24 =	sadd.s32 s23, s2;
	s16 =	sadd.s32 $0x3C00, s4;
	[dreg:$0x7] =	wrdreg s15  }
0x11: {  	s23 =	simm.s32 $0x50;
	s17 =	sadd.s32 $0x5000, s4;
	[dreg:$0x8] =	wrdreg s16  }
0x12: {  	s7 =	simm.s32 $0xA;
	s18 =	sadd.s32 $0x6400, s4;
	[dreg:$0x9] =	wrdreg s17  }
0x13: {  	s19 =	sadd.s32 $0x7800, s4;
	s10 =	sadd.s32 $0x8C00, s4;
	[dreg:$0xa] =	wrdreg s18  }
0x14: {  	s26 =	smax.u32 s6, $0x1;
	s24 =	sshrl.u32 s24, $0x3;
	[dreg:$0xb] =	wrdreg s19  }
0x15: {  	s3 =	simm.s32 $0x6;
	s6 =	simm.s32 $0x9;
	[dreg:$0xc] =	wrdreg s10  }
0x16: {  	s14 =	sadd.s32 s0, s5;
	s0 =	sshrl.u32 s22, $0x3;
	s5 =	sadd.s32 s5, s1  }
0x17: {  	[dreg:$0xf] =	wrdreg s26;
	s19 =	simm.s32 $0x9C40;
	s22 =	simm.s32 $0x7  }
0x18: {  	s26 =	simm.s32 $0xB040;
	s18 =	simm.s32 $0xEC40;
	s0 =	sadd.s32 s1, s0  }
0x19: {  	s10 =	simm.s32 $0xD;
	s25 =	sadd.s32 $0x27000, s5;
	[dreg:$0xd] =	wrdreg s0  }
0x1a: {  	s1 =	sadd.s32 $0x9C000, s2;
	s5 =	simm.s32 $0x8;
	[dreg:$0xe] =	wrdreg s25  }
0x1b: {  	v0 =	vimm.f32 $0.0e+00;
	s25 =	sshrl.u32 @!p0 s1, $0x3;
	s0 =	simm.s32 $0x3;
	s1 =	simm.s32 $0x5  }
.LBB2_1:
0x1c: {  	s12 =	simm.s32 $0x0;
	s13 =	rddreg [dreg:$0x4]  }
0x1d: {  	[tilespmem:s12], [sflag:$0x1] =	stream.linear.gather [hbm4b:s13+s12], $0x4E20, $0x38;
	[tilespmem:$0x1B080] =	vst v63  }
0x1e: {  	s17 =	rddreg [dreg:$0x5];
	s15 =	simm.s32 $0x4E20  }
0x1f: {  	[tilespmem:s15], [sflag:$0x2] =	stream.linear.gather [hbm4b:s17+s12], $0x4E20, $0x38;
	[tilespmem:$0x1B080] =	vst v63  }
0x20: {  	s13 =	simm.s32 $0x100;
	s12 =	simm.s32 $0x0  }
.LBB2_2:
0x21: {  	p1 =	sne.s32 s13, $0x4F00;
	[tilespmem:s12+$0x9C70] =	vst v0;
	s15 =	smov.u32 s13;
	s13 =	sadd.s32 $0x100, s13  }
.Ltmp0:
0x22: {  	[tilespmem:s12+$0x9C60] =	vst v0;
	(pc) =	sbr.rel @p1 .LBB2_2-.Ltmp0, $3  }
0x23: {  	[tilespmem:s12+$0x9C40] =	vst v0  }
0x24: {  	[tilespmem:s12+$0x9C50] =	vst v0;
	_ =	sdelay $0x1  }
0x25: {  	s12 =	sshra.s32 s15, $0x2  }
0x26: {  	[tilespmem:s12+$0x9C70] =	vst v0  }
0x27: {  	[tilespmem:s12+$0x9C60] =	vst v0  }
0x28: {  	[tilespmem:s12+$0x9C40] =	vst v0  }
0x29: {  	[tilespmem:s12+$0x9C50] =	vst v0  }
0x2a: {  	[spmem:s4] =	stream.linear.scatter [tilespmem:s19], [sflag:$0x7], $0x1400, $0x38;
	[tilespmem:$0x1B080] =	vst v63  }
0x2b: {  	s15 =	rddreg [dreg:$0x6]  }
0x2c: {  	[spmem:s15] =	stream.linear.scatter [tilespmem:s19], [sflag:$0x7], $0x1400, $0x38;
	[tilespmem:$0x1B080] =	vst v63  }
0x2d: {  	s16 =	rddreg [dreg:$0x7]  }
0x2e: {  	[spmem:s16] =	stream.linear.scatter [tilespmem:s19], [sflag:$0x7], $0x1400, $0x38;
	[tilespmem:$0x1B080] =	vst v63  }
0x2f: {  	s17 =	rddreg [dreg:$0x8]  }
0x30: {  	[spmem:s17] =	stream.linear.scatter [tilespmem:s19], [sflag:$0x7], $0x1400, $0x38;
	[tilespmem:$0x1B080] =	vst v63  }
0x31: {  	s13 =	rddreg [dreg:$0x9]  }
0x32: {  	[spmem:s13] =	stream.linear.scatter [tilespmem:s19], [sflag:$0x7], $0x1400, $0x38;
	[tilespmem:$0x1B080] =	vst v63  }
0x33: {  	s15 =	rddreg [dreg:$0xa]  }
0x34: {  	[spmem:s15] =	stream.linear.scatter [tilespmem:s19], [sflag:$0x7], $0x1400, $0x38;
	[tilespmem:$0x1B080] =	vst v63  }
0x35: {  	s16 =	rddreg [dreg:$0xb]  }
0x36: {  	[spmem:s16] =	stream.linear.scatter [tilespmem:s19], [sflag:$0x7], $0x1400, $0x38;
	[tilespmem:$0x1B080] =	vst v63  }
0x37: {  	s17 =	rddreg [dreg:$0xc]  }
0x38: {  	[spmem:s17] =	stream.linear.scatter [tilespmem:s19], [sflag:$0x7], $0x1040, $0x38;
	[tilespmem:$0x1B080] =	vst v63  }
0x39: {  	_ =	swait.ge [sflag:s20], $0x4E20  }
0x3a: {  	[sflag:s20] =	ssyncset.done $0x0  }
0x3b: {  	[sflag:s20] =	ssyncadd.s32 $0xFFFFB1E0  }
0x3c: {  	_ =	swait.ge [sflag:s21], $0x4E20  }
0x3d: {  	[sflag:s21] =	ssyncset.done $0x0  }
0x3e: {  	[sflag:s21] =	ssyncadd.s32 $0xFFFFB1E0  }
0x3f: {  	_ =	swait.ge [sflag:s22], $0x1400  }
0x40: {  	[sflag:s22] =	ssyncset.done $0x0  }
0x41: {  	[sflag:s22] =	ssyncadd.s32 $0xFFFFEC00  }
0x42: {  	_ =	swait.ge [sflag:s22], $0x1400  }
0x43: {  	[sflag:s22] =	ssyncset.done $0x0  }
0x44: {  	[sflag:s22] =	ssyncadd.s32 $0xFFFFEC00  }
0x45: {  	_ =	swait.ge [sflag:s22], $0x1400  }
0x46: {  	[sflag:s22] =	ssyncset.done $0x0  }
0x47: {  	[sflag:s22] =	ssyncadd.s32 $0xFFFFEC00  }
0x48: {  	_ =	swait.ge [sflag:s22], $0x1400  }
0x49: {  	[sflag:s22] =	ssyncset.done $0x0  }
0x4a: {  	[sflag:s22] =	ssyncadd.s32 $0xFFFFEC00  }
0x4b: {  	_ =	swait.ge [sflag:s22], $0x1400  }
0x4c: {  	[sflag:s22] =	ssyncset.done $0x0  }
0x4d: {  	[sflag:s22] =	ssyncadd.s32 $0xFFFFEC00  }
0x4e: {  	_ =	swait.ge [sflag:s22], $0x1400  }
0x4f: {  	[sflag:s22] =	ssyncset.done $0x0  }
0x50: {  	[sflag:s22] =	ssyncadd.s32 $0xFFFFEC00  }
0x51: {  	_ =	swait.ge [sflag:s22], $0x1400  }
0x52: {  	[sflag:s22] =	ssyncset.done $0x0  }
0x53: {  	[sflag:s22] =	ssyncadd.s32 $0xFFFFEC00  }
0x54: {  	_ =	swait.ge [sflag:s22], $0x1040  }
0x55: {  	[sflag:s22] =	ssyncset.done $0x0  }
0x56: {  	[sflag:s22] =	ssyncadd.s32 $0xFFFFEFC0  }
0x57: {  	s13 =	simm.s32 $0x0;
	[bflag:$0x0] =	sbarrier.arrive $0xFFFF  }
0x58: {  	[tilespmem:s19], [sflag:$0x1] =	stream.indirect.gather [hbm4b:s14+s23], $0x40, s13, s23, $0xb8;
	[tilespmem:$0x1B080] =	vst v63  }
0x59: {  	_ = 	snop  }
0x5a: {  	[tilespmem:s26], [sflag:$0x2] =	stream.indirect.gather [hbm4b:s14+s23], $0x40, s23, s23, $0xb8;
	[tilespmem:$0x1B080] =	vst v63  }
0x5b: {  	s15 =	simm.s32 $0xA0  }
0x5c: {  	[tilespmem:s29], [sflag:$0x3] =	stream.indirect.gather [hbm4b:s14+s23], $0x40, s15, s23, $0xb8;
	[tilespmem:$0x1B080] =	vst v63  }
0x5d: {  	s16 =	simm.s32 $0xF0  }
0x5e: {  	[tilespmem:s31], [sflag:$0x4] =	stream.indirect.gather [hbm4b:s14+s23], $0x40, s16, s23, $0xb8;
	[tilespmem:$0x1B080] =	vst v63  }
0x5f: {  	s17 =	simm.s32 $0x140  }
0x60: {  	[tilespmem:s18], [sflag:$0x5] =	stream.indirect.gather [hbm4b:s14+s23], $0x40, s17, s23, $0xb8;
	[tilespmem:$0x1B080] =	vst v63  }
0x61: {  	s13 =	simm.s32 $0x190  }
0x62: {  	[tilespmem:s30], [sflag:$0x6] =	stream.indirect.gather [hbm4b:s14+s23], $0x40, s13, s23, $0xb8;
	[tilespmem:$0x1B080] =	vst v63  }
0x63: {  	_ =	swait.ge [sflag:s20], $0x1400  }
0x64: {  	[sflag:s20] =	ssyncset.done $0x0  }
0x65: {  	s15 =	simm.s32 $0x4E20;
	[sflag:s20] =	ssyncadd.s32 $0xFFFFEC00  }
0x66: {  	[spmem:s2] =	stream.indirect.scatter.add.f32 [tilespmem:s19], [sflag:$0x7], $0x40, s15, s23, $0xb8;
	[tilespmem:$0x1B080] =	vst v63  }
0x67: {  	_ =	swait.ge [sflag:s21], $0x1400  }
0x68: {  	[sflag:s21] =	ssyncset.done $0x0  }
0x69: {  	s16 =	simm.s32 $0x4E70;
	[sflag:s21] =	ssyncadd.s32 $0xFFFFEC00  }
0x6a: {  	[spmem:s2] =	stream.indirect.scatter.add.f32 [tilespmem:s26], [sflag:$0x8], $0x40, s16, s23, $0xb8;
	[tilespmem:$0x1B080] =	vst v63  }
0x6b: {  	_ =	swait.ge [sflag:s0], $0x1400  }
0x6c: {  	[sflag:s0] =	ssyncset.done $0x0  }
0x6d: {  	s17 =	simm.s32 $0x4EC0;
	[sflag:s0] =	ssyncadd.s32 $0xFFFFEC00  }
0x6e: {  	[spmem:s2] =	stream.indirect.scatter.add.f32 [tilespmem:s29], [sflag:$0x9], $0x40, s17, s23, $0xb8;
	[tilespmem:$0x1B080] =	vst v63  }
0x6f: {  	_ =	swait.ge [sflag:s28], $0x1400  }
0x70: {  	[sflag:s28] =	ssyncset.done $0x0  }
0x71: {  	s13 =	simm.s32 $0x4F10;
	[sflag:s28] =	ssyncadd.s32 $0xFFFFEC00  }
0x72: {  	[spmem:s2] =	stream.indirect.scatter.add.f32 [tilespmem:s31], [sflag:$0xA], $0x40, s13, s23, $0xb8;
	[tilespmem:$0x1B080] =	vst v63  }
0x73: {  	_ =	swait.ge [sflag:s1], $0x1400  }
0x74: {  	[sflag:s1] =	ssyncset.done $0x0  }
0x75: {  	s15 =	simm.s32 $0x4F60;
	[sflag:s1] =	ssyncadd.s32 $0xFFFFEC00  }
0x76: {  	[spmem:s2] =	stream.indirect.scatter.add.f32 [tilespmem:s18], [sflag:$0xB], $0x40, s15, s23, $0xb8;
	[tilespmem:$0x1B080] =	vst v63  }
0x77: {  	_ =	swait.ge [sflag:s3], $0x1400  }
0x78: {  	[sflag:s3] =	ssyncset.done $0x0  }
0x79: {  	s16 =	simm.s32 $0x4FB0;
	[sflag:s3] =	ssyncadd.s32 $0xFFFFEC00  }
0x7a: {  	[spmem:s2] =	stream.indirect.scatter.add.f32 [tilespmem:s30], [sflag:$0xC], $0x40, s16, s23, $0xb8;
	[tilespmem:$0x1B080] =	vst v63  }
0x7b: {  	_ =	swait.ge [sflag:s22], $0x1400  }
0x7c: {  	[sflag:s22] =	ssyncset.done $0x0  }
0x7d: {  	s17 =	simm.s32 $0x1E0;
	[sflag:s22] =	ssyncadd.s32 $0xFFFFEC00  }
0x7e: {  	[tilespmem:s19], [sflag:$0x1] =	stream.indirect.gather [hbm4b:s14+s23], $0x40, s17, s23, $0xb8;
	[tilespmem:$0x1B080] =	vst v63  }
0x7f: {  	_ =	swait.ge [sflag:s5], $0x1400  }
0x80: {  	[sflag:s5] =	ssyncset.done $0x0  }
0x81: {  	s13 =	simm.s32 $0x230;
	[sflag:s5] =	ssyncadd.s32 $0xFFFFEC00  }
0x82: {  	[tilespmem:s26], [sflag:$0x2] =	stream.indirect.gather [hbm4b:s14+s23], $0x40, s13, s23, $0xb8;
	[tilespmem:$0x1B080] =	vst v63  }
0x83: {  	_ =	swait.ge [sflag:s6], $0x1400  }
0x84: {  	[sflag:s6] =	ssyncset.done $0x0  }
0x85: {  	s15 =	simm.s32 $0x280;
	[sflag:s6] =	ssyncadd.s32 $0xFFFFEC00  }
0x86: {  	[tilespmem:s29], [sflag:$0x3] =	stream.indirect.gather [hbm4b:s14+s23], $0x40, s15, s23, $0xb8;
	[tilespmem:$0x1B080] =	vst v63  }
0x87: {  	_ =	swait.ge [sflag:s7], $0x1400  }
0x88: {  	[sflag:s7] =	ssyncset.done $0x0  }
0x89: {  	s16 =	simm.s32 $0x2D0;
	[sflag:s7] =	ssyncadd.s32 $0xFFFFEC00  }
0x8a: {  	[tilespmem:s31], [sflag:$0x4] =	stream.indirect.gather [hbm4b:s14+s23], $0x40, s16, s23, $0xb8;
	[tilespmem:$0x1B080] =	vst v63  }
0x8b: {  	_ =	swait.ge [sflag:s8], $0x1400  }
0x8c: {  	[sflag:s8] =	ssyncset.done $0x0  }
0x8d: {  	s17 =	simm.s32 $0x320;
	[sflag:s8] =	ssyncadd.s32 $0xFFFFEC00  }
0x8e: {  	[tilespmem:s18], [sflag:$0x5] =	stream.indirect.gather [hbm4b:s14+s23], $0x40, s17, s23, $0xb8;
	[tilespmem:$0x1B080] =	vst v63  }
0x8f: {  	_ =	swait.ge [sflag:s9], $0x1400  }
0x90: {  	[sflag:s9] =	ssyncset.done $0x0  }
0x91: {  	s12 =	simm.s32 $0x780;
	s13 =	simm.s32 $0x370;
	[sflag:s9] =	ssyncadd.s32 $0xFFFFEC00  }
.LBB2_4:
0x92: {  	[tilespmem:s30], [sflag:$0x6] =	stream.indirect.gather [hbm4b:s14+s23], $0x40, s13, s23, $0xb8;
	[tilespmem:$0x1B080] =	vst v63  }
0x93: {  	s13 =	smov.u32 s12;
	s12 =	sadd.s32 $0x780, s12;
	_ =	swait.ge [sflag:s20], $0x1400  }
0x94: {  	s13 =	sshra.s32 s13, $0x2;
	p1 =	sne.s32 s12, $0x12C00;
	[sflag:s20] =	ssyncset.done $0x0  }
0x95: {  	s15 =	sadd.s32 $0x4E20, s13;
	[sflag:s20] =	ssyncadd.s32 $0xFFFFEC00  }
0x96: {  	[spmem:s2] =	stream.indirect.scatter.add.f32 [tilespmem:s19], [sflag:$0x7], $0x40, s15, s23, $0xb8;
	[tilespmem:$0x1B080] =	vst v63  }
0x97: {  	_ =	swait.ge [sflag:s21], $0x1400  }
0x98: {  	[sflag:s21] =	ssyncset.done $0x0  }
0x99: {  	s15 =	sadd.s32 $0x4E70, s13;
	[sflag:s21] =	ssyncadd.s32 $0xFFFFEC00  }
0x9a: {  	[spmem:s2] =	stream.indirect.scatter.add.f32 [tilespmem:s26], [sflag:$0x8], $0x40, s15, s23, $0xb8;
	[tilespmem:$0x1B080] =	vst v63  }
0x9b: {  	_ =	swait.ge [sflag:s0], $0x1400  }
0x9c: {  	[sflag:s0] =	ssyncset.done $0x0  }
0x9d: {  	s15 =	sadd.s32 $0x4EC0, s13;
	[sflag:s0] =	ssyncadd.s32 $0xFFFFEC00  }
0x9e: {  	[spmem:s2] =	stream.indirect.scatter.add.f32 [tilespmem:s29], [sflag:$0x9], $0x40, s15, s23, $0xb8;
	[tilespmem:$0x1B080] =	vst v63  }
0x9f: {  	_ =	swait.ge [sflag:s28], $0x1400  }
0xa0: {  	[sflag:s28] =	ssyncset.done $0x0  }
0xa1: {  	s15 =	sadd.s32 $0x4F10, s13;
	[sflag:s28] =	ssyncadd.s32 $0xFFFFEC00  }
0xa2: {  	[spmem:s2] =	stream.indirect.scatter.add.f32 [tilespmem:s31], [sflag:$0xA], $0x40, s15, s23, $0xb8;
	[tilespmem:$0x1B080] =	vst v63  }
0xa3: {  	_ =	swait.ge [sflag:s1], $0x1400  }
0xa4: {  	[sflag:s1] =	ssyncset.done $0x0  }
0xa5: {  	s15 =	sadd.s32 $0x4F60, s13;
	[sflag:s1] =	ssyncadd.s32 $0xFFFFEC00  }
0xa6: {  	[spmem:s2] =	stream.indirect.scatter.add.f32 [tilespmem:s18], [sflag:$0xB], $0x40, s15, s23, $0xb8;
	[tilespmem:$0x1B080] =	vst v63  }
0xa7: {  	_ =	swait.ge [sflag:s3], $0x1400  }
0xa8: {  	[sflag:s3] =	ssyncset.done $0x0  }
0xa9: {  	s15 =	sadd.s32 $0x4FB0, s13;
	[sflag:s3] =	ssyncadd.s32 $0xFFFFEC00  }
0xaa: {  	[spmem:s2] =	stream.indirect.scatter.add.f32 [tilespmem:s30], [sflag:$0xC], $0x40, s15, s23, $0xb8;
	[tilespmem:$0x1B080] =	vst v63  }
0xab: {  	_ =	swait.ge [sflag:s22], $0x1400  }
0xac: {  	[sflag:s22] =	ssyncset.done $0x0  }
0xad: {  	s15 =	sadd.s32 $0x1E0, s13;
	[sflag:s22] =	ssyncadd.s32 $0xFFFFEC00  }
0xae: {  	[tilespmem:s19], [sflag:$0x1] =	stream.indirect.gather [hbm4b:s14+s23], $0x40, s15, s23, $0xb8;
	[tilespmem:$0x1B080] =	vst v63  }
0xaf: {  	_ =	swait.ge [sflag:s5], $0x1400  }
0xb0: {  	[sflag:s5] =	ssyncset.done $0x0  }
0xb1: {  	s15 =	sadd.s32 $0x230, s13;
	[sflag:s5] =	ssyncadd.s32 $0xFFFFEC00  }
0xb2: {  	[tilespmem:s26], [sflag:$0x2] =	stream.indirect.gather [hbm4b:s14+s23], $0x40, s15, s23, $0xb8;
	[tilespmem:$0x1B080] =	vst v63  }
0xb3: {  	_ =	swait.ge [sflag:s6], $0x1400  }
0xb4: {  	[sflag:s6] =	ssyncset.done $0x0  }
0xb5: {  	s15 =	sadd.s32 $0x280, s13;
	[sflag:s6] =	ssyncadd.s32 $0xFFFFEC00  }
0xb6: {  	[tilespmem:s29], [sflag:$0x3] =	stream.indirect.gather [hbm4b:s14+s23], $0x40, s15, s23, $0xb8;
	[tilespmem:$0x1B080] =	vst v63  }
0xb7: {  	_ =	swait.ge [sflag:s7], $0x1400  }
0xb8: {  	[sflag:s7] =	ssyncset.done $0x0  }
0xb9: {  	s15 =	sadd.s32 $0x2D0, s13;
	[sflag:s7] =	ssyncadd.s32 $0xFFFFEC00  }
0xba: {  	[tilespmem:s31], [sflag:$0x4] =	stream.indirect.gather [hbm4b:s14+s23], $0x40, s15, s23, $0xb8;
	[tilespmem:$0x1B080] =	vst v63  }
0xbb: {  	_ =	swait.ge [sflag:s8], $0x1400  }
0xbc: {  	[sflag:s8] =	ssyncset.done $0x0  }
.Ltmp1:
0xbd: {  	s15 =	sadd.s32 $0x320, s13;
	[sflag:s8] =	ssyncadd.s32 $0xFFFFEC00;
	(pc) =	sbr.rel @p1 .LBB2_4-.Ltmp1, $4  }
0xbe: {  	[tilespmem:s18], [sflag:$0x5] =	stream.indirect.gather [hbm4b:s14+s23], $0x40, s15, s23, $0xb8;
	[tilespmem:$0x1B080] =	vst v63  }
0xbf: {  	_ =	swait.ge [sflag:s9], $0x1400  }
0xc0: {  	[sflag:s9] =	ssyncset.done $0x0  }
0xc1: {  	s13 =	sadd.s32 $0x370, s13;
	[sflag:s9] =	ssyncadd.s32 $0xFFFFEC00  }
0xc2: {  	[tilespmem:s30], [sflag:$0x6] =	stream.indirect.gather [hbm4b:s14+s23], $0x40, s13, s23, $0xb8;
	[tilespmem:$0x1B080] =	vst v63  }
0xc3: {  	_ =	swait.ge [sflag:s20], $0x1400  }
0xc4: {  	s12 =	sshra.s32 s12, $0x2;
	[sflag:s20] =	ssyncset.done $0x0  }
0xc5: {  	s15 =	sadd.s32 $0x4E20, s12;
	[sflag:s20] =	ssyncadd.s32 $0xFFFFEC00  }
0xc6: {  	[spmem:s2] =	stream.indirect.scatter.add.f32 [tilespmem:s19], [sflag:$0x7], $0x40, s15, s23, $0xb8;
	[tilespmem:$0x1B080] =	vst v63  }
0xc7: {  	_ =	swait.ge [sflag:s21], $0x1400  }
0xc8: {  	[sflag:s21] =	ssyncset.done $0x0  }
0xc9: {  	s16 =	sadd.s32 $0x4E70, s12;
	[sflag:s21] =	ssyncadd.s32 $0xFFFFEC00  }
0xca: {  	[spmem:s2] =	stream.indirect.scatter.add.f32 [tilespmem:s26], [sflag:$0x8], $0x40, s16, s23, $0xb8;
	[tilespmem:$0x1B080] =	vst v63  }
0xcb: {  	_ =	swait.ge [sflag:s0], $0x1400  }
0xcc: {  	[sflag:s0] =	ssyncset.done $0x0  }
0xcd: {  	s17 =	sadd.s32 $0x4EC0, s12;
	[sflag:s0] =	ssyncadd.s32 $0xFFFFEC00  }
0xce: {  	[spmem:s2] =	stream.indirect.scatter.add.f32 [tilespmem:s29], [sflag:$0x9], $0x40, s17, s23, $0xb8;
	[tilespmem:$0x1B080] =	vst v63  }
0xcf: {  	_ =	swait.ge [sflag:s28], $0x1400  }
0xd0: {  	[sflag:s28] =	ssyncset.done $0x0  }
0xd1: {  	s15 =	sadd.s32 $0x4F10, s12;
	[sflag:s28] =	ssyncadd.s32 $0xFFFFEC00  }
0xd2: {  	[spmem:s2] =	stream.indirect.scatter.add.f32 [tilespmem:s31], [sflag:$0xA], $0x40, s15, s23, $0xb8;
	[tilespmem:$0x1B080] =	vst v63  }
0xd3: {  	_ =	swait.ge [sflag:s1], $0x1400  }
0xd4: {  	[sflag:s1] =	ssyncset.done $0x0  }
0xd5: {  	s16 =	sadd.s32 $0x4F60, s12;
	[sflag:s1] =	ssyncadd.s32 $0xFFFFEC00  }
0xd6: {  	[spmem:s2] =	stream.indirect.scatter.add.f32 [tilespmem:s18], [sflag:$0xB], $0x40, s16, s23, $0xb8;
	[tilespmem:$0x1B080] =	vst v63  }
0xd7: {  	_ =	swait.ge [sflag:s3], $0x1400  }
0xd8: {  	[sflag:s3] =	ssyncset.done $0x0  }
0xd9: {  	s17 =	sadd.s32 $0x4FB0, s12;
	[sflag:s3] =	ssyncadd.s32 $0xFFFFEC00  }
0xda: {  	[spmem:s2] =	stream.indirect.scatter.add.f32 [tilespmem:s30], [sflag:$0xC], $0x40, s17, s23, $0xb8;
	[tilespmem:$0x1B080] =	vst v63  }
0xdb: {  	_ =	swait.ge [sflag:s22], $0x1400  }
0xdc: {  	[sflag:s22] =	ssyncset.done $0x0  }
0xdd: {  	s15 =	sadd.s32 $0x1E0, s12;
	[sflag:s22] =	ssyncadd.s32 $0xFFFFEC00  }
0xde: {  	[tilespmem:s19], [sflag:$0x1] =	stream.indirect.gather [hbm4b:s14+s23], $0x40, s15, s23, $0xb8;
	[tilespmem:$0x1B080] =	vst v63  }
0xdf: {  	_ =	swait.ge [sflag:s5], $0x1400  }
0xe0: {  	[sflag:s5] =	ssyncset.done $0x0  }
0xe1: {  	s16 =	sadd.s32 $0x230, s12;
	[sflag:s5] =	ssyncadd.s32 $0xFFFFEC00  }
0xe2: {  	[tilespmem:s26], [sflag:$0x2] =	stream.indirect.gather [hbm4b:s14+s23], $0x40, s16, s23, $0xb8;
	[tilespmem:$0x1B080] =	vst v63  }
0xe3: {  	_ =	swait.ge [sflag:s6], $0x1400  }
0xe4: {  	[sflag:s6] =	ssyncset.done $0x0  }
0xe5: {  	s17 =	sadd.s32 $0x280, s12;
	[sflag:s6] =	ssyncadd.s32 $0xFFFFEC00  }
0xe6: {  	[tilespmem:s29], [sflag:$0x3] =	stream.indirect.gather [hbm4b:s14+s23], $0x40, s17, s23, $0xb8;
	[tilespmem:$0x1B080] =	vst v63  }
0xe7: {  	_ =	swait.ge [sflag:s7], $0x1400  }
0xe8: {  	[sflag:s7] =	ssyncset.done $0x0  }
0xe9: {  	s12 =	sadd.s32 $0x2D0, s12;
	[sflag:s7] =	ssyncadd.s32 $0xFFFFEC00  }
0xea: {  	[tilespmem:s31], [sflag:$0x4] =	stream.indirect.gather [hbm4b:s14+s23], $0x40, s12, s23, $0xb8;
	[tilespmem:$0x1B080] =	vst v63  }
0xeb: {  	_ =	swait.ge [sflag:s20], $0x1400  }
0xec: {  	[sflag:s20] =	ssyncset.done $0x0  }
0xed: {  	s15 =	simm.s32 $0x9B00;
	[sflag:s20] =	ssyncadd.s32 $0xFFFFEC00  }
0xee: {  	[spmem:s2] =	stream.indirect.scatter.add.f32 [tilespmem:s19], [sflag:$0x7], $0x40, s15, s23, $0xb8;
	[tilespmem:$0x1B080] =	vst v63  }
0xef: {  	_ =	swait.ge [sflag:s21], $0x1400  }
0xf0: {  	[sflag:s21] =	ssyncset.done $0x0  }
0xf1: {  	s16 =	simm.s32 $0x9B50;
	[sflag:s21] =	ssyncadd.s32 $0xFFFFEC00  }
0xf2: {  	[spmem:s2] =	stream.indirect.scatter.add.f32 [tilespmem:s26], [sflag:$0x8], $0x40, s16, s23, $0xb8;
	[tilespmem:$0x1B080] =	vst v63  }
0xf3: {  	_ =	swait.ge [sflag:s0], $0x1400  }
0xf4: {  	[sflag:s0] =	ssyncset.done $0x0  }
0xf5: {  	s17 =	simm.s32 $0x9BA0;
	[sflag:s0] =	ssyncadd.s32 $0xFFFFEC00  }
0xf6: {  	[spmem:s2] =	stream.indirect.scatter.add.f32 [tilespmem:s29], [sflag:$0x9], $0x40, s17, s23, $0xb8;
	[tilespmem:$0x1B080] =	vst v63  }
0xf7: {  	_ =	swait.ge [sflag:s28], $0x1400  }
0xf8: {  	[sflag:s28] =	ssyncset.done $0x0  }
0xf9: {  	s13 =	simm.s32 $0x9BF0;
	[sflag:s28] =	ssyncadd.s32 $0xFFFFEC00  }
0xfa: {  	[spmem:s2] =	stream.indirect.scatter.add.f32 [tilespmem:s31], [sflag:$0xA], $0x40, s13, s23, $0xb8;
	[tilespmem:$0x1B080] =	vst v63  }
0xfb: {  	_ =	swait.ge [sflag:s22], $0x1400  }
0xfc: {  	[sflag:s22] =	ssyncset.done $0x0  }
0xfd: {  	[sflag:s22] =	ssyncadd.s32 $0xFFFFEC00  }
0xfe: {  	_ =	swait.ge [sflag:s5], $0x1400  }
0xff: {  	[sflag:s5] =	ssyncset.done $0x0  }
0x100: {  	[sflag:s5] =	ssyncadd.s32 $0xFFFFEC00  }
0x101: {  	_ =	swait.ge [sflag:s6], $0x1400  }
0x102: {  	[sflag:s6] =	ssyncset.done $0x0  }
0x103: {  	[sflag:s6] =	ssyncadd.s32 $0xFFFFEC00  }
0x104: {  	_ =	swait.ge [sflag:s7], $0x1400  }
0x105: {  	[sflag:s7] =	ssyncset.done $0x0  }
0x106: {  	[sflag:s7] =	ssyncadd.s32 $0xFFFFEC00  }
0x107: {  	_ =	swait.ge [sflag:s8], $0x1400  }
0x108: {  	[sflag:s8] =	ssyncset.done $0x0  }
0x109: {  	[sflag:s8] =	ssyncadd.s32 $0xFFFFEC00  }
0x10a: {  	_ =	swait.ge [sflag:s9], $0x1400  }
0x10b: {  	[sflag:s9] =	ssyncset.done $0x0  }
0x10c: {  	s15 =	stileid.u32;
	[sflag:s9] =	ssyncadd.s32 $0xFFFFEC00  }
0x10d: {  	s12 =	sshll.u32 s15, $0x6;
	[bflag:$0x0] =	sbarrier.arrive $0xFFFF  }
0x10e: {  	s15 =	simm.s32 $0x10;
	s12 =	sor.u32 $0x1C0D, s12;
	s16 =	rddreg [dreg:$0xd]  }
0x10f: {  	[hbm:s16@s15], [sflag:s12] =	dma.strided [spmem:s24@s5], $0x1380, s20, $0x8   }
0x110: {  	_ =	swait.ge [sflag:s10], $0x1380  }
0x111: {  	s13 =	simm.s32 @!p0 $0x1;
	s15 =	simm.s32 @!p0 $0x10;
	[sflag:s10] =	ssyncset.done $0x0  }
0x112: {  	s16 =	simm.s32 @!p0 $0x8;
	s17 =	rddreg [dreg:$0xe];
	[sflag:s10] =	ssyncadd.s32 $0xFFFFEC80  }
0x113: {  	[hbm:s17@s15], [sflag:s12] =	dma.strided @!p0 [spmem:s25@s16], $0x80, s13, $0x8   }
0x114: {  	s12 =	simm.s32 @!p0 $0xD  }
0x115: {  	_ =	swait.ge @!p0 [sflag:s12], $0x80  }
0x116: {  	s11 =	sadd.s32 $0x1, s11;
	s17 =	rddreg [dreg:$0xf]  }
0x117: {  	p1 =	sne.s32 s11, s17  }
.Ltmp2:
0x118: {  	_ = 	snop;
	(pc) =	sbr.rel @p1 .LBB2_1-.Ltmp2, $3  }
0x119: {  	_ =	sdelay $0x1  }
0x11a: {  	[sflag:s12] =	ssyncset.done @!p0 $0x0  }
0x11b: {  	[sflag:s12] =	ssyncadd.s32 @!p0 $0xFFFFFF80  }
0x11c: {  	_ =	sfence.sel $0x180000  }
0x11d: {  	[bflag:$0x0] =	sbarrier.arrive $0xFFFF  }
0x11e: {  	_ =	strace $0x9000004A  }
0x11f: {  	s0 =	stileid.u32;
	[bflag:$0x2] =	sbarrier.arrive $0xFFFF  }
0x120: {  	p0 =	sne.s32 s0, $0x0;
	s0 =	rddreg [dreg:$0x3]  }
0x121: {  	s0 =	sadd.s32 @!p0 $0x100000, s0  }
0x122: {  	[sflag:s0] =	ssyncadd.tile.s32 @!p0 $0x1;
	_ =	shalt  }
.Lfunc_end2:
_tile_overlayer_lowered:
.L_overlay_start_2:
0x123: {  	(tag) =	ssettag $0x2  }
0x124: {  	s0 =	rddreg [dreg:$0x0];
	s2 =	stileid.u32  }
0x125: {  	s1 =	rddreg [dreg:$0x1];
	p0 =	sne.s32 s2, $0x0  }
0x126: {  	s3 =	rddreg [dreg:$0x2];
	[bflag:$0x3] =	sbarrier.arrive $0xFFFF;
	s2 =	simm.s32 @!p0 $0x1C0D  }
0x127: {  	[timem:s3], [sflag:s2] =	dma.local @!p0 [hbm:s0], s1  }
0x128: {  	s0 =	simm.s32 @!p0 $0xD  }
0x129: {  	_ =	swait.ge @!p0 [sflag:s0], s1  }
0x12a: {  	s1 =	ssub.s32 @!p0 $0x0, s1;
	[sflag:s0] =	ssyncset.done @!p0 $0x0  }
0x12b: {  	[sflag:s0] =	ssyncadd.s32 @!p0 s1  }
0x12c: {  	[bflag:$0x3] =	sbarrier.arrive $0xFFFF  }
0x12d: {  	_ =	shalt  }

// kernel: kernel.8.cloned.1.call-start
scs
__scs_entry_jumppad:
0x0: {  	(pc) =	sbr.rel $0x88, $3  }
0x1: {  	(tag) =	ssettag $0x0;
	lr =	simm.s32 $0x1  }
0x2: {  	[smem:$0x3F99] =	sst lr;
	_ =	strace $0xD0000000  }
0x3: {  	_ = 	snop  }
0x4: {  	_ = 	snop  }
0x5: {  	_ = 	snop  }
0x6: {  	_ = 	snop  }
0x7: {  	_ = 	snop  }
__scs_overlays_trampoline_lowered:
0x8: {  	[smem:$0x3FA8] =	sst s0  }
0x9: {  	[smem:$0x3FA9] =	sst s1  }
0xa: {  	[smem:$0x3FAA] =	sst s2  }
0xb: {  	[smem:$0x3FAB] =	sst s3  }
0xc: {  	[smem:$0x3FAC] =	sst s4  }
0xd: {  	[smem:$0x3FAD] =	sst s5  }
0xe: {  	[smem:$0x3FAE] =	sst s6  }
0xf: {  	[smem:$0x3FAF] =	sst s7  }
0x10: {  	[smem:$0x3FB0] =	sst s8  }
0x11: {  	[smem:$0x3FB1] =	sst s9;
	s0 =	simm.s32 @!p0 $0x0  }
0x12: {  	s1 =	sld [smem:$0x3F97];
	s0 =	simm.s32 @p0 $0x1  }
0x13: {  	[smem:$0x3FB2] =	sst s0;
	s0 =	simm.s32 @!p1 $0x0  }
0x14: {  	s2 =	sld [smem:$0x3F96];
	s0 =	simm.s32 @p1 $0x1  }
0x15: {  	[smem:$0x3FB3] =	sst s0;
	s0 =	simm.s32 @!p2 $0x0  }
0x16: {  	s3 =	sld [smem:$0x3FDB];
	s0 =	simm.s32 @p2 $0x1  }
0x17: {  	s4 =	simm.s32 $0x1BF5;
	[smem:$0x3FB5] =	sst s0  }
0x18: {  	s0 =	sld [smem:$0x3F98];
	_ =	swait.ge [sflag:s4], $0x0  }
0x19: {  	s7 =	sld [smem:$0x3F99]  }
0x1a: {  	s8 =	sadd.s32 $0xFFFFE003, lr  }
0x1b: {  	s9 =	sadd.s32 $0xFFFFFEF7, lr;
	s5 =	simm.s32 $0xFFFFFFFF;
	p2 =	slt.u32 s8, $0xFFFFF086  }
0x1c: {  	p1 =	slt.u32 s9, $0xF7A;
	s5 =	simm.s32 @!p2 $0x0  }
0x1d: {  	s5 =	simm.s32 @p1 $0x1;
	p0 =	seq.s32 s7, s2  }
0x1e: {  	s7 =	smul.u32 @!p0 $0xF7A, s2;
	p2 =	seq.s32 @!p0 s5, $0x0  }
0x1f: {  	s9 =	smul.u32 $0xF7A, s1;
	s8 =	simm.s32 @!p0 $0x1BF5;
	p2 =	por !p2, p0  }
0x20: {  	[sflag:s8] =	ssyncset.s32 @!p0 $0xFFFFF086;
	s6 =	sadd.s32 @!p0 s3, s7;
	s7 =	simm.s32 @!p0 $0x108  }
0x21: {  	s3 =	sadd.s32 s3, s9;
	s6 =	sadd.s32 @!p0 $0x88, s6;
	s7 =	simm.s32 @p2 $0x1082  }
0x22: {  	[simem:s7], [sflag:s8] =	dma.local @!p0 [hbm:s6], $0xF7A  }
0x23: {  	s9 =	sor.u32 $0xD0000000, s2;
	s6 =	simm.s32 $0x108;
	_ =	swait.ge @!p0 [sflag:s8], $0x0  }
0x24: {  	s3 =	sadd.s32 $0x88, s3;
	s6 =	simm.s32 @!p1 $0x1082;
	[sflag:s4] =	ssyncset.s32 $0xFFFFF086  }
0x25: {  	[simem:s6], [sflag:s4] =	dma.local [hbm:s3], $0xF7A  }
0x26: {  	[smem:$0x3F99] =	sst s1;
	(tag) =	ssettag s2;
	_ =	strace s9  }
0x27: {  	s1 =	sld [smem:$0x3FA9]  }
0x28: {  	s2 =	sld [smem:$0x3FAA]  }
0x29: {  	s4 =	sld [smem:$0x3FAC]  }
0x2a: {  	p0 =	seq.s32 s5, $0x0;
	s5 =	sld [smem:$0x3FAD]  }
0x2b: {  	s6 =	sld [smem:$0x3FAE]  }
0x2c: {  	s7 =	sld [smem:$0x3FAF]  }
0x2d: {  	s3 =	simm.s32 $0x108;
	s8 =	sld [smem:$0x3FB0]  }
0x2e: {  	s3 =	simm.s32 @!p0 $0x1082;
	s9 =	sld [smem:$0x3FB1]  }
0x2f: {  	lr =	sadd.s32 s0, s3;
	s0 =	sld [smem:$0x3FA8]  }
0x30: {  	s3 =	sld [smem:$0x3FAB]  }
0x31: {  	[smem:$0x3FB4] =	sst s10  }
0x32: {  	s10 =	sld [smem:$0x3FB2];
	_ =	sdelay $0x3  }
0x33: {  	p0 =	seq.s32 s10, $0x1;
	s10 =	sld [smem:$0x3FB4];
	_ =	sdelay $0x3  }
0x34: {  	[smem:$0x3FB4] =	sst s10  }
0x35: {  	s10 =	sld [smem:$0x3FB3];
	_ =	sdelay $0x3  }
0x36: {  	p1 =	seq.s32 s10, $0x1;
	s10 =	sld [smem:$0x3FB4];
	_ =	sdelay $0x3  }
0x37: {  	[smem:$0x3FB4] =	sst s10  }
0x38: {  	s10 =	sld [smem:$0x3FB5]  }
0x39: {  	_ = 	snop;
	(pc) =	sbr.ind lr, $3  }
0x3a: {  	_ = 	snop  }
0x3b: {  	_ = 	snop  }
0x3c: {  	p2 =	seq.s32 s10, $0x1;
	s10 =	sld [smem:$0x3FB4]  }
0x3d: {  	_ =	shalt  }
0x3e: {  	_ =	shalt  }
0x3f: {  	_ =	shalt  }
0x40: {  	_ =	shalt  }
0x41: {  	_ =	shalt  }
0x42: {  	_ =	shalt  }
0x43: {  	_ =	shalt  }
0x44: {  	_ =	shalt  }
0x45: {  	_ =	shalt  }
0x46: {  	_ =	shalt  }
0x47: {  	_ =	shalt  }
0x48: {  	_ =	shalt  }
0x49: {  	_ =	shalt  }
0x4a: {  	_ =	shalt  }
0x4b: {  	_ =	shalt  }
0x4c: {  	_ =	shalt  }
0x4d: {  	_ =	shalt  }
0x4e: {  	_ =	shalt  }
0x4f: {  	_ =	shalt  }
0x50: {  	_ =	shalt  }
0x51: {  	_ =	shalt  }
0x52: {  	_ =	shalt  }
0x53: {  	_ =	shalt  }
0x54: {  	_ =	shalt  }
0x55: {  	_ =	shalt  }
0x56: {  	_ =	shalt  }
0x57: {  	_ =	shalt  }
0x58: {  	_ =	shalt  }
0x59: {  	_ =	shalt  }
0x5a: {  	_ =	shalt  }
0x5b: {  	_ =	shalt  }
0x5c: {  	_ =	shalt  }
0x5d: {  	_ =	shalt  }
0x5e: {  	_ =	shalt  }
0x5f: {  	_ =	shalt  }
0x60: {  	_ =	shalt  }
0x61: {  	_ =	shalt  }
0x62: {  	_ =	shalt  }
0x63: {  	_ =	shalt  }
0x64: {  	_ =	shalt  }
0x65: {  	_ =	shalt  }
0x66: {  	_ =	shalt  }
0x67: {  	_ =	shalt  }
0x68: {  	_ =	shalt  }
0x69: {  	_ =	shalt  }
0x6a: {  	_ =	shalt  }
0x6b: {  	_ =	shalt  }
0x6c: {  	_ =	shalt  }
0x6d: {  	_ =	shalt  }
0x6e: {  	_ =	shalt  }
0x6f: {  	_ =	shalt  }
0x70: {  	_ =	shalt  }
0x71: {  	_ =	shalt  }
0x72: {  	_ =	shalt  }
0x73: {  	_ =	shalt  }
0x74: {  	_ =	shalt  }
0x75: {  	_ =	shalt  }
0x76: {  	_ =	shalt  }
0x77: {  	_ =	shalt  }
0x78: {  	_ =	shalt  }
0x79: {  	_ =	shalt  }
0x7a: {  	_ =	shalt  }
0x7b: {  	_ =	shalt  }
0x7c: {  	_ =	shalt  }
0x7d: {  	_ =	shalt  }
0x7e: {  	_ =	shalt  }
0x7f: {  	_ =	shalt  }
0x80: {  	_ =	shalt  }
0x81: {  	_ =	shalt  }
0x82: {  	_ =	shalt  }
0x83: {  	_ =	shalt  }
0x84: {  	_ =	shalt  }
0x85: {  	_ =	shalt  }
0x86: {  	_ =	shalt  }
0x87: {  	_ =	shalt  }
.Lfunc_end0:
.L_simem_size_0:
called_computation_lowered:
.L_overlay_start_0:
0x88: {  	s2 =	sld [smem:$0x3FD9]  }
0x89: {  	s3 =	sld [smem:$0x3FFE];
	_ =	sdelay $0x1  }
0x8a: {  	s1 =	srdreg.scid  }
0x8b: {  	s0 =	sand.u32 $0x1, s1  }
0x8c: {  	s17 =	sshll.u32 s0, $0xA;
	s2 =	sadd.s32 s3, s2  }
0x8d: {  	s2 =	sadd.s32 s2, s17  }
0x8e: {  	[smem:$0x3FC0] =	sst s2  }
0x8f: {  	_ = 	snop  }
0x90: {  	s2 =	sld [smem:$0x3FC9]  }
0x91: {  	s18 =	sld [smem:$0x3FD0];
	(tm) =	ssettm $0x1  }
0x92: {  	s4 =	sld [smem:$0x3FFB];
	_ =	sdelay $0x3  }
0x93: {  	_ =	strace s4  }
0x94: {  	s4 =	sld [smem:$0x3FFC];
	_ =	sdelay $0x3  }
0x95: {  	_ =	strace s4  }
0x96: {  	s4 =	sld [smem:$0x3FFD];
	_ =	sdelay $0x3  }
0x97: {  	_ =	strace s4  }
0x98: {  	_ =	strace $0x8FFFFFFF  }
0x99: {  	s19 =	sld [smem:$0x3FDB];
	_ =	sdelay $0x1  }
0x9a: {  	s5 =	simm.s32 $_scs_section_size  }
0x9b: {  	s6 =	simm.s32 $_size__tile_overlayer_lowered;
	s7 =	simm.s32 $_tile_overlayer_lowered  }
0x9c: {  	s22 =	simm.s32 $0x1BFF;
	s21 =	sshll.u32 s7, $0x1;
	s4 =	sadd.s32 s5, s19  }
0x9d: {  	s8 =	simm.s32 $0x0;
	s20 =	sshll.u32 s6, $0x1;
	s6 =	sadd.s32 s21, s4  }
0x9e: {  	[timem:s8], [sflag:s22] =	dma.local [hbm:s6], s20  }
0x9f: {  	_ =	swait.ge [sflag:s22], s20  }
0xa0: {  	s5 =	ssub.s32 $0x0, s20;
	[sflag:s22] =	ssyncset.done $0x0  }
0xa1: {  	[sflag:s22] =	ssyncadd.s32 s5;
	_ =	sdelay $0x1  }
0xa2: {  	s23 =	simm.s32 $0x1B8B  }
0xa3: {  	_ =	swait.ge [sflag:s23], $0x1  }
0xa4: {  	[sflag:s23] =	ssyncset.done $0x0  }
0xa5: {  	s25 =	simm.s32 $0x1B8E;
	s24 =	sld [smem:$0x3FFE];
	[sflag:s23] =	ssyncadd.s32 $0xFFFFFFFF  }
0xa6: {  	s26 =	simm.s32 $execute0_lowered;
	[smem:$0x3FD2] =	sst s25  }
0xa7: {  	s6 =	sshll.u32 s26, $0x1;
	_ =	strace $0x80000046;
	[dreg:$0x1] =	wrdreg $0xFFFFFFFF  }
0xa8: {  	s28 =	simm.s32 $_size_execute0_lowered;
	s4 =	sadd.s32 s4, s6;
	[dreg:$0x0] =	wrdreg $0x0  }
0xa9: {  	s6 =	sshll.u32 s28, $0x1;
	[dreg:$0x2] =	wrdreg s4  }
0xaa: {  	[dreg:$0x3] =	wrdreg s6  }
0xab: {  	[dreg:$0x4] =	wrdreg $0xC0  }
0xac: {  	_ =	task [dreg:s8], $0x5FFFF  }
0xad: {  	[dreg:$0x1] =	wrdreg $0xFFFFFFFF  }
0xae: {  	[dreg:$0x0] =	wrdreg $0x60  }
0xaf: {  	[dreg:$0x2] =	wrdreg s2  }
0xb0: {  	[dreg:$0x3] =	wrdreg s24  }
0xb1: {  	[dreg:$0x4] =	wrdreg s18  }
0xb2: {  	[dreg:$0x5] =	wrdreg $0x11E400  }
0xb3: {  	[dreg:$0x6] =	wrdreg $0x1BA800  }
0xb4: {  	[dreg:$0x7] =	wrdreg $0x9  }
0xb5: {  	_ =	task.clear_ibuf [dreg:s8], $0x8FFFF;
	_ =	strace $0x90000046  }
0xb6: {  	s29 =	simm.s32 $0x9;
	_ =	strace $0x80000048  }
0xb7: {  	_ =	swait.ge [sflag:s29], $0x1  }
0xb8: {  	[sflag:s29] =	ssyncadd.s32 $0xFFFFFFFF  }
0xb9: {  	_ =	strace $0x90000048  }
0xba: {  	_ =	sfence  }
0xbb: {  	s30 =	sld [smem:$0x0];
	_ =	sdelay $0x2  }
0xbc: {  	s31 =	sshll.u32 s1, $0xD;
	s1 =	sshrl.u32 s1, $0x2  }
0xbd: {  	s3 =	sand.u32 $0x4000, s31;
	s1 =	sadd.s32 s1, s30  }
0xbe: {  	s0 =	sor.u32 s3, s0;
	s1 =	sshll.u32 s1, $0x11  }
0xbf: {  	s0 =	sor.u32 s1, s0  }
0xc0: {  	s0 =	sadd.s32 $0x8F2B, s0  }
0xc1: {  	[sflag:s0] =	ssyncadd.remote.s32 $0x1  }
0xc2: {  	_ =	sfence.sel $0xFFFF  }
0xc3: {  	[dreg:$0x0] =	wrdreg $0xFFFFFFFF;
	(pc) =	sbr.abs _section_cstart, $3  }
0xc4: {  	[dreg:$0x1] =	wrdreg $0xFFFFFFFF  }
0xc5: {  	_ =	task.clear_ibuf [dreg:s8], $0x2FFFF;
	_ =	strace $0x9FFFFFFF  }
0xc6: {  	(tm) =	ssettm $0x7FFFFFFF  }
0xc7: {  	_ =	shalt  }
tec
execute0_lowered:
.L_overlay_start_1:
0x0: {  	(tag) =	ssettag $0x1  }
0x1: {  	s2 =	rddreg [dreg:$0x0]  }
0x2: {  	s0 =	rddreg [dreg:$0x1]  }
0x3: {  	s4 =	rddreg [dreg:$0x2]  }
0x4: {  	s1 =	rddreg [dreg:$0x3];
	s13 =	stileid.u32  }
0x5: {  	s3 =	rddreg [dreg:$0x4];
	s6 =	smul.u32 $0x9C4, s13  }
0x6: {  	s5 =	simm.s32 $0x0;
	s14 =	srdreg.scid;
	s8 =	smul.u32 $0x27100, s13  }
0x7: {  	[smem:$0x7FF] =	sst s5;
	s5 =	sand.u32 $0x1, s14;
	s10 =	smul.u32 $0x9C40, s13  }
0x8: {  	s9 =	sadd.s32 $0x16800, s0;
	s28 =	smul.u32 $0x13800, s13;
	p1 =	sne.s32 s13, $0xF  }
0x9: {  	_ =	strace $0x80000047;
	s7 =	ssub.s32 $0x2, s5;
	s29 =	sshll.u32 s5, $0x6  }
0xa: {  	s11 =	smul.u32 $0x27100, s5;
	s12 =	sshll.u32 s5, $0x3;
	p0 =	seq.s32 s5, $0x0  }
0xb: {  	s6 =	sadd.s32 s6, s0;
	s15 =	sshrl.u32 s7, $0x1;
	s17 =	sshrl.u32 s8, $0x2  }
0xc: {  	s18 =	sshrl.u32 s10, $0x2;
	s10 =	smul.u32 $0x2700, s13;
	s16 =	sadd.s32 $0xCA00, s6  }
0xd: {  	s0 =	ssub.s32 s7, s15;
	s6 =	sadd.s32 $0x2C00, s6;
	[dreg:$0x6] =	wrdreg s16  }
0xe: {  	s7 =	smul.u32 $0x271, s13;
	s19 =	sadd.s32 s18, s3;
	[dreg:$0x7] =	wrdreg s6  }
0xf: {  	s15 =	sadd.s32 s2, s12;
	s6 =	sadd.s32 s17, s1;
	[dreg:$0x9] =	wrdreg s19  }
0x10: {  	s0 =	smax.u32 s0, $0x1;
	[dreg:$0x8] =	wrdreg s6;
	s20 =	sadd.s32 $0x50, s7  }
0x11: {  	s22 =	sadd.s32 $0xA0, s7;
	s25 =	sadd.s32 $0xF0, s7;
	s14 =	sadd.s32 $0x140, s7  }
0x12: {  	s19 =	sadd.s32 $0x190, s7;
	[dreg:$0x1c] =	wrdreg s0;
	s21 =	sshll.u32 s20, $0x6  }
0x13: {  	s6 =	sshll.u32 s20, $0x4;
	s23 =	sshll.u32 s22, $0x6;
	s24 =	sshll.u32 s22, $0x4  }
0x14: {  	s26 =	sshll.u32 s25, $0x6;
	s17 =	sshll.u32 s14, $0x6;
	s20 =	sadd.s32 $0x1E0, s7  }
0x15: {  	s7 =	sadd.s32 $0x230, s7;
	s8 =	sadd.s32 s21, s1;
	s6 =	sadd.s32 s6, s3  }
0x16: {  	s18 =	sadd.s32 s17, s1;
	s21 =	sshll.u32 s19, $0x6;
	[dreg:$0xa] =	wrdreg s8  }
0x17: {  	s22 =	sshll.u32 s20, $0x6;
	s17 =	simm.s32 $0xA;
	[dreg:$0xb] =	wrdreg s6  }
0x18: {  	s6 =	sadd.s32 s23, s1;
	s8 =	sshll.u32 s25, $0x4;
	[dreg:$0x12] =	wrdreg s18  }
0x19: {  	s23 =	sadd.s32 s22, s1;
	s25 =	smul.u32 $0x27000, s13;
	s13 =	simm.s32 $0xC440  }
0x1a: {  	s18 =	simm.s32 $0xB;
	s22 =	simm.s32 $0x0;
	[dreg:$0xc] =	wrdreg s6  }
0x1b: {  	s6 =	sadd.s32 s24, s3;
	s8 =	sadd.s32 s8, s3;
	[dreg:$0x16] =	wrdreg s23  }
0x1c: {  	s24 =	sshll.u32 s20, $0x4;
	s20 =	simm.s32 $0xD;
	[dreg:$0xd] =	wrdreg s6  }
0x1d: {  	s6 =	sadd.s32 s26, s1;
	[dreg:$0x11] =	wrdreg s8;
	s26 =	sshll.u32 s7, $0x6  }
0x1e: {  	s7 =	sshll.u32 s7, $0x4;
	s8 =	simm.s32 $0x1;
	[dreg:$0xe] =	wrdreg s6  }
0x1f: {  	s6 =	sor.u32 s29, s28;
	s28 =	sadd.s32 s7, s3;
	s29 =	sshrl.u32 s25, $0x2  }
0x20: {  	s7 =	simm.s32 $0x11940;
	s30 =	sshrl.u32 s6, $0x3;
	s6 =	sadd.s32 s10, s11  }
0x21: {  	s11 =	sshrl.u32 s11, $0x3;
	[dreg:$0x19] =	wrdreg s28;
	s2 =	sadd.s32 s4, s30  }
0x22: {  	s4 =	sadd.s32 s12, s4;
	s16 =	sadd.s32 s9, s11;
	s30 =	sadd.s32 s10, s3  }
0x23: {  	s10 =	simm.s32 $0x7;
	s11 =	simm.s32 $0x8;
	s12 =	simm.s32 $0x50  }
0x24: {  	[dreg:$0xf] =	wrdreg s2;
	s2 =	sshrl.u32 s6, $0x3;
	s6 =	sshll.u32 s14, $0x4  }
0x25: {  	s4 =	sadd.s32 $0x27000, s4;
	s0 =	sshrl.u32 s30, $0x3;
	s14 =	simm.s32 $0x3  }
0x26: {  	s2 =	sadd.s32 s9, s2;
	s6 =	sadd.s32 s6, s3;
	[dreg:$0x1a] =	wrdreg s4  }
0x27: {  	s9 =	sadd.s32 s21, s1;
	s4 =	sadd.s32 $0x27000, s3;
	[dreg:$0x10] =	wrdreg s2  }
0x28: {  	s21 =	simm.s32 $0xE;
	[dreg:$0x13] =	wrdreg s6;
	s6 =	sshll.u32 s19, $0x4  }
0x29: {  	[dreg:$0x14] =	wrdreg s9;
	s2 =	sadd.s32 $0x4E00, s16;
	s4 =	sshrl.u32 @!p1 s4, $0x3  }
0x2a: {  	s9 =	simm.s32 $0x2;
	s6 =	sadd.s32 s6, s3;
	[dreg:$0x1b] =	wrdreg s2  }
0x2b: {  	s16 =	simm.s32 $0x9;
	[dreg:$0x15] =	wrdreg s6;
	s6 =	sadd.s32 s24, s3  }
0x2c: {  	s19 =	simm.s32 $0xC;
	[dreg:$0x17] =	wrdreg s6;
	s6 =	sadd.s32 s26, s1  }
0x2d: {  	s2 =	sadd.s32 $0x9C000, s1;
	[dreg:$0x18] =	wrdreg s6;
	s6 =	sadd.s32 s29, s1  }
0x2e: {  	v0 =	vimm.f32 $0.0e+00;
	v1 =	vimm.f32 $1.000000000e+00;
	s2 =	sshrl.u32 @!p1 s2, $0x3;
	s31 =	sshrl.u32 s6, $0x3;
	s6 =	simm.s32 $0x9C40  }
.LBB2_1:
0x2f: {  	s23 =	simm.s32 $0x0;
	s24 =	rddreg [dreg:$0x6]  }
0x30: {  	[tilespmem:s23], [sflag:$0x1] =	stream.linear.gather [hbm4b:s24+s23], $0x4E20, $0x38;
	[tilespmem:$0x1E190] =	vst v63  }
0x31: {  	s30 =	rddreg [dreg:$0x7];
	s25 =	simm.s32 $0x4E20  }
0x32: {  	[tilespmem:s25], [sflag:$0x2] =	stream.linear.gather [hbm4b:s30+s23], $0x4E20, $0x38;
	[tilespmem:$0x1E190] =	vst v63  }
0x33: {  	s23 =	simm.s32 $0x0  }
.LBB2_2:
0x34: {  	p2 =	sne.s32 s23, $0x4F00  }
.Ltmp0:
0x35: {  	s24 =	sshra.s32 s23, $0x2;
	(pc) =	sbr.rel @p2 .LBB2_2-.Ltmp0, $4  }
0x36: {  	[tilespmem:s24+$0x9C40] =	vst v0  }
0x37: {  	[tilespmem:s24+$0x9C50] =	vst v0  }
0x38: {  	[tilespmem:s24+$0x9C60] =	vst v0  }
0x39: {  	s23 =	sadd.s32 $0x100, s23;
	[tilespmem:s24+$0x9C70] =	vst v0  }
0x3a: {  	s23 =	simm.s32 $0x40;
	s24 =	simm.s32 $0x0  }
.LBB2_4:
0x3b: {  	p2 =	sne.s32 s23, $0x13C0;
	[tilespmem:s24+$0x11440] =	vst v1;
	s25 =	smov.u32 s23;
	s23 =	sadd.s32 $0x40, s23  }
.Ltmp1:
0x3c: {  	[tilespmem:s24+$0x11940] =	vst v0;
	(pc) =	sbr.rel @p2 .LBB2_4-.Ltmp1, $2  }
0x3d: {  	_ =	sdelay $0x2  }
0x3e: {  	s24 =	sshra.s32 s25, $0x2  }
0x3f: {  	[tilespmem:s24+$0x11440] =	vst v1  }
0x40: {  	[tilespmem:s24+$0x11940] =	vst v0;
	s23 =	rddreg [dreg:$0x8]  }
0x41: {  	[spmem:s23] =	stream.linear.scatter [tilespmem:s6], [sflag:$0x7], $0x1400, $0x38;
	[tilespmem:$0x1E190] =	vst v63  }
0x42: {  	s24 =	rddreg [dreg:$0x9]  }
0x43: {  	[spmem:s24] =	stream.linear.scatter [tilespmem:s7], [sflag:$0x8], $0x500, $0x38;
	[tilespmem:$0x1E190] =	vst v63  }
0x44: {  	s25 =	rddreg [dreg:$0xa]  }
0x45: {  	[spmem:s25] =	stream.linear.scatter [tilespmem:s6], [sflag:$0x7], $0x1400, $0x38;
	[tilespmem:$0x1E190] =	vst v63  }
0x46: {  	s26 =	rddreg [dreg:$0xb]  }
0x47: {  	[spmem:s26] =	stream.linear.scatter [tilespmem:s7], [sflag:$0x8], $0x500, $0x38;
	[tilespmem:$0x1E190] =	vst v63  }
0x48: {  	s28 =	rddreg [dreg:$0xc]  }
0x49: {  	[spmem:s28] =	stream.linear.scatter [tilespmem:s6], [sflag:$0x7], $0x1400, $0x38;
	[tilespmem:$0x1E190] =	vst v63  }
0x4a: {  	s29 =	rddreg [dreg:$0xd]  }
0x4b: {  	[spmem:s29] =	stream.linear.scatter [tilespmem:s7], [sflag:$0x8], $0x500, $0x38;
	[tilespmem:$0x1E190] =	vst v63  }
0x4c: {  	s30 =	rddreg [dreg:$0xe]  }
0x4d: {  	[spmem:s30] =	stream.linear.scatter [tilespmem:s6], [sflag:$0x7], $0x1400, $0x38;
	[tilespmem:$0x1E190] =	vst v63  }
0x4e: {  	s24 =	rddreg [dreg:$0x11]  }
0x4f: {  	[spmem:s24] =	stream.linear.scatter [tilespmem:s7], [sflag:$0x8], $0x500, $0x38;
	[tilespmem:$0x1E190] =	vst v63  }
0x50: {  	s25 =	rddreg [dreg:$0x12]  }
0x51: {  	[spmem:s25] =	stream.linear.scatter [tilespmem:s6], [sflag:$0x7], $0x1400, $0x38;
	[tilespmem:$0x1E190] =	vst v63  }
0x52: {  	s26 =	rddreg [dreg:$0x13]  }
0x53: {  	[spmem:s26] =	stream.linear.scatter [tilespmem:s7], [sflag:$0x8], $0x500, $0x38;
	[tilespmem:$0x1E190] =	vst v63  }
0x54: {  	s28 =	rddreg [dreg:$0x14]  }
0x55: {  	[spmem:s28] =	stream.linear.scatter [tilespmem:s6], [sflag:$0x7], $0x1400, $0x38;
	[tilespmem:$0x1E190] =	vst v63  }
0x56: {  	s29 =	rddreg [dreg:$0x15]  }
0x57: {  	[spmem:s29] =	stream.linear.scatter [tilespmem:s7], [sflag:$0x8], $0x500, $0x38;
	[tilespmem:$0x1E190] =	vst v63  }
0x58: {  	s30 =	rddreg [dreg:$0x16]  }
0x59: {  	[spmem:s30] =	stream.linear.scatter [tilespmem:s6], [sflag:$0x7], $0x1400, $0x38;
	[tilespmem:$0x1E190] =	vst v63  }
0x5a: {  	s24 =	rddreg [dreg:$0x17]  }
0x5b: {  	[spmem:s24] =	stream.linear.scatter [tilespmem:s7], [sflag:$0x8], $0x500, $0x38;
	[tilespmem:$0x1E190] =	vst v63  }
0x5c: {  	s25 =	rddreg [dreg:$0x18]  }
0x5d: {  	[spmem:s25] =	stream.linear.scatter [tilespmem:s6], [sflag:$0x7], $0x1040, $0x38;
	[tilespmem:$0x1E190] =	vst v63  }
0x5e: {  	s26 =	rddreg [dreg:$0x19]  }
0x5f: {  	[spmem:s26] =	stream.linear.scatter [tilespmem:s7], [sflag:$0x8], $0x410, $0x38;
	[tilespmem:$0x1E190] =	vst v63  }
0x60: {  	_ =	swait.ge [sflag:s8], $0x4E20  }
0x61: {  	[sflag:s8] =	ssyncset.done $0x0  }
0x62: {  	[sflag:s8] =	ssyncadd.s32 $0xFFFFB1E0  }
0x63: {  	_ =	swait.ge [sflag:s9], $0x4E20  }
0x64: {  	[sflag:s9] =	ssyncset.done $0x0  }
0x65: {  	[sflag:s9] =	ssyncadd.s32 $0xFFFFB1E0  }
0x66: {  	_ =	swait.ge [sflag:s10], $0x1400  }
0x67: {  	[sflag:s10] =	ssyncset.done $0x0  }
0x68: {  	[sflag:s10] =	ssyncadd.s32 $0xFFFFEC00  }
0x69: {  	_ =	swait.ge [sflag:s11], $0x500  }
0x6a: {  	[sflag:s11] =	ssyncset.done $0x0  }
0x6b: {  	[sflag:s11] =	ssyncadd.s32 $0xFFFFFB00  }
0x6c: {  	_ =	swait.ge [sflag:s10], $0x1400  }
0x6d: {  	[sflag:s10] =	ssyncset.done $0x0  }
0x6e: {  	[sflag:s10] =	ssyncadd.s32 $0xFFFFEC00  }
0x6f: {  	_ =	swait.ge [sflag:s11], $0x500  }
0x70: {  	[sflag:s11] =	ssyncset.done $0x0  }
0x71: {  	[sflag:s11] =	ssyncadd.s32 $0xFFFFFB00  }
0x72: {  	_ =	swait.ge [sflag:s10], $0x1400  }
0x73: {  	[sflag:s10] =	ssyncset.done $0x0  }
0x74: {  	[sflag:s10] =	ssyncadd.s32 $0xFFFFEC00  }
0x75: {  	_ =	swait.ge [sflag:s11], $0x500  }
0x76: {  	[sflag:s11] =	ssyncset.done $0x0  }
0x77: {  	[sflag:s11] =	ssyncadd.s32 $0xFFFFFB00  }
0x78: {  	_ =	swait.ge [sflag:s10], $0x1400  }
0x79: {  	[sflag:s10] =	ssyncset.done $0x0  }
0x7a: {  	[sflag:s10] =	ssyncadd.s32 $0xFFFFEC00  }
0x7b: {  	_ =	swait.ge [sflag:s11], $0x500  }
0x7c: {  	[sflag:s11] =	ssyncset.done $0x0  }
0x7d: {  	[sflag:s11] =	ssyncadd.s32 $0xFFFFFB00  }
0x7e: {  	_ =	swait.ge [sflag:s10], $0x1400  }
0x7f: {  	[sflag:s10] =	ssyncset.done $0x0  }
0x80: {  	[sflag:s10] =	ssyncadd.s32 $0xFFFFEC00  }
0x81: {  	_ =	swait.ge [sflag:s11], $0x500  }
0x82: {  	[sflag:s11] =	ssyncset.done $0x0  }
0x83: {  	[sflag:s11] =	ssyncadd.s32 $0xFFFFFB00  }
0x84: {  	_ =	swait.ge [sflag:s10], $0x1400  }
0x85: {  	[sflag:s10] =	ssyncset.done $0x0  }
0x86: {  	[sflag:s10] =	ssyncadd.s32 $0xFFFFEC00  }
0x87: {  	_ =	swait.ge [sflag:s11], $0x500  }
0x88: {  	[sflag:s11] =	ssyncset.done $0x0  }
0x89: {  	[sflag:s11] =	ssyncadd.s32 $0xFFFFFB00  }
0x8a: {  	_ =	swait.ge [sflag:s10], $0x1400  }
0x8b: {  	[sflag:s10] =	ssyncset.done $0x0  }
0x8c: {  	[sflag:s10] =	ssyncadd.s32 $0xFFFFEC00  }
0x8d: {  	_ =	swait.ge [sflag:s11], $0x500  }
0x8e: {  	[sflag:s11] =	ssyncset.done $0x0  }
0x8f: {  	[sflag:s11] =	ssyncadd.s32 $0xFFFFFB00  }
0x90: {  	_ =	swait.ge [sflag:s10], $0x1040  }
0x91: {  	[sflag:s10] =	ssyncset.done $0x0  }
0x92: {  	[sflag:s10] =	ssyncadd.s32 $0xFFFFEFC0  }
0x93: {  	_ =	swait.ge [sflag:s11], $0x410  }
0x94: {  	[sflag:s11] =	ssyncset.done $0x0  }
0x95: {  	[sflag:s11] =	ssyncadd.s32 $0xFFFFFBF0  }
0x96: {  	s23 =	simm.s32 $0x0;
	[bflag:$0x0] =	sbarrier.arrive $0xFFFF  }
0x97: {  	[tilespmem:s6], [sflag:$0x1] =	stream.indirect.gather [hbm4b:s15+s12], $0x40, s23, s12, $0xb8;
	[tilespmem:$0x1E190] =	vst v63  }
0x98: {  	s28 =	simm.s32 $0xB040  }
0x99: {  	[tilespmem:s28], [sflag:$0x2] =	stream.indirect.gather [hbm4b:s15+s12], $0x40, s12, s12, $0xb8;
	[tilespmem:$0x1E190] =	vst v63  }
0x9a: {  	s29 =	simm.s32 $0xA0  }
0x9b: {  	[tilespmem:s13], [sflag:$0x3] =	stream.indirect.gather [hbm4b:s15+s12], $0x40, s29, s12, $0xb8;
	[tilespmem:$0x1E190] =	vst v63  }
0x9c: {  	s30 =	simm.s32 $0xF0;
	s25 =	simm.s32 $0xD840  }
0x9d: {  	[tilespmem:s25], [sflag:$0x4] =	stream.indirect.gather [hbm4b:s15+s12], $0x40, s30, s12, $0xb8;
	[tilespmem:$0x1E190] =	vst v63  }
0x9e: {  	s26 =	simm.s32 $0x140;
	s28 =	simm.s32 $0xEC40  }
0x9f: {  	[tilespmem:s28], [sflag:$0x5] =	stream.indirect.gather [hbm4b:s15+s12], $0x40, s26, s12, $0xb8;
	[tilespmem:$0x1E190] =	vst v63  }
0xa0: {  	s24 =	simm.s32 $0x0;
	s29 =	simm.s32 $0x190;
	s30 =	simm.s32 $0x10040  }
0xa1: {  	[tilespmem:s30], [sflag:$0x6] =	stream.indirect.gather [hbm4b:s15+s12], $0x40, s29, s12, $0xb8;
	[tilespmem:$0x1E190] =	vst v63  }
.LBB2_6:
0xa2: {  	_ =	swait.ge [sflag:s8], $0x1400;
	s25 =	sshra.s32 s23, $0x2  }
0xa3: {  	p2 =	sgt.u32 s24, $0x14;
	s28 =	simm.s32 $0x1;
	s29 =	simm.s32 $0x1  }
0xa4: {  	[sflag:s8] =	ssyncset.done $0x0;
	s28 =	simm.s32 @!p2 $0x0;
	s29 =	simm.s32 @!p0 $0x0  }
0xa5: {  	s26 =	sadd.s32 $0x4E20, s25;
	[sflag:s8] =	ssyncadd.s32 $0xFFFFEC00;
	p3 =	seq.s32 s29, s28  }
0xa6: {  	[spmem:s1] =	stream.indirect.scatter.add.f32 [tilespmem:s6], [sflag:$0x7], $0x40, s26, s12, $0xb8;
	[tilespmem:$0x1E190] =	vst v63  }
0xa7: {  	s28 =	simm.s32 @p3 $0x2  }
0xa8: {  	_ =	swait.ge @p3 [sflag:s28], $0x1400  }
0xa9: {  	[sflag:s28] =	ssyncset.done @p3 $0x0  }
0xaa: {  	[sflag:s28] =	ssyncadd.s32 @p3 $0xFFFFEC00;
	s28 =	sshra.s32 @p3 s23, $0x2  }
0xab: {  	s29 =	simm.s32 @p3 $0x50;
	s30 =	simm.s32 @p3 $0xB040;
	s28 =	sadd.s32 @p3 $0x4E70, s28  }
0xac: {  	[spmem:s1] =	stream.indirect.scatter.add.f32 @p3 [tilespmem:s30], [sflag:$0x8], $0x40, s28, s29, $0xb8;
	[tilespmem:$0x1E190] =	vst v63  }
0xad: {  	s28 =	simm.s32 @!p3 $0x50;
	s29 =	simm.s32 @!p3 $0x11440  }
0xae: {  	[spmem:s3] =	stream.indirect.scatter.add.f32 @!p3 [tilespmem:s29], [sflag:$0xD], $0x10, s26, s28, $0xb8;
	[tilespmem:$0x1E190] =	vst v63  }
0xaf: {  	s26 =	simm.s32 @!p3 $0x2  }
0xb0: {  	_ =	swait.ge @!p3 [sflag:s26], $0x1400  }
0xb1: {  	s30 =	sshra.s32 @!p3 s23, $0x2;
	[sflag:s26] =	ssyncset.done @!p3 $0x0  }
0xb2: {  	[sflag:s26] =	ssyncadd.s32 @!p3 $0xFFFFEC00;
	s26 =	sadd.s32 @!p3 $0x4E70, s30;
	s30 =	simm.s32 @!p3 $0xB040  }
0xb3: {  	[spmem:s1] =	stream.indirect.scatter.add.f32 @!p3 [tilespmem:s30], [sflag:$0x8], $0x40, s26, s28, $0xb8;
	[tilespmem:$0x1E190] =	vst v63  }
0xb4: {  	_ = 	snop  }
0xb5: {  	[spmem:s3] =	stream.indirect.scatter.add.f32 @!p3 [tilespmem:s29], [sflag:$0xD], $0x10, s26, s28, $0xb8;
	[tilespmem:$0x1E190] =	vst v63  }
0xb6: {  	p3 =	por !p2, !p2;
	_ =	swait.ge [sflag:s14], $0x1400  }
0xb7: {  	p3 =	por @!p0 p2, p2;
	[sflag:s14] =	ssyncset.done $0x0  }
0xb8: {  	s25 =	sadd.s32 $0x4EC0, s25;
	s26 =	simm.s32 @!p3 $0x4;
	[sflag:s14] =	ssyncadd.s32 $0xFFFFEC00  }
0xb9: {  	[spmem:s1] =	stream.indirect.scatter.add.f32 [tilespmem:s13], [sflag:$0x9], $0x40, s25, s12, $0xb8;
	[tilespmem:$0x1E190] =	vst v63  }
0xba: {  	_ =	swait.ge @!p3 [sflag:s26], $0x1400  }
0xbb: {  	[sflag:s26] =	ssyncset.done @!p3 $0x0  }
0xbc: {  	[sflag:s26] =	ssyncadd.s32 @!p3 $0xFFFFEC00;
	s26 =	sshra.s32 @!p3 s23, $0x2  }
0xbd: {  	s28 =	simm.s32 @!p3 $0x50;
	s29 =	simm.s32 @!p3 $0xD840;
	s26 =	sadd.s32 @!p3 $0x4F10, s26  }
0xbe: {  	[spmem:s1] =	stream.indirect.scatter.add.f32 @!p3 [tilespmem:s29], [sflag:$0xA], $0x40, s26, s28, $0xb8;
	[tilespmem:$0x1E190] =	vst v63  }
0xbf: {  	s26 =	simm.s32 @p3 $0x50;
	s28 =	simm.s32 @p3 $0x11440  }
0xc0: {  	[spmem:s3] =	stream.indirect.scatter.add.f32 @p3 [tilespmem:s28], [sflag:$0xD], $0x10, s25, s26, $0xb8;
	[tilespmem:$0x1E190] =	vst v63  }
0xc1: {  	s25 =	simm.s32 @p3 $0x4  }
0xc2: {  	_ =	swait.ge @p3 [sflag:s25], $0x1400  }
0xc3: {  	s29 =	sshra.s32 @p3 s23, $0x2;
	[sflag:s25] =	ssyncset.done @p3 $0x0  }
0xc4: {  	[sflag:s25] =	ssyncadd.s32 @p3 $0xFFFFEC00;
	s25 =	sadd.s32 @p3 $0x4F10, s29;
	s29 =	simm.s32 @p3 $0xD840  }
0xc5: {  	[spmem:s1] =	stream.indirect.scatter.add.f32 @p3 [tilespmem:s29], [sflag:$0xA], $0x40, s25, s26, $0xb8;
	[tilespmem:$0x1E190] =	vst v63  }
0xc6: {  	p2 =	seq.s32 s23, $0x13380  }
0xc7: {  	[spmem:s3] =	stream.indirect.scatter.add.f32 @p3 [tilespmem:s28], [sflag:$0xD], $0x10, s25, s26, $0xb8;
	[tilespmem:$0x1E190] =	vst v63  }
0xc8: {  	s25 =	simm.s32 @!p2 $0x5  }
0xc9: {  	_ =	swait.ge @!p2 [sflag:s25], $0x1400  }
0xca: {  	[sflag:s25] =	ssyncset.done @!p2 $0x0  }
0xcb: {  	s29 =	simm.s32 @!p2 $0xEC40;
	[sflag:s25] =	ssyncadd.s32 @!p2 $0xFFFFEC00;
	s25 =	sshra.s32 @!p2 s23, $0x2  }
0xcc: {  	s28 =	simm.s32 @!p2 $0x50;
	p3 =	por !p3, p2;
	s26 =	sadd.s32 @!p2 $0x4F60, s25  }
0xcd: {  	[spmem:s1] =	stream.indirect.scatter.add.f32 @!p2 [tilespmem:s29], [sflag:$0xB], $0x40, s26, s28, $0xb8;
	[tilespmem:$0x1E190] =	vst v63  }
0xce: {  	s30 =	simm.s32 @!p3 $0x11440;
	s29 =	simm.s32 @!p3 $0x50  }
0xcf: {  	[spmem:s3] =	stream.indirect.scatter.add.f32 @!p3 [tilespmem:s30], [sflag:$0xD], $0x10, s26, s29, $0xb8;
	[tilespmem:$0x1E190] =	vst v63  }
0xd0: {  	s26 =	simm.s32 @!p2 $0x6  }
0xd1: {  	p4 =	sgt.u32 @!p2 s24, $0x13;
	_ =	swait.ge @!p2 [sflag:s26], $0x1400  }
0xd2: {  	p4 =	por !p4, p2;
	s29 =	simm.s32 @!p2 $0x10040;
	[sflag:s26] =	ssyncset.done @!p2 $0x0  }
0xd3: {  	p3 =	seq.s32 @!p2 s5, $0x0;
	[sflag:s26] =	ssyncadd.s32 @!p2 $0xFFFFEC00;
	s26 =	sadd.s32 @!p2 $0x4FB0, s25  }
0xd4: {  	[spmem:s1] =	stream.indirect.scatter.add.f32 @!p2 [tilespmem:s29], [sflag:$0xC], $0x40, s26, s28, $0xb8;
	[tilespmem:$0x1E190] =	vst v63  }
0xd5: {  	s30 =	simm.s32 @!p2 $0x1;
	p3 =	por !p3, p2;
	s29 =	simm.s32 @!p2 $0x1  }
0xd6: {  	s30 =	simm.s32 @p4 $0x0;
	s29 =	simm.s32 @p3 $0x0  }
0xd7: {  	p3 =	seq.s32 @!p2 s29, s30  }
0xd8: {  	p3 =	por p3, p2  }
0xd9: {  	s29 =	simm.s32 @!p3 $0x50;
	s30 =	simm.s32 @!p3 $0x11440  }
0xda: {  	[spmem:s3] =	stream.indirect.scatter.add.f32 @!p3 [tilespmem:s30], [sflag:$0xD], $0x10, s26, s29, $0xb8;
	[tilespmem:$0x1E190] =	vst v63  }
0xdb: {  	s26 =	simm.s32 @!p2 $0x7  }
0xdc: {  	_ =	swait.ge @!p2 [sflag:s26], $0x1400  }
0xdd: {  	[sflag:s26] =	ssyncset.done @!p2 $0x0  }
0xde: {  	s29 =	simm.s32 @!p2 $0x9C40;
	[sflag:s26] =	ssyncadd.s32 @!p2 $0xFFFFEC00;
	s26 =	sadd.s32 @!p2 $0x1E0, s25  }
0xdf: {  	[tilespmem:s29], [sflag:$0x1] =	stream.indirect.gather @!p2 [hbm4b:s15+s28], $0x40, s26, s28, $0xb8;
	[tilespmem:$0x1E190] =	vst v63  }
0xe0: {  	s26 =	simm.s32 @!p2 $0x8  }
0xe1: {  	_ =	swait.ge @!p2 [sflag:s26], $0x1400  }
0xe2: {  	[sflag:s26] =	ssyncset.done @!p2 $0x0  }
0xe3: {  	s29 =	simm.s32 @!p2 $0xB040;
	[sflag:s26] =	ssyncadd.s32 @!p2 $0xFFFFEC00;
	s26 =	sadd.s32 @!p2 $0x230, s25  }
0xe4: {  	[tilespmem:s29], [sflag:$0x2] =	stream.indirect.gather @!p2 [hbm4b:s15+s28], $0x40, s26, s28, $0xb8;
	[tilespmem:$0x1E190] =	vst v63  }
0xe5: {  	s26 =	simm.s32 @!p2 $0x9  }
0xe6: {  	_ =	swait.ge @!p2 [sflag:s26], $0x1400  }
0xe7: {  	[sflag:s26] =	ssyncset.done @!p2 $0x0  }
0xe8: {  	s29 =	simm.s32 @!p2 $0xC440;
	[sflag:s26] =	ssyncadd.s32 @!p2 $0xFFFFEC00;
	s26 =	sadd.s32 @!p2 $0x280, s25  }
0xe9: {  	[tilespmem:s29], [sflag:$0x3] =	stream.indirect.gather @!p2 [hbm4b:s15+s28], $0x40, s26, s28, $0xb8;
	[tilespmem:$0x1E190] =	vst v63  }
0xea: {  	s26 =	simm.s32 @!p2 $0xA  }
0xeb: {  	p3 =	sgt.u32 @!p2 s24, $0x27;
	_ =	swait.ge @!p2 [sflag:s26], $0x1400  }
0xec: {  	p3 =	por p3, p2;
	[sflag:s26] =	ssyncset.done @!p2 $0x0  }
0xed: {  	s25 =	sadd.s32 @!p2 $0x2D0, s25;
	[sflag:s26] =	ssyncadd.s32 @!p2 $0xFFFFEC00;
	s26 =	simm.s32 @!p2 $0xD840  }
0xee: {  	[tilespmem:s26], [sflag:$0x4] =	stream.indirect.gather @!p2 [hbm4b:s15+s28], $0x40, s25, s28, $0xb8;
	[tilespmem:$0x1E190] =	vst v63  }
0xef: {  	s25 =	simm.s32 @!p3 $0xB  }
0xf0: {  	_ =	swait.ge @!p3 [sflag:s25], $0x1400  }
0xf1: {  	[sflag:s25] =	ssyncset.done @!p3 $0x0  }
0xf2: {  	[sflag:s25] =	ssyncadd.s32 @!p3 $0xFFFFEC00;
	s25 =	sshra.s32 @!p3 s23, $0x2  }
0xf3: {  	s29 =	simm.s32 @!p3 $0xEC40;
	s28 =	simm.s32 @!p3 $0x50;
	s26 =	sadd.s32 @!p3 $0x320, s25  }
0xf4: {  	[tilespmem:s29], [sflag:$0x5] =	stream.indirect.gather @!p3 [hbm4b:s15+s28], $0x40, s26, s28, $0xb8;
	[tilespmem:$0x1E190] =	vst v63  }
0xf5: {  	s26 =	simm.s32 @!p3 $0xC  }
0xf6: {  	_ =	swait.ge @!p3 [sflag:s26], $0x1400  }
0xf7: {  	s23 =	sadd.s32 @!p2 $0x780, s23;
	[sflag:s26] =	ssyncset.done @!p3 $0x0  }
0xf8: {  	s25 =	sadd.s32 @!p3 $0x370, s25;
	[sflag:s26] =	ssyncadd.s32 @!p3 $0xFFFFEC00;
	s26 =	simm.s32 @!p3 $0x10040  }
0xf9: {  	[tilespmem:s26], [sflag:$0x6] =	stream.indirect.gather @!p3 [hbm4b:s15+s28], $0x40, s25, s28, $0xb8;
	[tilespmem:$0x1E190] =	vst v63  }
0xfa: {  	p3 =	sne.s32 @!p2 s23, $0x13B00  }
0xfb: {  	p3 =	por p2, !p3  }
.Ltmp2:
0xfc: {  	_ = 	snop;
	(pc) =	sbr.rel @!p3 .LBB2_6-.Ltmp2, $2  }
0xfd: {  	_ =	sdelay $0x2  }
0xfe: {  	s24 =	sadd.s32 @!p2 $0x1, s24  }
0xff: {  	_ =	swait.ge [sflag:s10], $0x1400  }
0x100: {  	[sflag:s10] =	ssyncset.done $0x0  }
0x101: {  	[sflag:s10] =	ssyncadd.s32 $0xFFFFEC00  }
0x102: {  	_ =	swait.ge [sflag:s11], $0x1400  }
0x103: {  	[sflag:s11] =	ssyncset.done $0x0  }
0x104: {  	[sflag:s11] =	ssyncadd.s32 $0xFFFFEC00  }
0x105: {  	_ =	swait.ge [sflag:s16], $0x1400  }
0x106: {  	[sflag:s16] =	ssyncset.done $0x0  }
0x107: {  	[sflag:s16] =	ssyncadd.s32 $0xFFFFEC00  }
0x108: {  	_ =	swait.ge [sflag:s17], $0x1400  }
0x109: {  	[sflag:s17] =	ssyncset.done $0x0  }
0x10a: {  	[sflag:s17] =	ssyncadd.s32 $0xFFFFEC00  }
0x10b: {  	_ =	swait.ge [sflag:s18], $0x1400  }
0x10c: {  	[sflag:s18] =	ssyncset.done $0x0  }
0x10d: {  	[sflag:s18] =	ssyncadd.s32 $0xFFFFEC00  }
0x10e: {  	_ =	swait.ge [sflag:s19], $0x1400  }
0x10f: {  	[sflag:s19] =	ssyncset.done $0x0  }
0x110: {  	[sflag:s19] =	ssyncadd.s32 $0xFFFFEC00  }
0x111: {  	_ =	swait.ge [sflag:s20], $0x500  }
0x112: {  	s23 =	simm.s32 $0x7C;
	[sflag:s20] =	ssyncset.done $0x0  }
.LBB2_8:
0x113: {  	p2 =	sne.s32 s23, $0x1;
	s23 =	sadd.s32 $0xFFFFFFFF, s23;
	[sflag:s20] =	ssyncadd.s32 $0xFFFFFB00  }
.Ltmp3:
0x114: {  	(pc) =	sbr.rel @p2 .LBB2_8-.Ltmp3, $3  }
0x115: {  	_ =	sdelay $0x1  }
0x116: {  	_ =	swait.ge [sflag:s20], $0x500  }
0x117: {  	[sflag:s20] =	ssyncset.done $0x0  }
0x118: {  	[sflag:s20] =	ssyncadd.s32 $0xFFFFFB00;
	s23 =	stileid.u32  }
0x119: {  	s23 =	sshll.u32 s23, $0x6;
	[bflag:$0x0] =	sbarrier.arrive $0xFFFF  }
0x11a: {  	s25 =	simm.s32 $0x10;
	s23 =	sor.u32 $0x1C0E, s23;
	s24 =	rddreg [dreg:$0xf]  }
0x11b: {  	[hbm:s24@s25], [sflag:s23] =	dma.strided [spmem:s31@s11], $0x1380, s8, $0x8   }
0x11c: {  	_ =	swait.ge [sflag:s21], $0x1380  }
0x11d: {  	[sflag:s21] =	ssyncset.done $0x0  }
0x11e: {  	s29 =	rddreg [dreg:$0x10];
	[sflag:s21] =	ssyncadd.s32 $0xFFFFEC80  }
0x11f: {  	[hbm:s29], [sflag:s23] =	dma.local [spmem:s0], $0x4E0  }
0x120: {  	_ =	swait.ge [sflag:s21], $0x4E0  }
0x121: {  	s26 =	simm.s32 @!p1 $0x8;
	s24 =	simm.s32 @!p1 $0x1;
	[sflag:s21] =	ssyncset.done $0x0  }
0x122: {  	s25 =	simm.s32 @!p1 $0x10;
	s28 =	rddreg [dreg:$0x1a];
	[sflag:s21] =	ssyncadd.s32 $0xFFFFFB20  }
0x123: {  	[hbm:s28@s25], [sflag:s23] =	dma.strided @!p1 [spmem:s2@s26], $0x80, s24, $0x8   }
0x124: {  	s24 =	simm.s32 @!p1 $0xE  }
0x125: {  	_ =	swait.ge @!p1 [sflag:s24], $0x80  }
0x126: {  	[sflag:s24] =	ssyncset.done @!p1 $0x0  }
0x127: {  	s25 =	rddreg [dreg:$0x1b];
	[sflag:s24] =	ssyncadd.s32 @!p1 $0xFFFFFF80  }
0x128: {  	[hbm:s25], [sflag:s23] =	dma.local @!p1 [spmem:s4], $0x20  }
0x129: {  	_ =	swait.ge @!p1 [sflag:s24], $0x20  }
0x12a: {  	s22 =	sadd.s32 $0x1, s22;
	s30 =	rddreg [dreg:$0x1c]  }
0x12b: {  	p2 =	sne.s32 s22, s30  }
.Ltmp4:
0x12c: {  	_ = 	snop;
	(pc) =	sbr.rel @p2 .LBB2_1-.Ltmp4, $3  }
0x12d: {  	_ =	sdelay $0x1  }
0x12e: {  	[sflag:s24] =	ssyncset.done @!p1 $0x0  }
0x12f: {  	[sflag:s24] =	ssyncadd.s32 @!p1 $0xFFFFFFE0  }
0x130: {  	_ =	sfence.sel $0x180000  }
0x131: {  	[bflag:$0x0] =	sbarrier.arrive $0xFFFF  }
0x132: {  	_ =	strace $0x90000047  }
0x133: {  	s0 =	stileid.u32;
	[bflag:$0x2] =	sbarrier.arrive $0xFFFF  }
0x134: {  	p0 =	sne.s32 s0, $0x0;
	s0 =	rddreg [dreg:$0x5]  }
0x135: {  	s0 =	sadd.s32 @!p0 $0x100000, s0  }
0x136: {  	[sflag:s0] =	ssyncadd.tile.s32 @!p0 $0x1;
	_ =	shalt  }
.Lfunc_end2:
_tile_overlayer_lowered:
.L_overlay_start_2:
0x137: {  	(tag) =	ssettag $0x2  }
0x138: {  	s0 =	rddreg [dreg:$0x0];
	s2 =	stileid.u32  }
0x139: {  	s1 =	rddreg [dreg:$0x1];
	p0 =	sne.s32 s2, $0x0  }
0x13a: {  	s3 =	rddreg [dreg:$0x2];
	[bflag:$0x3] =	sbarrier.arrive $0xFFFF;
	s2 =	simm.s32 @!p0 $0x1C0E  }
0x13b: {  	[timem:s3], [sflag:s2] =	dma.local @!p0 [hbm:s0], s1  }
0x13c: {  	s0 =	simm.s32 @!p0 $0xE  }
0x13d: {  	_ =	swait.ge @!p0 [sflag:s0], s1  }
0x13e: {  	s1 =	ssub.s32 @!p0 $0x0, s1;
	[sflag:s0] =	ssyncset.done @!p0 $0x0  }
0x13f: {  	[sflag:s0] =	ssyncadd.s32 @!p0 s1  }
0x140: {  	[bflag:$0x3] =	sbarrier.arrive $0xFFFF  }
0x141: {  	_ =	shalt  }

</sc_bundles>
